<compile_context>
chip_gen: v7x
topology: tpu7x:2x2x1
jax: 0.10.2.dev20260603
libtpu: 0.0.44.dev20260713+nightly
codegen_flags: <defaults>
</compile_context>

<pallas_src>
import functools

import jax
import jax.numpy as jnp
from jax import lax
from jax.experimental import pallas as pl
from jax.experimental.pallas import tpu as pltpu
from jax.experimental.pallas import tpu_sc as plsc

C0_END = 20000
C1_END = 200000
D_PROJ = 128
SCALE = float(D_PROJ) ** 0.5

T = 4096 * 50
NW = 32
TW = T // NW
CHUNK = 128
NCHUNK = TW // CHUNK
TOK_TILE = 800

_ZV = None


def _sc_gather_body(inp_hbm, w0_hbm, emb1_hbm, emb2_hbm, g_hbm, h_hbm,
                    tok_v, idx0_v, idx1_v, idx2_v,
                    rows0_v, rows1_v, rows2_v, g_v, h_v,
                    sem0, sem1, sem2):
    wid = lax.axis_index("s") * 2 + lax.axis_index("c")
    base = wid * TW
    IOTA16 = lax.iota(jnp.int32, 16)
    ZERO16 = jnp.zeros((16,), jnp.float32)

    def chunk_body(k, carry):
        off = base + k * CHUNK
        pltpu.sync_copy(inp_hbm.at[pl.ds(off, CHUNK)], tok_v)
        for g in range(CHUNK // 16):
            sl = pl.ds(g * 16, 16)
            t = tok_v[sl]
            m0 = t < C0_END
            m1 = (t >= C0_END) & (t < C1_END)
            m2 = t >= C1_END
            idx0_v[sl] = jnp.where(m0, t, -1)
            idx1_v[sl] = jnp.where(m1, t - C0_END, -1)
            idx2_v[sl] = jnp.where(m2, t - C1_END, -1)
        cp0 = pltpu.async_copy(
            w0_hbm.at[plsc.Indices(idx0_v, ignored_value=-1)], rows0_v, sem0)
        cp1 = pltpu.async_copy(
            emb1_hbm.at[plsc.Indices(idx1_v, ignored_value=-1)], rows1_v, sem1)
        cp2 = pltpu.async_copy(
            emb2_hbm.at[plsc.Indices(idx2_v, ignored_value=-1)],
            rows2_v.at[pl.ds(0, CHUNK)], sem2)

        def zero_body(r, carry2):
            for q in range(8):
                g_v[r, pl.ds(16 * q, 16)] = ZERO16
            for q in range(3):
                h_v[r, pl.ds(16 * q, 16)] = ZERO16
            return carry2

        lax.fori_loop(0, CHUNK, zero_body, 0)
        cp0.wait()
        cp1.wait()
        cp2.wait()

        def grp_body(gi, carry2):
            tvec = tok_v[pl.ds(16 * gi, 16)]
            for j in range(16):
                tk = tvec[j]
                t = 16 * gi + j

                @pl.when(tk < C0_END)
                def _():
                    for q in range(8):
                        g_v[t, pl.ds(16 * q, 16)] = rows0_v[t, pl.ds(16 * q, 16)]

                @pl.when((tk >= C0_END) & (tk < C1_END))
                def _():
                    for h in range(2):
                        h_v[t, pl.ds(16 * h, 16)] = rows1_v[t, pl.ds(16 * h, 16)]

                @pl.when(tk >= C1_END)
                def _():
                    rowv = t + (IOTA16 >> 3)
                    colv = IOTA16 & 7
                    pair = plsc.load_gather(rows2_v, [rowv, colv])
                    h_v[t, pl.ds(32, 16)] = jnp.where(IOTA16 < 8, pair, 0.0)

            return carry2

        lax.fori_loop(0, CHUNK // 16, grp_body, 0)
        pltpu.sync_copy(g_v, g_hbm.at[pl.ds(off, CHUNK)])
        pltpu.sync_copy(h_v, h_hbm.at[pl.ds(off, CHUNK), pl.ds(0, 48)])
        return carry

    lax.fori_loop(0, NCHUNK, chunk_body, 0)


@functools.lru_cache(maxsize=1)
def _sc_gather():
    return pl.kernel(
        _sc_gather_body,
        mesh=plsc.VectorSubcoreMesh(core_axis_name="c", subcore_axis_name="s"),
        out_type=(jax.ShapeDtypeStruct((T, 128), jnp.float32),
                  jax.ShapeDtypeStruct((T, 128), jnp.float32)),
        scratch_types=[
            pltpu.VMEM((CHUNK,), jnp.int32),
            pltpu.VMEM((CHUNK,), jnp.int32),
            pltpu.VMEM((CHUNK,), jnp.int32),
            pltpu.VMEM((CHUNK,), jnp.int32),
            pltpu.VMEM((CHUNK, 128), jnp.float32),
            pltpu.VMEM((CHUNK, 32), jnp.float32),
            pltpu.VMEM((CHUNK + 2, 8), jnp.float32),
            pltpu.VMEM((CHUNK, 128), jnp.float32),
            pltpu.VMEM((CHUNK, 48), jnp.float32),
            pltpu.SemaphoreType.DMA,
            pltpu.SemaphoreType.DMA,
            pltpu.SemaphoreType.DMA,
        ],
        compiler_params=pltpu.CompilerParams(
            use_tc_tiling_on_sc=False, needs_layout_passes=False),
    )


def _w0_body(e_ref, p_ref, o_ref):
    o_ref[...] = lax.dot_general(
        e_ref[...], p_ref[...], (((1,), (1,)), ((), ())),
        preferred_element_type=jnp.float32)


def _w0(emb0, proj0):
    return pl.pallas_call(
        _w0_body,
        grid=(10,),
        in_specs=[
            pl.BlockSpec((2000, 128), lambda i: (i, 0)),
            pl.BlockSpec((128, 128), lambda i: (0, 0)),
        ],
        out_specs=pl.BlockSpec((2000, 128), lambda i: (i, 0)),
        out_shape=jax.ShapeDtypeStruct((20000, 128), jnp.float32),
    )(emb0, proj0)


def _tc_project_body(g_ref, h_ref, q_ref, o_ref):
    y = g_ref[...] + lax.dot_general(
        h_ref[:, :48], q_ref[...], (((1,), (0,)), ((), ())),
        preferred_element_type=jnp.float32)
    y = y * SCALE
    o_ref[...] = y.reshape(o_ref.shape)


def _tc_project(g, h, q):
    rows = 4096 // (T // TOK_TILE)
    return pl.pallas_call(
        _tc_project_body,
        grid=(T // TOK_TILE,),
        in_specs=[
            pl.BlockSpec((TOK_TILE, 128), lambda i: (i, 0)),
            pl.BlockSpec((TOK_TILE, 128), lambda i: (i, 0)),
            pl.BlockSpec((48, 128), lambda i: (0, 0)),
        ],
        out_specs=pl.BlockSpec((rows, 50, 128), lambda i: (i, 0, 0)),
        out_shape=jax.ShapeDtypeStruct((4096, 50, 128), jnp.float32),
    )(g, h, q)


def kernel(inp, emb0, emb1, emb2, proj0, proj1, proj2):
    inp_flat = inp.reshape(-1)
    w0 = _w0(emb0, proj0)
    g, h = _sc_gather()(inp_flat, w0, emb1, emb2)
    q = jnp.zeros((48, 128), jnp.float32)
    q = q.at[0:32, :].set(proj1.T).at[32:40, :].set(proj2.T)
    return _tc_project(g, h, q)

# --- scband reference (transcript-rebuilt; emitter-appended) ---
"""Pipeline reference for scband-adaptive-embedding-412316860560 (READ-ONLY COPY).

The authoritative reference and input builder live on the scoring server;
editing this copy changes nothing except your own understanding.
"""

import jax, jax.numpy as jnp
import numpy as np

CUTOFF_ENDS = [0, 20000, 200000, 1000000]
D_PROJ = 128
D_EMBED = 128
DIV_VAL = 4
EMB_SCALE = D_PROJ ** 0.5


def setup_inputs(seed: int = 0) -> dict:
    key = jax.random.key(seed)
    ks = jax.random.split(key, 8)
    inp = jax.random.randint(ks[0], (4096, 50), 0, 1000000, dtype=jnp.int32)
    # adaptive embedding tables: cluster i has d_emb_i = d_embed // div_val**i
    emb0 = jax.random.normal(ks[1], (20000, 128), dtype=jnp.float32) * 0.02
    emb1 = jax.random.normal(ks[2], (180000, 32), dtype=jnp.float32) * 0.02
    emb2 = jax.random.normal(ks[3], (800000, 8), dtype=jnp.float32) * 0.02
    proj0 = jax.random.normal(ks[4], (D_PROJ, 128), dtype=jnp.float32) * 0.02
    proj1 = jax.random.normal(ks[5], (D_PROJ, 32), dtype=jnp.float32) * 0.02
    proj2 = jax.random.normal(ks[6], (D_PROJ, 8), dtype=jnp.float32) * 0.02
    return {"inp": inp, "emb0": emb0, "emb1": emb1, "emb2": emb2,
            "proj0": proj0, "proj1": proj1, "proj2": proj2}


def reference(inp, emb0, emb1, emb2, proj0, proj1, proj2):
    tables = [emb0, emb1, emb2]
    projs = [proj0, proj1, proj2]
    inp_flat = inp.reshape(-1)
    emb_flat = jnp.zeros((inp_flat.shape[0], D_PROJ), dtype=emb0.dtype)
    for i in range(len(tables)):
        l_idx, r_idx = CUTOFF_ENDS[i], CUTOFF_ENDS[i + 1]
        mask_i = (inp_flat >= l_idx) & (inp_flat < r_idx)
        # clip keeps gather in-range; contribution is masked out-of-cluster,
        # equivalent to index_select/index_copy over disjoint masks
        idx_i = jnp.clip(inp_flat - l_idx, 0, r_idx - l_idx - 1)
        emb_i = jnp.take(tables[i], idx_i, axis=0)
        emb_i = emb_i @ projs[i].T  # F.linear(emb_i, proj_i)
        emb_flat = emb_flat + jnp.where(mask_i[:, None], emb_i, 0.0)
    embed = emb_flat.reshape(inp.shape + (D_PROJ,))
    embed = embed * EMB_SCALE
    return embed

if __name__ == "__main__":
    import jax
    _d = setup_inputs()
    print(jax.jit(kernel)(*tuple(_d.values())))

</pallas_src>

<mosaic_0001>
#map = affine_map<(d0, d1) -> (0)>
#map1 = affine_map<(d0, d1) -> (0, 0)>
module attributes {stable_mosaic.version = 14 : i64} {
  func.func @_sc_gather_body(%arg0: i32, %arg1: i32, %arg2: memref<204800xi32, #tpu.memory_space<hbm>>, %arg3: memref<20000x128xf32, #tpu.memory_space<hbm>>, %arg4: memref<180000x32xf32, #tpu.memory_space<hbm>>, %arg5: memref<800000x8xf32, #tpu.memory_space<hbm>>, %arg6: memref<204800x128xf32, #tpu.memory_space<hbm>>, %arg7: memref<204800x128xf32, #tpu.memory_space<hbm>>, %arg8: memref<128xi32, #tpu.memory_space<vmem>>, %arg9: memref<128xi32, #tpu.memory_space<vmem>>, %arg10: memref<128xi32, #tpu.memory_space<vmem>>, %arg11: memref<128xi32, #tpu.memory_space<vmem>>, %arg12: memref<128x128xf32, #tpu.memory_space<vmem>>, %arg13: memref<128x32xf32, #tpu.memory_space<vmem>>, %arg14: memref<130x8xf32, #tpu.memory_space<vmem>>, %arg15: memref<128x128xf32, #tpu.memory_space<vmem>>, %arg16: memref<128x48xf32, #tpu.memory_space<vmem>>, %arg17: memref<!tpu.dma_semaphore, #tpu.memory_space<semaphore_mem>>, %arg18: memref<!tpu.dma_semaphore, #tpu.memory_space<semaphore_mem>>, %arg19: memref<!tpu.dma_semaphore, #tpu.memory_space<semaphore_mem>>) attributes {dimension_semantics = [#tpu.dimension_semantics<core_parallel>, #tpu.dimension_semantics<subcore_parallel>], iteration_bounds = array<i64: 2, 16>, scalar_prefetch = 0 : i64, scratch_operands = 12 : i64, tpu.core_type = #tpu.core_type<sc_vector_subcore>, window_params = [{transform_indices = #map}, {transform_indices = #map1}, {transform_indices = #map1}, {transform_indices = #map1}, {transform_indices = #map1}, {transform_indices = #map1}]} {
    %mul3A = arith.constant 2 : i32
    %mul3A_0 = arith.muli %arg1, %mul3A : i32
    %add3A = arith.addi %mul3A_0, %arg0 : i32
    %mul3A_1 = arith.constant 6400 : i32
    %mul3A_2 = arith.muli %add3A, %mul3A_1 : i32
    %iota3A = tpu.iota {dimensions = array<i32: 0>} : vector<16xi32>
    %broadcast_in_dim3A = arith.constant 0.000000e+00 : f32
    %broadcast_in_dim3A_3 = vector.broadcast %broadcast_in_dim3A : f32 to vector<16xf32>
    %scan3A = arith.constant 0 : i32
    %scan3A_4 = arith.constant 0 : i32
    %scan3A_5 = arith.constant 50 : i32
    %scan3A_6 = arith.addi %scan3A_4, %scan3A_5 : i32
    %scan3A_7 = arith.constant 1 : i32
    scf.for %scan3A_9 = %scan3A_4 to %scan3A_6 step %scan3A_7  : i32 {
      %mul3A_10 = arith.constant 128 : i32
      %mul3A_11 = arith.muli %scan3A_9, %mul3A_10 : i32
      %add3A_12 = arith.addi %mul3A_2, %mul3A_11 : i32
      "tpu.region"() ({
        %run_scoped3A = tpu.sem_alloc : memref<!tpu.dma_semaphore, #tpu.memory_space<semaphore_mem>>
        %dma_start3A_330 = tpu.memref_slice %arg2[%add3A_12] : memref<204800xi32, #tpu.memory_space<hbm>> -> memref<128xi32, #tpu.memory_space<hbm>>
        %dma_start3A_331 = tpu.memref_slice %arg2[%add3A_12] : memref<204800xi32, #tpu.memory_space<hbm>> -> memref<128xi32, #tpu.memory_space<hbm>>
        tpu.enqueue_dma source(%dma_start3A_331 : memref<128xi32, #tpu.memory_space<hbm>>) target(%arg8 : memref<128xi32, #tpu.memory_space<vmem>>) target_semaphore(%run_scoped3A : memref<!tpu.dma_semaphore, #tpu.memory_space<semaphore_mem>>)
        %dma_wait3A_332 = tpu.memref_slice %arg2[%add3A_12] : memref<204800xi32, #tpu.memory_space<hbm>> -> memref<128xi32, #tpu.memory_space<hbm>>
        %dma_wait3A_333 = tpu.memref_slice %arg2[%add3A_12] : memref<204800xi32, #tpu.memory_space<hbm>> -> memref<128xi32, #tpu.memory_space<hbm>>
        tpu.wait_dma2 semaphore(%run_scoped3A : memref<!tpu.dma_semaphore, #tpu.memory_space<semaphore_mem>>) src(%dma_wait3A_333 : memref<128xi32, #tpu.memory_space<hbm>>) dst(%arg8 : memref<128xi32, #tpu.memory_space<vmem>>)
        tpu.yield
      }) : () -> ()
      %get3A = arith.constant 0 : index
      %get3A_13 = tpu.vector_load %arg8[%get3A] {strides = array<i32>} : memref<128xi32, #tpu.memory_space<vmem>>, vector<16xi32>,
      %lt3A = arith.constant 20000 : i32
      %lt3A_14 = vector.broadcast %lt3A : i32 to vector<16xi32>
      %lt3A_15 = arith.cmpi slt, %get3A_13, %lt3A_14 : vector<16xi32>
      %ge3A = arith.constant 20000 : i32
      %ge3A_16 = vector.broadcast %ge3A : i32 to vector<16xi32>
      %ge3A_17 = arith.cmpi sge, %get3A_13, %ge3A_16 : vector<16xi32>
      %lt3A_18 = arith.constant 200000 : i32
      %lt3A_19 = vector.broadcast %lt3A_18 : i32 to vector<16xi32>
      %lt3A_20 = arith.cmpi slt, %get3A_13, %lt3A_19 : vector<16xi32>
      %and3A = arith.andi %ge3A_17, %lt3A_20 : vector<16xi1>
      %ge3A_21 = arith.constant 200000 : i32
      %ge3A_22 = vector.broadcast %ge3A_21 : i32 to vector<16xi32>
      %ge3A_23 = arith.cmpi sge, %get3A_13, %ge3A_22 : vector<16xi32>
      %jit3A = arith.constant -1 : i32
      %broadcast_in_dim3A_24 = vector.broadcast %jit3A : i32 to vector<16xi32>
      %select_n3A = arith.select %lt3A_15, %get3A_13, %broadcast_in_dim3A_24 : vector<16xi1>, vector<16xi32>
      %swap3A = arith.constant 0 : index
      %swap3A_25 = tpu.vector_load %arg9[%swap3A] {strides = array<i32>} : memref<128xi32, #tpu.memory_space<vmem>>, vector<16xi32>,
      tpu.vector_store %arg9[%swap3A], %select_n3A {strides = array<i32>} : memref<128xi32, #tpu.memory_space<vmem>>, vector<16xi32>,
      %sub3A = arith.constant 20000 : i32
      %sub3A_26 = vector.broadcast %sub3A : i32 to vector<16xi32>
      %sub3A_27 = arith.subi %get3A_13, %sub3A_26 : vector<16xi32>
      %jit3A_28 = arith.constant -1 : i32
      %broadcast_in_dim3A_29 = vector.broadcast %jit3A_28 : i32 to vector<16xi32>
      %select_n3A_30 = arith.select %and3A, %sub3A_27, %broadcast_in_dim3A_29 : vector<16xi1>, vector<16xi32>
      %swap3A_31 = arith.constant 0 : index
      %swap3A_32 = tpu.vector_load %arg10[%swap3A_31] {strides = array<i32>} : memref<128xi32, #tpu.memory_space<vmem>>, vector<16xi32>,
      tpu.vector_store %arg10[%swap3A_31], %select_n3A_30 {strides = array<i32>} : memref<128xi32, #tpu.memory_space<vmem>>, vector<16xi32>,
      %sub3A_33 = arith.constant 200000 : i32
      %sub3A_34 = vector.broadcast %sub3A_33 : i32 to vector<16xi32>
      %sub3A_35 = arith.subi %get3A_13, %sub3A_34 : vector<16xi32>
      %jit3A_36 = arith.constant -1 : i32
      %broadcast_in_dim3A_37 = vector.broadcast %jit3A_36 : i32 to vector<16xi32>
      %select_n3A_38 = arith.select %ge3A_23, %sub3A_35, %broadcast_in_dim3A_37 : vector<16xi1>, vector<16xi32>
      %swap3A_39 = arith.constant 0 : index
      %swap3A_40 = tpu.vector_load %arg11[%swap3A_39] {strides = array<i32>} : memref<128xi32, #tpu.memory_space<vmem>>, vector<16xi32>,
      tpu.vector_store %arg11[%swap3A_39], %select_n3A_38 {strides = array<i32>} : memref<128xi32, #tpu.memory_space<vmem>>, vector<16xi32>,
      %get3A_41 = arith.constant 16 : index
      %get3A_42 = tpu.vector_load %arg8[%get3A_41] {strides = array<i32>} : memref<128xi32, #tpu.memory_space<vmem>>, vector<16xi32>,
      %lt3A_43 = arith.constant 20000 : i32
      %lt3A_44 = vector.broadcast %lt3A_43 : i32 to vector<16xi32>
      %lt3A_45 = arith.cmpi slt, %get3A_42, %lt3A_44 : vector<16xi32>
      %ge3A_46 = arith.constant 20000 : i32
      %ge3A_47 = vector.broadcast %ge3A_46 : i32 to vector<16xi32>
      %ge3A_48 = arith.cmpi sge, %get3A_42, %ge3A_47 : vector<16xi32>
      %lt3A_49 = arith.constant 200000 : i32
      %lt3A_50 = vector.broadcast %lt3A_49 : i32 to vector<16xi32>
      %lt3A_51 = arith.cmpi slt, %get3A_42, %lt3A_50 : vector<16xi32>
      %and3A_52 = arith.andi %ge3A_48, %lt3A_51 : vector<16xi1>
      %ge3A_53 = arith.constant 200000 : i32
      %ge3A_54 = vector.broadcast %ge3A_53 : i32 to vector<16xi32>
      %ge3A_55 = arith.cmpi sge, %get3A_42, %ge3A_54 : vector<16xi32>
      %jit3A_56 = arith.constant -1 : i32
      %broadcast_in_dim3A_57 = vector.broadcast %jit3A_56 : i32 to vector<16xi32>
      %select_n3A_58 = arith.select %lt3A_45, %get3A_42, %broadcast_in_dim3A_57 : vector<16xi1>, vector<16xi32>
      %swap3A_59 = arith.constant 16 : index
      %swap3A_60 = tpu.vector_load %arg9[%swap3A_59] {strides = array<i32>} : memref<128xi32, #tpu.memory_space<vmem>>, vector<16xi32>,
      tpu.vector_store %arg9[%swap3A_59], %select_n3A_58 {strides = array<i32>} : memref<128xi32, #tpu.memory_space<vmem>>, vector<16xi32>,
      %sub3A_61 = arith.constant 20000 : i32
      %sub3A_62 = vector.broadcast %sub3A_61 : i32 to vector<16xi32>
      %sub3A_63 = arith.subi %get3A_42, %sub3A_62 : vector<16xi32>
      %jit3A_64 = arith.constant -1 : i32
      %broadcast_in_dim3A_65 = vector.broadcast %jit3A_64 : i32 to vector<16xi32>
      %select_n3A_66 = arith.select %and3A_52, %sub3A_63, %broadcast_in_dim3A_65 : vector<16xi1>, vector<16xi32>
      %swap3A_67 = arith.constant 16 : index
      %swap3A_68 = tpu.vector_load %arg10[%swap3A_67] {strides = array<i32>} : memref<128xi32, #tpu.memory_space<vmem>>, vector<16xi32>,
      tpu.vector_store %arg10[%swap3A_67], %select_n3A_66 {strides = array<i32>} : memref<128xi32, #tpu.memory_space<vmem>>, vector<16xi32>,
      %sub3A_69 = arith.constant 200000 : i32
      %sub3A_70 = vector.broadcast %sub3A_69 : i32 to vector<16xi32>
      %sub3A_71 = arith.subi %get3A_42, %sub3A_70 : vector<16xi32>
      %jit3A_72 = arith.constant -1 : i32
      %broadcast_in_dim3A_73 = vector.broadcast %jit3A_72 : i32 to vector<16xi32>
      %select_n3A_74 = arith.select %ge3A_55, %sub3A_71, %broadcast_in_dim3A_73 : vector<16xi1>, vector<16xi32>
      %swap3A_75 = arith.constant 16 : index
      %swap3A_76 = tpu.vector_load %arg11[%swap3A_75] {strides = array<i32>} : memref<128xi32, #tpu.memory_space<vmem>>, vector<16xi32>,
      tpu.vector_store %arg11[%swap3A_75], %select_n3A_74 {strides = array<i32>} : memref<128xi32, #tpu.memory_space<vmem>>, vector<16xi32>,
      %get3A_77 = arith.constant 32 : index
      %get3A_78 = tpu.vector_load %arg8[%get3A_77] {strides = array<i32>} : memref<128xi32, #tpu.memory_space<vmem>>, vector<16xi32>,
      %lt3A_79 = arith.constant 20000 : i32
      %lt3A_80 = vector.broadcast %lt3A_79 : i32 to vector<16xi32>
      %lt3A_81 = arith.cmpi slt, %get3A_78, %lt3A_80 : vector<16xi32>
      %ge3A_82 = arith.constant 20000 : i32
      %ge3A_83 = vector.broadcast %ge3A_82 : i32 to vector<16xi32>
      %ge3A_84 = arith.cmpi sge, %get3A_78, %ge3A_83 : vector<16xi32>
      %lt3A_85 = arith.constant 200000 : i32
      %lt3A_86 = vector.broadcast %lt3A_85 : i32 to vector<16xi32>
      %lt3A_87 = arith.cmpi slt, %get3A_78, %lt3A_86 : vector<16xi32>
      %and3A_88 = arith.andi %ge3A_84, %lt3A_87 : vector<16xi1>
      %ge3A_89 = arith.constant 200000 : i32
      %ge3A_90 = vector.broadcast %ge3A_89 : i32 to vector<16xi32>
      %ge3A_91 = arith.cmpi sge, %get3A_78, %ge3A_90 : vector<16xi32>
      %jit3A_92 = arith.constant -1 : i32
      %broadcast_in_dim3A_93 = vector.broadcast %jit3A_92 : i32 to vector<16xi32>
      %select_n3A_94 = arith.select %lt3A_81, %get3A_78, %broadcast_in_dim3A_93 : vector<16xi1>, vector<16xi32>
      %swap3A_95 = arith.constant 32 : index
      %swap3A_96 = tpu.vector_load %arg9[%swap3A_95] {strides = array<i32>} : memref<128xi32, #tpu.memory_space<vmem>>, vector<16xi32>,
      tpu.vector_store %arg9[%swap3A_95], %select_n3A_94 {strides = array<i32>} : memref<128xi32, #tpu.memory_space<vmem>>, vector<16xi32>,
      %sub3A_97 = arith.constant 20000 : i32
      %sub3A_98 = vector.broadcast %sub3A_97 : i32 to vector<16xi32>
      %sub3A_99 = arith.subi %get3A_78, %sub3A_98 : vector<16xi32>
      %jit3A_100 = arith.constant -1 : i32
      %broadcast_in_dim3A_101 = vector.broadcast %jit3A_100 : i32 to vector<16xi32>
      %select_n3A_102 = arith.select %and3A_88, %sub3A_99, %broadcast_in_dim3A_101 : vector<16xi1>, vector<16xi32>
      %swap3A_103 = arith.constant 32 : index
      %swap3A_104 = tpu.vector_load %arg10[%swap3A_103] {strides = array<i32>} : memref<128xi32, #tpu.memory_space<vmem>>, vector<16xi32>,
      tpu.vector_store %arg10[%swap3A_103], %select_n3A_102 {strides = array<i32>} : memref<128xi32, #tpu.memory_space<vmem>>, vector<16xi32>,
      %sub3A_105 = arith.constant 200000 : i32
      %sub3A_106 = vector.broadcast %sub3A_105 : i32 to vector<16xi32>
      %sub3A_107 = arith.subi %get3A_78, %sub3A_106 : vector<16xi32>
      %jit3A_108 = arith.constant -1 : i32
      %broadcast_in_dim3A_109 = vector.broadcast %jit3A_108 : i32 to vector<16xi32>
      %select_n3A_110 = arith.select %ge3A_91, %sub3A_107, %broadcast_in_dim3A_109 : vector<16xi1>, vector<16xi32>
      %swap3A_111 = arith.constant 32 : index
      %swap3A_112 = tpu.vector_load %arg11[%swap3A_111] {strides = array<i32>} : memref<128xi32, #tpu.memory_space<vmem>>, vector<16xi32>,
      tpu.vector_store %arg11[%swap3A_111], %select_n3A_110 {strides = array<i32>} : memref<128xi32, #tpu.memory_space<vmem>>, vector<16xi32>,
      %get3A_113 = arith.constant 48 : index
      %get3A_114 = tpu.vector_load %arg8[%get3A_113] {strides = array<i32>} : memref<128xi32, #tpu.memory_space<vmem>>, vector<16xi32>,
      %lt3A_115 = arith.constant 20000 : i32
      %lt3A_116 = vector.broadcast %lt3A_115 : i32 to vector<16xi32>
      %lt3A_117 = arith.cmpi slt, %get3A_114, %lt3A_116 : vector<16xi32>
      %ge3A_118 = arith.constant 20000 : i32
      %ge3A_119 = vector.broadcast %ge3A_118 : i32 to vector<16xi32>
      %ge3A_120 = arith.cmpi sge, %get3A_114, %ge3A_119 : vector<16xi32>
      %lt3A_121 = arith.constant 200000 : i32
      %lt3A_122 = vector.broadcast %lt3A_121 : i32 to vector<16xi32>
      %lt3A_123 = arith.cmpi slt, %get3A_114, %lt3A_122 : vector<16xi32>
      %and3A_124 = arith.andi %ge3A_120, %lt3A_123 : vector<16xi1>
      %ge3A_125 = arith.constant 200000 : i32
      %ge3A_126 = vector.broadcast %ge3A_125 : i32 to vector<16xi32>
      %ge3A_127 = arith.cmpi sge, %get3A_114, %ge3A_126 : vector<16xi32>
      %jit3A_128 = arith.constant -1 : i32
      %broadcast_in_dim3A_129 = vector.broadcast %jit3A_128 : i32 to vector<16xi32>
      %select_n3A_130 = arith.select %lt3A_117, %get3A_114, %broadcast_in_dim3A_129 : vector<16xi1>, vector<16xi32>
      %swap3A_131 = arith.constant 48 : index
      %swap3A_132 = tpu.vector_load %arg9[%swap3A_131] {strides = array<i32>} : memref<128xi32, #tpu.memory_space<vmem>>, vector<16xi32>,
      tpu.vector_store %arg9[%swap3A_131], %select_n3A_130 {strides = array<i32>} : memref<128xi32, #tpu.memory_space<vmem>>, vector<16xi32>,
      %sub3A_133 = arith.constant 20000 : i32
      %sub3A_134 = vector.broadcast %sub3A_133 : i32 to vector<16xi32>
      %sub3A_135 = arith.subi %get3A_114, %sub3A_134 : vector<16xi32>
      %jit3A_136 = arith.constant -1 : i32
      %broadcast_in_dim3A_137 = vector.broadcast %jit3A_136 : i32 to vector<16xi32>
      %select_n3A_138 = arith.select %and3A_124, %sub3A_135, %broadcast_in_dim3A_137 : vector<16xi1>, vector<16xi32>
      %swap3A_139 = arith.constant 48 : index
      %swap3A_140 = tpu.vector_load %arg10[%swap3A_139] {strides = array<i32>} : memref<128xi32, #tpu.memory_space<vmem>>, vector<16xi32>,
      tpu.vector_store %arg10[%swap3A_139], %select_n3A_138 {strides = array<i32>} : memref<128xi32, #tpu.memory_space<vmem>>, vector<16xi32>,
      %sub3A_141 = arith.constant 200000 : i32
      %sub3A_142 = vector.broadcast %sub3A_141 : i32 to vector<16xi32>
      %sub3A_143 = arith.subi %get3A_114, %sub3A_142 : vector<16xi32>
      %jit3A_144 = arith.constant -1 : i32
      %broadcast_in_dim3A_145 = vector.broadcast %jit3A_144 : i32 to vector<16xi32>
      %select_n3A_146 = arith.select %ge3A_127, %sub3A_143, %broadcast_in_dim3A_145 : vector<16xi1>, vector<16xi32>
      %swap3A_147 = arith.constant 48 : index
      %swap3A_148 = tpu.vector_load %arg11[%swap3A_147] {strides = array<i32>} : memref<128xi32, #tpu.memory_space<vmem>>, vector<16xi32>,
      tpu.vector_store %arg11[%swap3A_147], %select_n3A_146 {strides = array<i32>} : memref<128xi32, #tpu.memory_space<vmem>>, vector<16xi32>,
      %get3A_149 = arith.constant 64 : index
      %get3A_150 = tpu.vector_load %arg8[%get3A_149] {strides = array<i32>} : memref<128xi32, #tpu.memory_space<vmem>>, vector<16xi32>,
      %lt3A_151 = arith.constant 20000 : i32
      %lt3A_152 = vector.broadcast %lt3A_151 : i32 to vector<16xi32>
      %lt3A_153 = arith.cmpi slt, %get3A_150, %lt3A_152 : vector<16xi32>
      %ge3A_154 = arith.constant 20000 : i32
      %ge3A_155 = vector.broadcast %ge3A_154 : i32 to vector<16xi32>
      %ge3A_156 = arith.cmpi sge, %get3A_150, %ge3A_155 : vector<16xi32>
      %lt3A_157 = arith.constant 200000 : i32
      %lt3A_158 = vector.broadcast %lt3A_157 : i32 to vector<16xi32>
      %lt3A_159 = arith.cmpi slt, %get3A_150, %lt3A_158 : vector<16xi32>
      %and3A_160 = arith.andi %ge3A_156, %lt3A_159 : vector<16xi1>
      %ge3A_161 = arith.constant 200000 : i32
      %ge3A_162 = vector.broadcast %ge3A_161 : i32 to vector<16xi32>
      %ge3A_163 = arith.cmpi sge, %get3A_150, %ge3A_162 : vector<16xi32>
      %jit3A_164 = arith.constant -1 : i32
      %broadcast_in_dim3A_165 = vector.broadcast %jit3A_164 : i32 to vector<16xi32>
      %select_n3A_166 = arith.select %lt3A_153, %get3A_150, %broadcast_in_dim3A_165 : vector<16xi1>, vector<16xi32>
      %swap3A_167 = arith.constant 64 : index
      %swap3A_168 = tpu.vector_load %arg9[%swap3A_167] {strides = array<i32>} : memref<128xi32, #tpu.memory_space<vmem>>, vector<16xi32>,
      tpu.vector_store %arg9[%swap3A_167], %select_n3A_166 {strides = array<i32>} : memref<128xi32, #tpu.memory_space<vmem>>, vector<16xi32>,
      %sub3A_169 = arith.constant 20000 : i32
      %sub3A_170 = vector.broadcast %sub3A_169 : i32 to vector<16xi32>
      %sub3A_171 = arith.subi %get3A_150, %sub3A_170 : vector<16xi32>
      %jit3A_172 = arith.constant -1 : i32
      %broadcast_in_dim3A_173 = vector.broadcast %jit3A_172 : i32 to vector<16xi32>
      %select_n3A_174 = arith.select %and3A_160, %sub3A_171, %broadcast_in_dim3A_173 : vector<16xi1>, vector<16xi32>
      %swap3A_175 = arith.constant 64 : index
      %swap3A_176 = tpu.vector_load %arg10[%swap3A_175] {strides = array<i32>} : memref<128xi32, #tpu.memory_space<vmem>>, vector<16xi32>,
      tpu.vector_store %arg10[%swap3A_175], %select_n3A_174 {strides = array<i32>} : memref<128xi32, #tpu.memory_space<vmem>>, vector<16xi32>,
      %sub3A_177 = arith.constant 200000 : i32
      %sub3A_178 = vector.broadcast %sub3A_177 : i32 to vector<16xi32>
      %sub3A_179 = arith.subi %get3A_150, %sub3A_178 : vector<16xi32>
      %jit3A_180 = arith.constant -1 : i32
      %broadcast_in_dim3A_181 = vector.broadcast %jit3A_180 : i32 to vector<16xi32>
      %select_n3A_182 = arith.select %ge3A_163, %sub3A_179, %broadcast_in_dim3A_181 : vector<16xi1>, vector<16xi32>
      %swap3A_183 = arith.constant 64 : index
      %swap3A_184 = tpu.vector_load %arg11[%swap3A_183] {strides = array<i32>} : memref<128xi32, #tpu.memory_space<vmem>>, vector<16xi32>,
      tpu.vector_store %arg11[%swap3A_183], %select_n3A_182 {strides = array<i32>} : memref<128xi32, #tpu.memory_space<vmem>>, vector<16xi32>,
      %get3A_185 = arith.constant 80 : index
      %get3A_186 = tpu.vector_load %arg8[%get3A_185] {strides = array<i32>} : memref<128xi32, #tpu.memory_space<vmem>>, vector<16xi32>,
      %lt3A_187 = arith.constant 20000 : i32
      %lt3A_188 = vector.broadcast %lt3A_187 : i32 to vector<16xi32>
      %lt3A_189 = arith.cmpi slt, %get3A_186, %lt3A_188 : vector<16xi32>
      %ge3A_190 = arith.constant 20000 : i32
      %ge3A_191 = vector.broadcast %ge3A_190 : i32 to vector<16xi32>
      %ge3A_192 = arith.cmpi sge, %get3A_186, %ge3A_191 : vector<16xi32>
      %lt3A_193 = arith.constant 200000 : i32
      %lt3A_194 = vector.broadcast %lt3A_193 : i32 to vector<16xi32>
      %lt3A_195 = arith.cmpi slt, %get3A_186, %lt3A_194 : vector<16xi32>
      %and3A_196 = arith.andi %ge3A_192, %lt3A_195 : vector<16xi1>
      %ge3A_197 = arith.constant 200000 : i32
      %ge3A_198 = vector.broadcast %ge3A_197 : i32 to vector<16xi32>
      %ge3A_199 = arith.cmpi sge, %get3A_186, %ge3A_198 : vector<16xi32>
      %jit3A_200 = arith.constant -1 : i32
      %broadcast_in_dim3A_201 = vector.broadcast %jit3A_200 : i32 to vector<16xi32>
      %select_n3A_202 = arith.select %lt3A_189, %get3A_186, %broadcast_in_dim3A_201 : vector<16xi1>, vector<16xi32>
      %swap3A_203 = arith.constant 80 : index
      %swap3A_204 = tpu.vector_load %arg9[%swap3A_203] {strides = array<i32>} : memref<128xi32, #tpu.memory_space<vmem>>, vector<16xi32>,
      tpu.vector_store %arg9[%swap3A_203], %select_n3A_202 {strides = array<i32>} : memref<128xi32, #tpu.memory_space<vmem>>, vector<16xi32>,
      %sub3A_205 = arith.constant 20000 : i32
      %sub3A_206 = vector.broadcast %sub3A_205 : i32 to vector<16xi32>
      %sub3A_207 = arith.subi %get3A_186, %sub3A_206 : vector<16xi32>
      %jit3A_208 = arith.constant -1 : i32
      %broadcast_in_dim3A_209 = vector.broadcast %jit3A_208 : i32 to vector<16xi32>
      %select_n3A_210 = arith.select %and3A_196, %sub3A_207, %broadcast_in_dim3A_209 : vector<16xi1>, vector<16xi32>
      %swap3A_211 = arith.constant 80 : index
      %swap3A_212 = tpu.vector_load %arg10[%swap3A_211] {strides = array<i32>} : memref<128xi32, #tpu.memory_space<vmem>>, vector<16xi32>,
      tpu.vector_store %arg10[%swap3A_211], %select_n3A_210 {strides = array<i32>} : memref<128xi32, #tpu.memory_space<vmem>>, vector<16xi32>,
      %sub3A_213 = arith.constant 200000 : i32
      %sub3A_214 = vector.broadcast %sub3A_213 : i32 to vector<16xi32>
      %sub3A_215 = arith.subi %get3A_186, %sub3A_214 : vector<16xi32>
      %jit3A_216 = arith.constant -1 : i32
      %broadcast_in_dim3A_217 = vector.broadcast %jit3A_216 : i32 to vector<16xi32>
      %select_n3A_218 = arith.select %ge3A_199, %sub3A_215, %broadcast_in_dim3A_217 : vector<16xi1>, vector<16xi32>
      %swap3A_219 = arith.constant 80 : index
      %swap3A_220 = tpu.vector_load %arg11[%swap3A_219] {strides = array<i32>} : memref<128xi32, #tpu.memory_space<vmem>>, vector<16xi32>,
      tpu.vector_store %arg11[%swap3A_219], %select_n3A_218 {strides = array<i32>} : memref<128xi32, #tpu.memory_space<vmem>>, vector<16xi32>,
      %get3A_221 = arith.constant 96 : index
      %get3A_222 = tpu.vector_load %arg8[%get3A_221] {strides = array<i32>} : memref<128xi32, #tpu.memory_space<vmem>>, vector<16xi32>,
      %lt3A_223 = arith.constant 20000 : i32
      %lt3A_224 = vector.broadcast %lt3A_223 : i32 to vector<16xi32>
      %lt3A_225 = arith.cmpi slt, %get3A_222, %lt3A_224 : vector<16xi32>
      %ge3A_226 = arith.constant 20000 : i32
      %ge3A_227 = vector.broadcast %ge3A_226 : i32 to vector<16xi32>
      %ge3A_228 = arith.cmpi sge, %get3A_222, %ge3A_227 : vector<16xi32>
      %lt3A_229 = arith.constant 200000 : i32
      %lt3A_230 = vector.broadcast %lt3A_229 : i32 to vector<16xi32>
      %lt3A_231 = arith.cmpi slt, %get3A_222, %lt3A_230 : vector<16xi32>
      %and3A_232 = arith.andi %ge3A_228, %lt3A_231 : vector<16xi1>
      %ge3A_233 = arith.constant 200000 : i32
      %ge3A_234 = vector.broadcast %ge3A_233 : i32 to vector<16xi32>
      %ge3A_235 = arith.cmpi sge, %get3A_222, %ge3A_234 : vector<16xi32>
      %jit3A_236 = arith.constant -1 : i32
      %broadcast_in_dim3A_237 = vector.broadcast %jit3A_236 : i32 to vector<16xi32>
      %select_n3A_238 = arith.select %lt3A_225, %get3A_222, %broadcast_in_dim3A_237 : vector<16xi1>, vector<16xi32>
      %swap3A_239 = arith.constant 96 : index
      %swap3A_240 = tpu.vector_load %arg9[%swap3A_239] {strides = array<i32>} : memref<128xi32, #tpu.memory_space<vmem>>, vector<16xi32>,
      tpu.vector_store %arg9[%swap3A_239], %select_n3A_238 {strides = array<i32>} : memref<128xi32, #tpu.memory_space<vmem>>, vector<16xi32>,
      %sub3A_241 = arith.constant 20000 : i32
      %sub3A_242 = vector.broadcast %sub3A_241 : i32 to vector<16xi32>
      %sub3A_243 = arith.subi %get3A_222, %sub3A_242 : vector<16xi32>
      %jit3A_244 = arith.constant -1 : i32
      %broadcast_in_dim3A_245 = vector.broadcast %jit3A_244 : i32 to vector<16xi32>
      %select_n3A_246 = arith.select %and3A_232, %sub3A_243, %broadcast_in_dim3A_245 : vector<16xi1>, vector<16xi32>
      %swap3A_247 = arith.constant 96 : index
      %swap3A_248 = tpu.vector_load %arg10[%swap3A_247] {strides = array<i32>} : memref<128xi32, #tpu.memory_space<vmem>>, vector<16xi32>,
      tpu.vector_store %arg10[%swap3A_247], %select_n3A_246 {strides = array<i32>} : memref<128xi32, #tpu.memory_space<vmem>>, vector<16xi32>,
      %sub3A_249 = arith.constant 200000 : i32
      %sub3A_250 = vector.broadcast %sub3A_249 : i32 to vector<16xi32>
      %sub3A_251 = arith.subi %get3A_222, %sub3A_250 : vector<16xi32>
      %jit3A_252 = arith.constant -1 : i32
      %broadcast_in_dim3A_253 = vector.broadcast %jit3A_252 : i32 to vector<16xi32>
      %select_n3A_254 = arith.select %ge3A_235, %sub3A_251, %broadcast_in_dim3A_253 : vector<16xi1>, vector<16xi32>
      %swap3A_255 = arith.constant 96 : index
      %swap3A_256 = tpu.vector_load %arg11[%swap3A_255] {strides = array<i32>} : memref<128xi32, #tpu.memory_space<vmem>>, vector<16xi32>,
      tpu.vector_store %arg11[%swap3A_255], %select_n3A_254 {strides = array<i32>} : memref<128xi32, #tpu.memory_space<vmem>>, vector<16xi32>,
      %get3A_257 = arith.constant 112 : index
      %get3A_258 = tpu.vector_load %arg8[%get3A_257] {strides = array<i32>} : memref<128xi32, #tpu.memory_space<vmem>>, vector<16xi32>,
      %lt3A_259 = arith.constant 20000 : i32
      %lt3A_260 = vector.broadcast %lt3A_259 : i32 to vector<16xi32>
      %lt3A_261 = arith.cmpi slt, %get3A_258, %lt3A_260 : vector<16xi32>
      %ge3A_262 = arith.constant 20000 : i32
      %ge3A_263 = vector.broadcast %ge3A_262 : i32 to vector<16xi32>
      %ge3A_264 = arith.cmpi sge, %get3A_258, %ge3A_263 : vector<16xi32>
      %lt3A_265 = arith.constant 200000 : i32
      %lt3A_266 = vector.broadcast %lt3A_265 : i32 to vector<16xi32>
      %lt3A_267 = arith.cmpi slt, %get3A_258, %lt3A_266 : vector<16xi32>
      %and3A_268 = arith.andi %ge3A_264, %lt3A_267 : vector<16xi1>
      %ge3A_269 = arith.constant 200000 : i32
      %ge3A_270 = vector.broadcast %ge3A_269 : i32 to vector<16xi32>
      %ge3A_271 = arith.cmpi sge, %get3A_258, %ge3A_270 : vector<16xi32>
      %jit3A_272 = arith.constant -1 : i32
      %broadcast_in_dim3A_273 = vector.broadcast %jit3A_272 : i32 to vector<16xi32>
      %select_n3A_274 = arith.select %lt3A_261, %get3A_258, %broadcast_in_dim3A_273 : vector<16xi1>, vector<16xi32>
      %swap3A_275 = arith.constant 112 : index
      %swap3A_276 = tpu.vector_load %arg9[%swap3A_275] {strides = array<i32>} : memref<128xi32, #tpu.memory_space<vmem>>, vector<16xi32>,
      tpu.vector_store %arg9[%swap3A_275], %select_n3A_274 {strides = array<i32>} : memref<128xi32, #tpu.memory_space<vmem>>, vector<16xi32>,
      %sub3A_277 = arith.constant 20000 : i32
      %sub3A_278 = vector.broadcast %sub3A_277 : i32 to vector<16xi32>
      %sub3A_279 = arith.subi %get3A_258, %sub3A_278 : vector<16xi32>
      %jit3A_280 = arith.constant -1 : i32
      %broadcast_in_dim3A_281 = vector.broadcast %jit3A_280 : i32 to vector<16xi32>
      %select_n3A_282 = arith.select %and3A_268, %sub3A_279, %broadcast_in_dim3A_281 : vector<16xi1>, vector<16xi32>
      %swap3A_283 = arith.constant 112 : index
      %swap3A_284 = tpu.vector_load %arg10[%swap3A_283] {strides = array<i32>} : memref<128xi32, #tpu.memory_space<vmem>>, vector<16xi32>,
      tpu.vector_store %arg10[%swap3A_283], %select_n3A_282 {strides = array<i32>} : memref<128xi32, #tpu.memory_space<vmem>>, vector<16xi32>,
      %sub3A_285 = arith.constant 200000 : i32
      %sub3A_286 = vector.broadcast %sub3A_285 : i32 to vector<16xi32>
      %sub3A_287 = arith.subi %get3A_258, %sub3A_286 : vector<16xi32>
      %jit3A_288 = arith.constant -1 : i32
      %broadcast_in_dim3A_289 = vector.broadcast %jit3A_288 : i32 to vector<16xi32>
      %select_n3A_290 = arith.select %ge3A_271, %sub3A_287, %broadcast_in_dim3A_289 : vector<16xi1>, vector<16xi32>
      %swap3A_291 = arith.constant 112 : index
      %swap3A_292 = tpu.vector_load %arg11[%swap3A_291] {strides = array<i32>} : memref<128xi32, #tpu.memory_space<vmem>>, vector<16xi32>,
      tpu.vector_store %arg11[%swap3A_291], %select_n3A_290 {strides = array<i32>} : memref<128xi32, #tpu.memory_space<vmem>>, vector<16xi32>,
      %dma_start3A = arith.constant 0 : i32
      %dma_start3A_293 = arith.constant 0 : i32
      %dma_start3A_294 = tpu.memref_slice %arg3[%dma_start3A, %dma_start3A_293] : memref<20000x128xf32, #tpu.memory_space<hbm>> -> memref<20000x128xf32, #tpu.memory_space<hbm>>
      %dma_start3A_295 = arith.constant -1 : i32
      tpu.enqueue_indirect_dma source(%dma_start3A_294 : memref<20000x128xf32, #tpu.memory_space<hbm>>) target(%arg12 : memref<128x128xf32, #tpu.memory_space<vmem>>) offsets(%arg9 : memref<128xi32, #tpu.memory_space<vmem>>) offset_filter(%dma_start3A_295) semaphore(%arg17 : memref<!tpu.dma_semaphore, #tpu.memory_space<semaphore_mem>>)
      %dma_start3A_296 = arith.constant 0 : i32
      %dma_start3A_297 = arith.constant 0 : i32
      %dma_start3A_298 = tpu.memref_slice %arg4[%dma_start3A_296, %dma_start3A_297] : memref<180000x32xf32, #tpu.memory_space<hbm>> -> memref<180000x32xf32, #tpu.memory_space<hbm>>
      %dma_start3A_299 = arith.constant -1 : i32
      tpu.enqueue_indirect_dma source(%dma_start3A_298 : memref<180000x32xf32, #tpu.memory_space<hbm>>) target(%arg13 : memref<128x32xf32, #tpu.memory_space<vmem>>) offsets(%arg10 : memref<128xi32, #tpu.memory_space<vmem>>) offset_filter(%dma_start3A_299) semaphore(%arg18 : memref<!tpu.dma_semaphore, #tpu.memory_space<semaphore_mem>>)
      %dma_start3A_300 = arith.constant 0 : i32
      %dma_start3A_301 = arith.constant 0 : i32
      %dma_start3A_302 = tpu.memref_slice %arg14[%dma_start3A_300, %dma_start3A_301] : memref<130x8xf32, #tpu.memory_space<vmem>> -> memref<128x8xf32, #tpu.memory_space<vmem>>
      %dma_start3A_303 = arith.constant 0 : i32
      %dma_start3A_304 = arith.constant 0 : i32
      %dma_start3A_305 = tpu.memref_slice %arg5[%dma_start3A_303, %dma_start3A_304] : memref<800000x8xf32, #tpu.memory_space<hbm>> -> memref<800000x8xf32, #tpu.memory_space<hbm>>
      %dma_start3A_306 = arith.constant -1 : i32
      tpu.enqueue_indirect_dma source(%dma_start3A_305 : memref<800000x8xf32, #tpu.memory_space<hbm>>) target(%dma_start3A_302 : memref<128x8xf32, #tpu.memory_space<vmem>>) offsets(%arg11 : memref<128xi32, #tpu.memory_space<vmem>>) offset_filter(%dma_start3A_306) semaphore(%arg19 : memref<!tpu.dma_semaphore, #tpu.memory_space<semaphore_mem>>)
      %scan3A_307 = arith.constant 0 : i32
      %scan3A_308 = arith.constant 0 : i32
      %scan3A_309 = arith.constant 128 : i32
      %scan3A_310 = arith.addi %scan3A_308, %scan3A_309 : i32
      %scan3A_311 = arith.constant 1 : i32
      scf.for %scan3A_330 = %scan3A_308 to %scan3A_310 step %scan3A_311  : i32 {
        %swap3A_331 = arith.index_cast %scan3A_330 : i32 to index
        %swap3A_332 = arith.constant 0 : index
        %swap3A_333 = tpu.vector_load %arg15[%swap3A_331, %swap3A_332] {strides = array<i32>} : memref<128x128xf32, #tpu.memory_space<vmem>>, vector<16xf32>,
        tpu.vector_store %arg15[%swap3A_331, %swap3A_332], %broadcast_in_dim3A_3 {strides = array<i32>} : memref<128x128xf32, #tpu.memory_space<vmem>>, vector<16xf32>,
        %swap3A_334 = arith.index_cast %scan3A_330 : i32 to index
        %swap3A_335 = arith.constant 16 : index
        %swap3A_336 = tpu.vector_load %arg15[%swap3A_334, %swap3A_335] {strides = array<i32>} : memref<128x128xf32, #tpu.memory_space<vmem>>, vector<16xf32>,
        tpu.vector_store %arg15[%swap3A_334, %swap3A_335], %broadcast_in_dim3A_3 {strides = array<i32>} : memref<128x128xf32, #tpu.memory_space<vmem>>, vector<16xf32>,
        %swap3A_337 = arith.index_cast %scan3A_330 : i32 to index
        %swap3A_338 = arith.constant 32 : index
        %swap3A_339 = tpu.vector_load %arg15[%swap3A_337, %swap3A_338] {strides = array<i32>} : memref<128x128xf32, #tpu.memory_space<vmem>>, vector<16xf32>,
        tpu.vector_store %arg15[%swap3A_337, %swap3A_338], %broadcast_in_dim3A_3 {strides = array<i32>} : memref<128x128xf32, #tpu.memory_space<vmem>>, vector<16xf32>,
        %swap3A_340 = arith.index_cast %scan3A_330 : i32 to index
        %swap3A_341 = arith.constant 48 : index
        %swap3A_342 = tpu.vector_load %arg15[%swap3A_340, %swap3A_341] {strides = array<i32>} : memref<128x128xf32, #tpu.memory_space<vmem>>, vector<16xf32>,
        tpu.vector_store %arg15[%swap3A_340, %swap3A_341], %broadcast_in_dim3A_3 {strides = array<i32>} : memref<128x128xf32, #tpu.memory_space<vmem>>, vector<16xf32>,
        %swap3A_343 = arith.index_cast %scan3A_330 : i32 to index
        %swap3A_344 = arith.constant 64 : index
        %swap3A_345 = tpu.vector_load %arg15[%swap3A_343, %swap3A_344] {strides = array<i32>} : memref<128x128xf32, #tpu.memory_space<vmem>>, vector<16xf32>,
        tpu.vector_store %arg15[%swap3A_343, %swap3A_344], %broadcast_in_dim3A_3 {strides = array<i32>} : memref<128x128xf32, #tpu.memory_space<vmem>>, vector<16xf32>,
        %swap3A_346 = arith.index_cast %scan3A_330 : i32 to index
        %swap3A_347 = arith.constant 80 : index
        %swap3A_348 = tpu.vector_load %arg15[%swap3A_346, %swap3A_347] {strides = array<i32>} : memref<128x128xf32, #tpu.memory_space<vmem>>, vector<16xf32>,
        tpu.vector_store %arg15[%swap3A_346, %swap3A_347], %broadcast_in_dim3A_3 {strides = array<i32>} : memref<128x128xf32, #tpu.memory_space<vmem>>, vector<16xf32>,
        %swap3A_349 = arith.index_cast %scan3A_330 : i32 to index
        %swap3A_350 = arith.constant 96 : index
        %swap3A_351 = tpu.vector_load %arg15[%swap3A_349, %swap3A_350] {strides = array<i32>} : memref<128x128xf32, #tpu.memory_space<vmem>>, vector<16xf32>,
        tpu.vector_store %arg15[%swap3A_349, %swap3A_350], %broadcast_in_dim3A_3 {strides = array<i32>} : memref<128x128xf32, #tpu.memory_space<vmem>>, vector<16xf32>,
        %swap3A_352 = arith.index_cast %scan3A_330 : i32 to index
        %swap3A_353 = arith.constant 112 : index
        %swap3A_354 = tpu.vector_load %arg15[%swap3A_352, %swap3A_353] {strides = array<i32>} : memref<128x128xf32, #tpu.memory_space<vmem>>, vector<16xf32>,
        tpu.vector_store %arg15[%swap3A_352, %swap3A_353], %broadcast_in_dim3A_3 {strides = array<i32>} : memref<128x128xf32, #tpu.memory_space<vmem>>, vector<16xf32>,
        %swap3A_355 = arith.index_cast %scan3A_330 : i32 to index
        %swap3A_356 = arith.constant 0 : index
        %swap3A_357 = tpu.vector_load %arg16[%swap3A_355, %swap3A_356] {strides = array<i32>} : memref<128x48xf32, #tpu.memory_space<vmem>>, vector<16xf32>,
        tpu.vector_store %arg16[%swap3A_355, %swap3A_356], %broadcast_in_dim3A_3 {strides = array<i32>} : memref<128x48xf32, #tpu.memory_space<vmem>>, vector<16xf32>,
        %swap3A_358 = arith.index_cast %scan3A_330 : i32 to index
        %swap3A_359 = arith.constant 16 : index
        %swap3A_360 = tpu.vector_load %arg16[%swap3A_358, %swap3A_359] {strides = array<i32>} : memref<128x48xf32, #tpu.memory_space<vmem>>, vector<16xf32>,
        tpu.vector_store %arg16[%swap3A_358, %swap3A_359], %broadcast_in_dim3A_3 {strides = array<i32>} : memref<128x48xf32, #tpu.memory_space<vmem>>, vector<16xf32>,
        %swap3A_361 = arith.index_cast %scan3A_330 : i32 to index
        %swap3A_362 = arith.constant 32 : index
        %swap3A_363 = tpu.vector_load %arg16[%swap3A_361, %swap3A_362] {strides = array<i32>} : memref<128x48xf32, #tpu.memory_space<vmem>>, vector<16xf32>,
        tpu.vector_store %arg16[%swap3A_361, %swap3A_362], %broadcast_in_dim3A_3 {strides = array<i32>} : memref<128x48xf32, #tpu.memory_space<vmem>>, vector<16xf32>,
      }
      %scan3A_312 = arith.constant 128 : i32
      %dma_wait3A = arith.constant 0 : i32
      %dma_wait3A_313 = arith.constant 0 : i32
      %dma_wait3A_314 = tpu.memref_slice %arg3[%dma_wait3A, %dma_wait3A_313] : memref<20000x128xf32, #tpu.memory_space<hbm>> -> memref<20000x128xf32, #tpu.memory_space<hbm>>
      tpu.wait_indirect_dma semaphore(%arg17 : memref<!tpu.dma_semaphore, #tpu.memory_space<semaphore_mem>>) src(%dma_wait3A_314 : memref<20000x128xf32, #tpu.memory_space<hbm>>) dst(%arg12 : memref<128x128xf32, #tpu.memory_space<vmem>>)
      %dma_wait3A_315 = arith.constant 0 : i32
      %dma_wait3A_316 = arith.constant 0 : i32
      %dma_wait3A_317 = tpu.memref_slice %arg4[%dma_wait3A_315, %dma_wait3A_316] : memref<180000x32xf32, #tpu.memory_space<hbm>> -> memref<180000x32xf32, #tpu.memory_space<hbm>>
      tpu.wait_indirect_dma semaphore(%arg18 : memref<!tpu.dma_semaphore, #tpu.memory_space<semaphore_mem>>) src(%dma_wait3A_317 : memref<180000x32xf32, #tpu.memory_space<hbm>>) dst(%arg13 : memref<128x32xf32, #tpu.memory_space<vmem>>)
      %dma_wait3A_318 = arith.constant 0 : i32
      %dma_wait3A_319 = arith.constant 0 : i32
      %dma_wait3A_320 = tpu.memref_slice %arg14[%dma_wait3A_318, %dma_wait3A_319] : memref<130x8xf32, #tpu.memory_space<vmem>> -> memref<128x8xf32, #tpu.memory_space<vmem>>
      %dma_wait3A_321 = arith.constant 0 : i32
      %dma_wait3A_322 = arith.constant 0 : i32
      %dma_wait3A_323 = tpu.memref_slice %arg5[%dma_wait3A_321, %dma_wait3A_322] : memref<800000x8xf32, #tpu.memory_space<hbm>> -> memref<800000x8xf32, #tpu.memory_space<hbm>>
      tpu.wait_indirect_dma semaphore(%arg19 : memref<!tpu.dma_semaphore, #tpu.memory_space<semaphore_mem>>) src(%dma_wait3A_323 : memref<800000x8xf32, #tpu.memory_space<hbm>>) dst(%dma_wait3A_320 : memref<128x8xf32, #tpu.memory_space<vmem>>)
      %scan3A_324 = arith.constant 0 : i32
      %scan3A_325 = arith.constant 0 : i32
      %scan3A_326 = arith.constant 8 : i32
      %scan3A_327 = arith.addi %scan3A_325, %scan3A_326 : i32
      %scan3A_328 = arith.constant 1 : i32
      scf.for %scan3A_330 = %scan3A_325 to %scan3A_327 step %scan3A_328  : i32 {
        %mul3A_331 = arith.constant 16 : i32
        %mul3A_332 = arith.muli %mul3A_331, %scan3A_330 : i32
        %get3A_333 = arith.index_cast %mul3A_332 : i32 to index
        %get3A_334 = tpu.vector_load %arg8[%get3A_333] {strides = array<i32>} : memref<128xi32, #tpu.memory_space<vmem>>, vector<16xi32>,
        %slice3A = vector.extract_strided_slice %get3A_334 {offsets = [0], sizes = [1], strides = [1]} : vector<16xi32> to vector<1xi32>
        %squeeze3A = vector.extract %slice3A[0] : i32 from vector<1xi32>
        %mul3A_335 = arith.constant 16 : i32
        %mul3A_336 = arith.muli %mul3A_335, %scan3A_330 : i32
        %add3A_337 = arith.constant 0 : i32
        %add3A_338 = arith.addi %mul3A_336, %add3A_337 : i32
        %lt3A_339 = arith.constant 20000 : i32
        %lt3A_340 = arith.cmpi slt, %squeeze3A, %lt3A_339 : i32
        %convert_element_type3A = arith.extui %lt3A_340 : i1 to i32
        %cond3A = arith.constant 0 : i32
        %cond3A_341 = arith.cmpi ne, %convert_element_type3A, %cond3A : i32
        scf.if %cond3A_341 {
          %get3A_715 = arith.index_cast %add3A_338 : i32 to index
          %get3A_716 = arith.constant 0 : index
          %get3A_717 = tpu.vector_load %arg12[%get3A_715, %get3A_716] {strides = array<i32>} : memref<128x128xf32, #tpu.memory_space<vmem>>, vector<16xf32>,
          %swap3A_718 = arith.index_cast %add3A_338 : i32 to index
          %swap3A_719 = arith.constant 0 : index
          %swap3A_720 = tpu.vector_load %arg15[%swap3A_718, %swap3A_719] {strides = array<i32>} : memref<128x128xf32, #tpu.memory_space<vmem>>, vector<16xf32>,
          tpu.vector_store %arg15[%swap3A_718, %swap3A_719], %get3A_717 {strides = array<i32>} : memref<128x128xf32, #tpu.memory_space<vmem>>, vector<16xf32>,
          %get3A_721 = arith.index_cast %add3A_338 : i32 to index
          %get3A_722 = arith.constant 16 : index
          %get3A_723 = tpu.vector_load %arg12[%get3A_721, %get3A_722] {strides = array<i32>} : memref<128x128xf32, #tpu.memory_space<vmem>>, vector<16xf32>,
          %swap3A_724 = arith.index_cast %add3A_338 : i32 to index
          %swap3A_725 = arith.constant 16 : index
          %swap3A_726 = tpu.vector_load %arg15[%swap3A_724, %swap3A_725] {strides = array<i32>} : memref<128x128xf32, #tpu.memory_space<vmem>>, vector<16xf32>,
          tpu.vector_store %arg15[%swap3A_724, %swap3A_725], %get3A_723 {strides = array<i32>} : memref<128x128xf32, #tpu.memory_space<vmem>>, vector<16xf32>,
          %get3A_727 = arith.index_cast %add3A_338 : i32 to index
          %get3A_728 = arith.constant 32 : index
          %get3A_729 = tpu.vector_load %arg12[%get3A_727, %get3A_728] {strides = array<i32>} : memref<128x128xf32, #tpu.memory_space<vmem>>, vector<16xf32>,
          %swap3A_730 = arith.index_cast %add3A_338 : i32 to index
          %swap3A_731 = arith.constant 32 : index
          %swap3A_732 = tpu.vector_load %arg15[%swap3A_730, %swap3A_731] {strides = array<i32>} : memref<128x128xf32, #tpu.memory_space<vmem>>, vector<16xf32>,
          tpu.vector_store %arg15[%swap3A_730, %swap3A_731], %get3A_729 {strides = array<i32>} : memref<128x128xf32, #tpu.memory_space<vmem>>, vector<16xf32>,
          %get3A_733 = arith.index_cast %add3A_338 : i32 to index
          %get3A_734 = arith.constant 48 : index
          %get3A_735 = tpu.vector_load %arg12[%get3A_733, %get3A_734] {strides = array<i32>} : memref<128x128xf32, #tpu.memory_space<vmem>>, vector<16xf32>,
          %swap3A_736 = arith.index_cast %add3A_338 : i32 to index
          %swap3A_737 = arith.constant 48 : index
          %swap3A_738 = tpu.vector_load %arg15[%swap3A_736, %swap3A_737] {strides = array<i32>} : memref<128x128xf32, #tpu.memory_space<vmem>>, vector<16xf32>,
          tpu.vector_store %arg15[%swap3A_736, %swap3A_737], %get3A_735 {strides = array<i32>} : memref<128x128xf32, #tpu.memory_space<vmem>>, vector<16xf32>,
          %get3A_739 = arith.index_cast %add3A_338 : i32 to index
          %get3A_740 = arith.constant 64 : index
          %get3A_741 = tpu.vector_load %arg12[%get3A_739, %get3A_740] {strides = array<i32>} : memref<128x128xf32, #tpu.memory_space<vmem>>, vector<16xf32>,
          %swap3A_742 = arith.index_cast %add3A_338 : i32 to index
          %swap3A_743 = arith.constant 64 : index
          %swap3A_744 = tpu.vector_load %arg15[%swap3A_742, %swap3A_743] {strides = array<i32>} : memref<128x128xf32, #tpu.memory_space<vmem>>, vector<16xf32>,
          tpu.vector_store %arg15[%swap3A_742, %swap3A_743], %get3A_741 {strides = array<i32>} : memref<128x128xf32, #tpu.memory_space<vmem>>, vector<16xf32>,
          %get3A_745 = arith.index_cast %add3A_338 : i32 to index
          %get3A_746 = arith.constant 80 : index
          %get3A_747 = tpu.vector_load %arg12[%get3A_745, %get3A_746] {strides = array<i32>} : memref<128x128xf32, #tpu.memory_space<vmem>>, vector<16xf32>,
          %swap3A_748 = arith.index_cast %add3A_338 : i32 to index
          %swap3A_749 = arith.constant 80 : index
          %swap3A_750 = tpu.vector_load %arg15[%swap3A_748, %swap3A_749] {strides = array<i32>} : memref<128x128xf32, #tpu.memory_space<vmem>>, vector<16xf32>,
          tpu.vector_store %arg15[%swap3A_748, %swap3A_749], %get3A_747 {strides = array<i32>} : memref<128x128xf32, #tpu.memory_space<vmem>>, vector<16xf32>,
          %get3A_751 = arith.index_cast %add3A_338 : i32 to index
          %get3A_752 = arith.constant 96 : index
          %get3A_753 = tpu.vector_load %arg12[%get3A_751, %get3A_752] {strides = array<i32>} : memref<128x128xf32, #tpu.memory_space<vmem>>, vector<16xf32>,
          %swap3A_754 = arith.index_cast %add3A_338 : i32 to index
          %swap3A_755 = arith.constant 96 : index
          %swap3A_756 = tpu.vector_load %arg15[%swap3A_754, %swap3A_755] {strides = array<i32>} : memref<128x128xf32, #tpu.memory_space<vmem>>, vector<16xf32>,
          tpu.vector_store %arg15[%swap3A_754, %swap3A_755], %get3A_753 {strides = array<i32>} : memref<128x128xf32, #tpu.memory_space<vmem>>, vector<16xf32>,
          %get3A_757 = arith.index_cast %add3A_338 : i32 to index
          %get3A_758 = arith.constant 112 : index
          %get3A_759 = tpu.vector_load %arg12[%get3A_757, %get3A_758] {strides = array<i32>} : memref<128x128xf32, #tpu.memory_space<vmem>>, vector<16xf32>,
          %swap3A_760 = arith.index_cast %add3A_338 : i32 to index
          %swap3A_761 = arith.constant 112 : index
          %swap3A_762 = tpu.vector_load %arg15[%swap3A_760, %swap3A_761] {strides = array<i32>} : memref<128x128xf32, #tpu.memory_space<vmem>>, vector<16xf32>,
          tpu.vector_store %arg15[%swap3A_760, %swap3A_761], %get3A_759 {strides = array<i32>} : memref<128x128xf32, #tpu.memory_space<vmem>>, vector<16xf32>,
        } else {
        }
        %ge3A_342 = arith.constant 20000 : i32
        %ge3A_343 = arith.cmpi sge, %squeeze3A, %ge3A_342 : i32
        %lt3A_344 = arith.constant 200000 : i32
        %lt3A_345 = arith.cmpi slt, %squeeze3A, %lt3A_344 : i32
        %and3A_346 = arith.andi %ge3A_343, %lt3A_345 : i1
        %convert_element_type3A_347 = arith.extui %and3A_346 : i1 to i32
        %cond3A_348 = arith.constant 0 : i32
        %cond3A_349 = arith.cmpi ne, %convert_element_type3A_347, %cond3A_348 : i32
        scf.if %cond3A_349 {
          %get3A_715 = arith.index_cast %add3A_338 : i32 to index
          %get3A_716 = arith.constant 0 : index
          %get3A_717 = tpu.vector_load %arg13[%get3A_715, %get3A_716] {strides = array<i32>} : memref<128x32xf32, #tpu.memory_space<vmem>>, vector<16xf32>,
          %swap3A_718 = arith.index_cast %add3A_338 : i32 to index
          %swap3A_719 = arith.constant 0 : index
          %swap3A_720 = tpu.vector_load %arg16[%swap3A_718, %swap3A_719] {strides = array<i32>} : memref<128x48xf32, #tpu.memory_space<vmem>>, vector<16xf32>,
          tpu.vector_store %arg16[%swap3A_718, %swap3A_719], %get3A_717 {strides = array<i32>} : memref<128x48xf32, #tpu.memory_space<vmem>>, vector<16xf32>,
          %get3A_721 = arith.index_cast %add3A_338 : i32 to index
          %get3A_722 = arith.constant 16 : index
          %get3A_723 = tpu.vector_load %arg13[%get3A_721, %get3A_722] {strides = array<i32>} : memref<128x32xf32, #tpu.memory_space<vmem>>, vector<16xf32>,
          %swap3A_724 = arith.index_cast %add3A_338 : i32 to index
          %swap3A_725 = arith.constant 16 : index
          %swap3A_726 = tpu.vector_load %arg16[%swap3A_724, %swap3A_725] {strides = array<i32>} : memref<128x48xf32, #tpu.memory_space<vmem>>, vector<16xf32>,
          tpu.vector_store %arg16[%swap3A_724, %swap3A_725], %get3A_723 {strides = array<i32>} : memref<128x48xf32, #tpu.memory_space<vmem>>, vector<16xf32>,
        } else {
        }
        %ge3A_350 = arith.constant 200000 : i32
        %ge3A_351 = arith.cmpi sge, %squeeze3A, %ge3A_350 : i32
        %convert_element_type3A_352 = arith.extui %ge3A_351 : i1 to i32
        %cond3A_353 = arith.constant 0 : i32
        %cond3A_354 = arith.cmpi ne, %convert_element_type3A_352, %cond3A_353 : i32
        scf.if %cond3A_354 {
          %shift_right_arithmetic3A = arith.constant 3 : i32
          %shift_right_arithmetic3A_715 = vector.broadcast %shift_right_arithmetic3A : i32 to vector<16xi32>
          %shift_right_arithmetic3A_716 = arith.shrsi %iota3A, %shift_right_arithmetic3A_715 : vector<16xi32>
          %add3A_717 = vector.broadcast %add3A_338 : i32 to vector<16xi32>
          %add3A_718 = arith.addi %add3A_717, %shift_right_arithmetic3A_716 : vector<16xi32>
          %and3A_719 = arith.constant 7 : i32
          %and3A_720 = vector.broadcast %and3A_719 : i32 to vector<16xi32>
          %and3A_721 = arith.andi %iota3A, %and3A_720 : vector<16xi32>
          %gather3A = tpu.vector_load_idx %arg14[%add3A_718, %and3A_721] : memref<130x8xf32, #tpu.memory_space<vmem>>[vector<16xi32>, vector<16xi32>], vector<16xf32>,
          %lt3A_722 = arith.constant 8 : i32
          %lt3A_723 = vector.broadcast %lt3A_722 : i32 to vector<16xi32>
          %lt3A_724 = arith.cmpi slt, %iota3A, %lt3A_723 : vector<16xi32>
          %jit3A_725 = arith.constant 0.000000e+00 : f32
          %broadcast_in_dim3A_726 = vector.broadcast %jit3A_725 : f32 to vector<16xf32>
          %select_n3A_727 = arith.select %lt3A_724, %gather3A, %broadcast_in_dim3A_726 : vector<16xi1>, vector<16xf32>
          %swap3A_728 = arith.index_cast %add3A_338 : i32 to index
          %swap3A_729 = arith.constant 32 : index
          %swap3A_730 = tpu.vector_load %arg16[%swap3A_728, %swap3A_729] {strides = array<i32>} : memref<128x48xf32, #tpu.memory_space<vmem>>, vector<16xf32>,
          tpu.vector_store %arg16[%swap3A_728, %swap3A_729], %select_n3A_727 {strides = array<i32>} : memref<128x48xf32, #tpu.memory_space<vmem>>, vector<16xf32>,
        } else {
        }
        %slice3A_355 = vector.extract_strided_slice %get3A_334 {offsets = [1], sizes = [1], strides = [1]} : vector<16xi32> to vector<1xi32>
        %squeeze3A_356 = vector.extract %slice3A_355[0] : i32 from vector<1xi32>
        %mul3A_357 = arith.constant 16 : i32
        %mul3A_358 = arith.muli %mul3A_357, %scan3A_330 : i32
        %add3A_359 = arith.constant 1 : i32
        %add3A_360 = arith.addi %mul3A_358, %add3A_359 : i32
        %lt3A_361 = arith.constant 20000 : i32
        %lt3A_362 = arith.cmpi slt, %squeeze3A_356, %lt3A_361 : i32
        %convert_element_type3A_363 = arith.extui %lt3A_362 : i1 to i32
        %cond3A_364 = arith.constant 0 : i32
        %cond3A_365 = arith.cmpi ne, %convert_element_type3A_363, %cond3A_364 : i32
        scf.if %cond3A_365 {
          %get3A_715 = arith.index_cast %add3A_360 : i32 to index
          %get3A_716 = arith.constant 0 : index
          %get3A_717 = tpu.vector_load %arg12[%get3A_715, %get3A_716] {strides = array<i32>} : memref<128x128xf32, #tpu.memory_space<vmem>>, vector<16xf32>,
          %swap3A_718 = arith.index_cast %add3A_360 : i32 to index
          %swap3A_719 = arith.constant 0 : index
          %swap3A_720 = tpu.vector_load %arg15[%swap3A_718, %swap3A_719] {strides = array<i32>} : memref<128x128xf32, #tpu.memory_space<vmem>>, vector<16xf32>,
          tpu.vector_store %arg15[%swap3A_718, %swap3A_719], %get3A_717 {strides = array<i32>} : memref<128x128xf32, #tpu.memory_space<vmem>>, vector<16xf32>,
          %get3A_721 = arith.index_cast %add3A_360 : i32 to index
          %get3A_722 = arith.constant 16 : index
          %get3A_723 = tpu.vector_load %arg12[%get3A_721, %get3A_722] {strides = array<i32>} : memref<128x128xf32, #tpu.memory_space<vmem>>, vector<16xf32>,
          %swap3A_724 = arith.index_cast %add3A_360 : i32 to index
          %swap3A_725 = arith.constant 16 : index
          %swap3A_726 = tpu.vector_load %arg15[%swap3A_724, %swap3A_725] {strides = array<i32>} : memref<128x128xf32, #tpu.memory_space<vmem>>, vector<16xf32>,
          tpu.vector_store %arg15[%swap3A_724, %swap3A_725], %get3A_723 {strides = array<i32>} : memref<128x128xf32, #tpu.memory_space<vmem>>, vector<16xf32>,
          %get3A_727 = arith.index_cast %add3A_360 : i32 to index
          %get3A_728 = arith.constant 32 : index
          %get3A_729 = tpu.vector_load %arg12[%get3A_727, %get3A_728] {strides = array<i32>} : memref<128x128xf32, #tpu.memory_space<vmem>>, vector<16xf32>,
          %swap3A_730 = arith.index_cast %add3A_360 : i32 to index
          %swap3A_731 = arith.constant 32 : index
          %swap3A_732 = tpu.vector_load %arg15[%swap3A_730, %swap3A_731] {strides = array<i32>} : memref<128x128xf32, #tpu.memory_space<vmem>>, vector<16xf32>,
          tpu.vector_store %arg15[%swap3A_730, %swap3A_731], %get3A_729 {strides = array<i32>} : memref<128x128xf32, #tpu.memory_space<vmem>>, vector<16xf32>,
          %get3A_733 = arith.index_cast %add3A_360 : i32 to index
          %get3A_734 = arith.constant 48 : index
          %get3A_735 = tpu.vector_load %arg12[%get3A_733, %get3A_734] {strides = array<i32>} : memref<128x128xf32, #tpu.memory_space<vmem>>, vector<16xf32>,
          %swap3A_736 = arith.index_cast %add3A_360 : i32 to index
          %swap3A_737 = arith.constant 48 : index
          %swap3A_738 = tpu.vector_load %arg15[%swap3A_736, %swap3A_737] {strides = array<i32>} : memref<128x128xf32, #tpu.memory_space<vmem>>, vector<16xf32>,
          tpu.vector_store %arg15[%swap3A_736, %swap3A_737], %get3A_735 {strides = array<i32>} : memref<128x128xf32, #tpu.memory_space<vmem>>, vector<16xf32>,
          %get3A_739 = arith.index_cast %add3A_360 : i32 to index
          %get3A_740 = arith.constant 64 : index
          %get3A_741 = tpu.vector_load %arg12[%get3A_739, %get3A_740] {strides = array<i32>} : memref<128x128xf32, #tpu.memory_space<vmem>>, vector<16xf32>,
          %swap3A_742 = arith.index_cast %add3A_360 : i32 to index
          %swap3A_743 = arith.constant 64 : index
          %swap3A_744 = tpu.vector_load %arg15[%swap3A_742, %swap3A_743] {strides = array<i32>} : memref<128x128xf32, #tpu.memory_space<vmem>>, vector<16xf32>,
          tpu.vector_store %arg15[%swap3A_742, %swap3A_743], %get3A_741 {strides = array<i32>} : memref<128x128xf32, #tpu.memory_space<vmem>>, vector<16xf32>,
          %get3A_745 = arith.index_cast %add3A_360 : i32 to index
          %get3A_746 = arith.constant 80 : index
          %get3A_747 = tpu.vector_load %arg12[%get3A_745, %get3A_746] {strides = array<i32>} : memref<128x128xf32, #tpu.memory_space<vmem>>, vector<16xf32>,
          %swap3A_748 = arith.index_cast %add3A_360 : i32 to index
          %swap3A_749 = arith.constant 80 : index
          %swap3A_750 = tpu.vector_load %arg15[%swap3A_748, %swap3A_749] {strides = array<i32>} : memref<128x128xf32, #tpu.memory_space<vmem>>, vector<16xf32>,
          tpu.vector_store %arg15[%swap3A_748, %swap3A_749], %get3A_747 {strides = array<i32>} : memref<128x128xf32, #tpu.memory_space<vmem>>, vector<16xf32>,
          %get3A_751 = arith.index_cast %add3A_360 : i32 to index
          %get3A_752 = arith.constant 96 : index
          %get3A_753 = tpu.vector_load %arg12[%get3A_751, %get3A_752] {strides = array<i32>} : memref<128x128xf32, #tpu.memory_space<vmem>>, vector<16xf32>,
          %swap3A_754 = arith.index_cast %add3A_360 : i32 to index
          %swap3A_755 = arith.constant 96 : index
          %swap3A_756 = tpu.vector_load %arg15[%swap3A_754, %swap3A_755] {strides = array<i32>} : memref<128x128xf32, #tpu.memory_space<vmem>>, vector<16xf32>,
          tpu.vector_store %arg15[%swap3A_754, %swap3A_755], %get3A_753 {strides = array<i32>} : memref<128x128xf32, #tpu.memory_space<vmem>>, vector<16xf32>,
          %get3A_757 = arith.index_cast %add3A_360 : i32 to index
          %get3A_758 = arith.constant 112 : index
          %get3A_759 = tpu.vector_load %arg12[%get3A_757, %get3A_758] {strides = array<i32>} : memref<128x128xf32, #tpu.memory_space<vmem>>, vector<16xf32>,
          %swap3A_760 = arith.index_cast %add3A_360 : i32 to index
          %swap3A_761 = arith.constant 112 : index
          %swap3A_762 = tpu.vector_load %arg15[%swap3A_760, %swap3A_761] {strides = array<i32>} : memref<128x128xf32, #tpu.memory_space<vmem>>, vector<16xf32>,
          tpu.vector_store %arg15[%swap3A_760, %swap3A_761], %get3A_759 {strides = array<i32>} : memref<128x128xf32, #tpu.memory_space<vmem>>, vector<16xf32>,
        } else {
        }
        %ge3A_366 = arith.constant 20000 : i32
        %ge3A_367 = arith.cmpi sge, %squeeze3A_356, %ge3A_366 : i32
        %lt3A_368 = arith.constant 200000 : i32
        %lt3A_369 = arith.cmpi slt, %squeeze3A_356, %lt3A_368 : i32
        %and3A_370 = arith.andi %ge3A_367, %lt3A_369 : i1
        %convert_element_type3A_371 = arith.extui %and3A_370 : i1 to i32
        %cond3A_372 = arith.constant 0 : i32
        %cond3A_373 = arith.cmpi ne, %convert_element_type3A_371, %cond3A_372 : i32
        scf.if %cond3A_373 {
          %get3A_715 = arith.index_cast %add3A_360 : i32 to index
          %get3A_716 = arith.constant 0 : index
          %get3A_717 = tpu.vector_load %arg13[%get3A_715, %get3A_716] {strides = array<i32>} : memref<128x32xf32, #tpu.memory_space<vmem>>, vector<16xf32>,
          %swap3A_718 = arith.index_cast %add3A_360 : i32 to index
          %swap3A_719 = arith.constant 0 : index
          %swap3A_720 = tpu.vector_load %arg16[%swap3A_718, %swap3A_719] {strides = array<i32>} : memref<128x48xf32, #tpu.memory_space<vmem>>, vector<16xf32>,
          tpu.vector_store %arg16[%swap3A_718, %swap3A_719], %get3A_717 {strides = array<i32>} : memref<128x48xf32, #tpu.memory_space<vmem>>, vector<16xf32>,
          %get3A_721 = arith.index_cast %add3A_360 : i32 to index
          %get3A_722 = arith.constant 16 : index
          %get3A_723 = tpu.vector_load %arg13[%get3A_721, %get3A_722] {strides = array<i32>} : memref<128x32xf32, #tpu.memory_space<vmem>>, vector<16xf32>,
          %swap3A_724 = arith.index_cast %add3A_360 : i32 to index
          %swap3A_725 = arith.constant 16 : index
          %swap3A_726 = tpu.vector_load %arg16[%swap3A_724, %swap3A_725] {strides = array<i32>} : memref<128x48xf32, #tpu.memory_space<vmem>>, vector<16xf32>,
          tpu.vector_store %arg16[%swap3A_724, %swap3A_725], %get3A_723 {strides = array<i32>} : memref<128x48xf32, #tpu.memory_space<vmem>>, vector<16xf32>,
        } else {
        }
        %ge3A_374 = arith.constant 200000 : i32
        %ge3A_375 = arith.cmpi sge, %squeeze3A_356, %ge3A_374 : i32
        %convert_element_type3A_376 = arith.extui %ge3A_375 : i1 to i32
        %cond3A_377 = arith.constant 0 : i32
        %cond3A_378 = arith.cmpi ne, %convert_element_type3A_376, %cond3A_377 : i32
        scf.if %cond3A_378 {
          %shift_right_arithmetic3A = arith.constant 3 : i32
          %shift_right_arithmetic3A_715 = vector.broadcast %shift_right_arithmetic3A : i32 to vector<16xi32>
          %shift_right_arithmetic3A_716 = arith.shrsi %iota3A, %shift_right_arithmetic3A_715 : vector<16xi32>
          %add3A_717 = vector.broadcast %add3A_360 : i32 to vector<16xi32>
          %add3A_718 = arith.addi %add3A_717, %shift_right_arithmetic3A_716 : vector<16xi32>
          %and3A_719 = arith.constant 7 : i32
          %and3A_720 = vector.broadcast %and3A_719 : i32 to vector<16xi32>
          %and3A_721 = arith.andi %iota3A, %and3A_720 : vector<16xi32>
          %gather3A = tpu.vector_load_idx %arg14[%add3A_718, %and3A_721] : memref<130x8xf32, #tpu.memory_space<vmem>>[vector<16xi32>, vector<16xi32>], vector<16xf32>,
          %lt3A_722 = arith.constant 8 : i32
          %lt3A_723 = vector.broadcast %lt3A_722 : i32 to vector<16xi32>
          %lt3A_724 = arith.cmpi slt, %iota3A, %lt3A_723 : vector<16xi32>
          %jit3A_725 = arith.constant 0.000000e+00 : f32
          %broadcast_in_dim3A_726 = vector.broadcast %jit3A_725 : f32 to vector<16xf32>
          %select_n3A_727 = arith.select %lt3A_724, %gather3A, %broadcast_in_dim3A_726 : vector<16xi1>, vector<16xf32>
          %swap3A_728 = arith.index_cast %add3A_360 : i32 to index
          %swap3A_729 = arith.constant 32 : index
          %swap3A_730 = tpu.vector_load %arg16[%swap3A_728, %swap3A_729] {strides = array<i32>} : memref<128x48xf32, #tpu.memory_space<vmem>>, vector<16xf32>,
          tpu.vector_store %arg16[%swap3A_728, %swap3A_729], %select_n3A_727 {strides = array<i32>} : memref<128x48xf32, #tpu.memory_space<vmem>>, vector<16xf32>,
        } else {
        }
        %slice3A_379 = vector.extract_strided_slice %get3A_334 {offsets = [2], sizes = [1], strides = [1]} : vector<16xi32> to vector<1xi32>
        %squeeze3A_380 = vector.extract %slice3A_379[0] : i32 from vector<1xi32>
        %mul3A_381 = arith.constant 16 : i32
        %mul3A_382 = arith.muli %mul3A_381, %scan3A_330 : i32
        %add3A_383 = arith.constant 2 : i32
        %add3A_384 = arith.addi %mul3A_382, %add3A_383 : i32
        %lt3A_385 = arith.constant 20000 : i32
        %lt3A_386 = arith.cmpi slt, %squeeze3A_380, %lt3A_385 : i32
        %convert_element_type3A_387 = arith.extui %lt3A_386 : i1 to i32
        %cond3A_388 = arith.constant 0 : i32
        %cond3A_389 = arith.cmpi ne, %convert_element_type3A_387, %cond3A_388 : i32
        scf.if %cond3A_389 {
          %get3A_715 = arith.index_cast %add3A_384 : i32 to index
          %get3A_716 = arith.constant 0 : index
          %get3A_717 = tpu.vector_load %arg12[%get3A_715, %get3A_716] {strides = array<i32>} : memref<128x128xf32, #tpu.memory_space<vmem>>, vector<16xf32>,
          %swap3A_718 = arith.index_cast %add3A_384 : i32 to index
          %swap3A_719 = arith.constant 0 : index
          %swap3A_720 = tpu.vector_load %arg15[%swap3A_718, %swap3A_719] {strides = array<i32>} : memref<128x128xf32, #tpu.memory_space<vmem>>, vector<16xf32>,
          tpu.vector_store %arg15[%swap3A_718, %swap3A_719], %get3A_717 {strides = array<i32>} : memref<128x128xf32, #tpu.memory_space<vmem>>, vector<16xf32>,
          %get3A_721 = arith.index_cast %add3A_384 : i32 to index
          %get3A_722 = arith.constant 16 : index
          %get3A_723 = tpu.vector_load %arg12[%get3A_721, %get3A_722] {strides = array<i32>} : memref<128x128xf32, #tpu.memory_space<vmem>>, vector<16xf32>,
          %swap3A_724 = arith.index_cast %add3A_384 : i32 to index
          %swap3A_725 = arith.constant 16 : index
          %swap3A_726 = tpu.vector_load %arg15[%swap3A_724, %swap3A_725] {strides = array<i32>} : memref<128x128xf32, #tpu.memory_space<vmem>>, vector<16xf32>,
          tpu.vector_store %arg15[%swap3A_724, %swap3A_725], %get3A_723 {strides = array<i32>} : memref<128x128xf32, #tpu.memory_space<vmem>>, vector<16xf32>,
          %get3A_727 = arith.index_cast %add3A_384 : i32 to index
          %get3A_728 = arith.constant 32 : index
          %get3A_729 = tpu.vector_load %arg12[%get3A_727, %get3A_728] {strides = array<i32>} : memref<128x128xf32, #tpu.memory_space<vmem>>, vector<16xf32>,
          %swap3A_730 = arith.index_cast %add3A_384 : i32 to index
          %swap3A_731 = arith.constant 32 : index
          %swap3A_732 = tpu.vector_load %arg15[%swap3A_730, %swap3A_731] {strides = array<i32>} : memref<128x128xf32, #tpu.memory_space<vmem>>, vector<16xf32>,
          tpu.vector_store %arg15[%swap3A_730, %swap3A_731], %get3A_729 {strides = array<i32>} : memref<128x128xf32, #tpu.memory_space<vmem>>, vector<16xf32>,
          %get3A_733 = arith.index_cast %add3A_384 : i32 to index
          %get3A_734 = arith.constant 48 : index
          %get3A_735 = tpu.vector_load %arg12[%get3A_733, %get3A_734] {strides = array<i32>} : memref<128x128xf32, #tpu.memory_space<vmem>>, vector<16xf32>,
          %swap3A_736 = arith.index_cast %add3A_384 : i32 to index
          %swap3A_737 = arith.constant 48 : index
          %swap3A_738 = tpu.vector_load %arg15[%swap3A_736, %swap3A_737] {strides = array<i32>} : memref<128x128xf32, #tpu.memory_space<vmem>>, vector<16xf32>,
          tpu.vector_store %arg15[%swap3A_736, %swap3A_737], %get3A_735 {strides = array<i32>} : memref<128x128xf32, #tpu.memory_space<vmem>>, vector<16xf32>,
          %get3A_739 = arith.index_cast %add3A_384 : i32 to index
          %get3A_740 = arith.constant 64 : index
          %get3A_741 = tpu.vector_load %arg12[%get3A_739, %get3A_740] {strides = array<i32>} : memref<128x128xf32, #tpu.memory_space<vmem>>, vector<16xf32>,
          %swap3A_742 = arith.index_cast %add3A_384 : i32 to index
          %swap3A_743 = arith.constant 64 : index
          %swap3A_744 = tpu.vector_load %arg15[%swap3A_742, %swap3A_743] {strides = array<i32>} : memref<128x128xf32, #tpu.memory_space<vmem>>, vector<16xf32>,
          tpu.vector_store %arg15[%swap3A_742, %swap3A_743], %get3A_741 {strides = array<i32>} : memref<128x128xf32, #tpu.memory_space<vmem>>, vector<16xf32>,
          %get3A_745 = arith.index_cast %add3A_384 : i32 to index
          %get3A_746 = arith.constant 80 : index
          %get3A_747 = tpu.vector_load %arg12[%get3A_745, %get3A_746] {strides = array<i32>} : memref<128x128xf32, #tpu.memory_space<vmem>>, vector<16xf32>,
          %swap3A_748 = arith.index_cast %add3A_384 : i32 to index
          %swap3A_749 = arith.constant 80 : index
          %swap3A_750 = tpu.vector_load %arg15[%swap3A_748, %swap3A_749] {strides = array<i32>} : memref<128x128xf32, #tpu.memory_space<vmem>>, vector<16xf32>,
          tpu.vector_store %arg15[%swap3A_748, %swap3A_749], %get3A_747 {strides = array<i32>} : memref<128x128xf32, #tpu.memory_space<vmem>>, vector<16xf32>,
          %get3A_751 = arith.index_cast %add3A_384 : i32 to index
          %get3A_752 = arith.constant 96 : index
          %get3A_753 = tpu.vector_load %arg12[%get3A_751, %get3A_752] {strides = array<i32>} : memref<128x128xf32, #tpu.memory_space<vmem>>, vector<16xf32>,
          %swap3A_754 = arith.index_cast %add3A_384 : i32 to index
          %swap3A_755 = arith.constant 96 : index
          %swap3A_756 = tpu.vector_load %arg15[%swap3A_754, %swap3A_755] {strides = array<i32>} : memref<128x128xf32, #tpu.memory_space<vmem>>, vector<16xf32>,
          tpu.vector_store %arg15[%swap3A_754, %swap3A_755], %get3A_753 {strides = array<i32>} : memref<128x128xf32, #tpu.memory_space<vmem>>, vector<16xf32>,
          %get3A_757 = arith.index_cast %add3A_384 : i32 to index
          %get3A_758 = arith.constant 112 : index
          %get3A_759 = tpu.vector_load %arg12[%get3A_757, %get3A_758] {strides = array<i32>} : memref<128x128xf32, #tpu.memory_space<vmem>>, vector<16xf32>,
          %swap3A_760 = arith.index_cast %add3A_384 : i32 to index
          %swap3A_761 = arith.constant 112 : index
          %swap3A_762 = tpu.vector_load %arg15[%swap3A_760, %swap3A_761] {strides = array<i32>} : memref<128x128xf32, #tpu.memory_space<vmem>>, vector<16xf32>,
          tpu.vector_store %arg15[%swap3A_760, %swap3A_761], %get3A_759 {strides = array<i32>} : memref<128x128xf32, #tpu.memory_space<vmem>>, vector<16xf32>,
        } else {
        }
        %ge3A_390 = arith.constant 20000 : i32
        %ge3A_391 = arith.cmpi sge, %squeeze3A_380, %ge3A_390 : i32
        %lt3A_392 = arith.constant 200000 : i32
        %lt3A_393 = arith.cmpi slt, %squeeze3A_380, %lt3A_392 : i32
        %and3A_394 = arith.andi %ge3A_391, %lt3A_393 : i1
        %convert_element_type3A_395 = arith.extui %and3A_394 : i1 to i32
        %cond3A_396 = arith.constant 0 : i32
        %cond3A_397 = arith.cmpi ne, %convert_element_type3A_395, %cond3A_396 : i32
        scf.if %cond3A_397 {
          %get3A_715 = arith.index_cast %add3A_384 : i32 to index
          %get3A_716 = arith.constant 0 : index
          %get3A_717 = tpu.vector_load %arg13[%get3A_715, %get3A_716] {strides = array<i32>} : memref<128x32xf32, #tpu.memory_space<vmem>>, vector<16xf32>,
          %swap3A_718 = arith.index_cast %add3A_384 : i32 to index
          %swap3A_719 = arith.constant 0 : index
          %swap3A_720 = tpu.vector_load %arg16[%swap3A_718, %swap3A_719] {strides = array<i32>} : memref<128x48xf32, #tpu.memory_space<vmem>>, vector<16xf32>,
          tpu.vector_store %arg16[%swap3A_718, %swap3A_719], %get3A_717 {strides = array<i32>} : memref<128x48xf32, #tpu.memory_space<vmem>>, vector<16xf32>,
          %get3A_721 = arith.index_cast %add3A_384 : i32 to index
          %get3A_722 = arith.constant 16 : index
          %get3A_723 = tpu.vector_load %arg13[%get3A_721, %get3A_722] {strides = array<i32>} : memref<128x32xf32, #tpu.memory_space<vmem>>, vector<16xf32>,
          %swap3A_724 = arith.index_cast %add3A_384 : i32 to index
          %swap3A_725 = arith.constant 16 : index
          %swap3A_726 = tpu.vector_load %arg16[%swap3A_724, %swap3A_725] {strides = array<i32>} : memref<128x48xf32, #tpu.memory_space<vmem>>, vector<16xf32>,
          tpu.vector_store %arg16[%swap3A_724, %swap3A_725], %get3A_723 {strides = array<i32>} : memref<128x48xf32, #tpu.memory_space<vmem>>, vector<16xf32>,
        } else {
        }
        %ge3A_398 = arith.constant 200000 : i32
        %ge3A_399 = arith.cmpi sge, %squeeze3A_380, %ge3A_398 : i32
        %convert_element_type3A_400 = arith.extui %ge3A_399 : i1 to i32
        %cond3A_401 = arith.constant 0 : i32
        %cond3A_402 = arith.cmpi ne, %convert_element_type3A_400, %cond3A_401 : i32
        scf.if %cond3A_402 {
          %shift_right_arithmetic3A = arith.constant 3 : i32
          %shift_right_arithmetic3A_715 = vector.broadcast %shift_right_arithmetic3A : i32 to vector<16xi32>
          %shift_right_arithmetic3A_716 = arith.shrsi %iota3A, %shift_right_arithmetic3A_715 : vector<16xi32>
          %add3A_717 = vector.broadcast %add3A_384 : i32 to vector<16xi32>
          %add3A_718 = arith.addi %add3A_717, %shift_right_arithmetic3A_716 : vector<16xi32>
          %and3A_719 = arith.constant 7 : i32
          %and3A_720 = vector.broadcast %and3A_719 : i32 to vector<16xi32>
          %and3A_721 = arith.andi %iota3A, %and3A_720 : vector<16xi32>
          %gather3A = tpu.vector_load_idx %arg14[%add3A_718, %and3A_721] : memref<130x8xf32, #tpu.memory_space<vmem>>[vector<16xi32>, vector<16xi32>], vector<16xf32>,
          %lt3A_722 = arith.constant 8 : i32
          %lt3A_723 = vector.broadcast %lt3A_722 : i32 to vector<16xi32>
          %lt3A_724 = arith.cmpi slt, %iota3A, %lt3A_723 : vector<16xi32>
          %jit3A_725 = arith.constant 0.000000e+00 : f32
          %broadcast_in_dim3A_726 = vector.broadcast %jit3A_725 : f32 to vector<16xf32>
          %select_n3A_727 = arith.select %lt3A_724, %gather3A, %broadcast_in_dim3A_726 : vector<16xi1>, vector<16xf32>
          %swap3A_728 = arith.index_cast %add3A_384 : i32 to index
          %swap3A_729 = arith.constant 32 : index
          %swap3A_730 = tpu.vector_load %arg16[%swap3A_728, %swap3A_729] {strides = array<i32>} : memref<128x48xf32, #tpu.memory_space<vmem>>, vector<16xf32>,
          tpu.vector_store %arg16[%swap3A_728, %swap3A_729], %select_n3A_727 {strides = array<i32>} : memref<128x48xf32, #tpu.memory_space<vmem>>, vector<16xf32>,
        } else {
        }
        %slice3A_403 = vector.extract_strided_slice %get3A_334 {offsets = [3], sizes = [1], strides = [1]} : vector<16xi32> to vector<1xi32>
        %squeeze3A_404 = vector.extract %slice3A_403[0] : i32 from vector<1xi32>
        %mul3A_405 = arith.constant 16 : i32
        %mul3A_406 = arith.muli %mul3A_405, %scan3A_330 : i32
        %add3A_407 = arith.constant 3 : i32
        %add3A_408 = arith.addi %mul3A_406, %add3A_407 : i32
        %lt3A_409 = arith.constant 20000 : i32
        %lt3A_410 = arith.cmpi slt, %squeeze3A_404, %lt3A_409 : i32
        %convert_element_type3A_411 = arith.extui %lt3A_410 : i1 to i32
        %cond3A_412 = arith.constant 0 : i32
        %cond3A_413 = arith.cmpi ne, %convert_element_type3A_411, %cond3A_412 : i32
        scf.if %cond3A_413 {
          %get3A_715 = arith.index_cast %add3A_408 : i32 to index
          %get3A_716 = arith.constant 0 : index
          %get3A_717 = tpu.vector_load %arg12[%get3A_715, %get3A_716] {strides = array<i32>} : memref<128x128xf32, #tpu.memory_space<vmem>>, vector<16xf32>,
          %swap3A_718 = arith.index_cast %add3A_408 : i32 to index
          %swap3A_719 = arith.constant 0 : index
          %swap3A_720 = tpu.vector_load %arg15[%swap3A_718, %swap3A_719] {strides = array<i32>} : memref<128x128xf32, #tpu.memory_space<vmem>>, vector<16xf32>,
          tpu.vector_store %arg15[%swap3A_718, %swap3A_719], %get3A_717 {strides = array<i32>} : memref<128x128xf32, #tpu.memory_space<vmem>>, vector<16xf32>,
          %get3A_721 = arith.index_cast %add3A_408 : i32 to index
          %get3A_722 = arith.constant 16 : index
          %get3A_723 = tpu.vector_load %arg12[%get3A_721, %get3A_722] {strides = array<i32>} : memref<128x128xf32, #tpu.memory_space<vmem>>, vector<16xf32>,
          %swap3A_724 = arith.index_cast %add3A_408 : i32 to index
          %swap3A_725 = arith.constant 16 : index
          %swap3A_726 = tpu.vector_load %arg15[%swap3A_724, %swap3A_725] {strides = array<i32>} : memref<128x128xf32, #tpu.memory_space<vmem>>, vector<16xf32>,
          tpu.vector_store %arg15[%swap3A_724, %swap3A_725], %get3A_723 {strides = array<i32>} : memref<128x128xf32, #tpu.memory_space<vmem>>, vector<16xf32>,
          %get3A_727 = arith.index_cast %add3A_408 : i32 to index
          %get3A_728 = arith.constant 32 : index
          %get3A_729 = tpu.vector_load %arg12[%get3A_727, %get3A_728] {strides = array<i32>} : memref<128x128xf32, #tpu.memory_space<vmem>>, vector<16xf32>,
          %swap3A_730 = arith.index_cast %add3A_408 : i32 to index
          %swap3A_731 = arith.constant 32 : index
          %swap3A_732 = tpu.vector_load %arg15[%swap3A_730, %swap3A_731] {strides = array<i32>} : memref<128x128xf32, #tpu.memory_space<vmem>>, vector<16xf32>,
          tpu.vector_store %arg15[%swap3A_730, %swap3A_731], %get3A_729 {strides = array<i32>} : memref<128x128xf32, #tpu.memory_space<vmem>>, vector<16xf32>,
          %get3A_733 = arith.index_cast %add3A_408 : i32 to index
          %get3A_734 = arith.constant 48 : index
          %get3A_735 = tpu.vector_load %arg12[%get3A_733, %get3A_734] {strides = array<i32>} : memref<128x128xf32, #tpu.memory_space<vmem>>, vector<16xf32>,
          %swap3A_736 = arith.index_cast %add3A_408 : i32 to index
          %swap3A_737 = arith.constant 48 : index
          %swap3A_738 = tpu.vector_load %arg15[%swap3A_736, %swap3A_737] {strides = array<i32>} : memref<128x128xf32, #tpu.memory_space<vmem>>, vector<16xf32>,
          tpu.vector_store %arg15[%swap3A_736, %swap3A_737], %get3A_735 {strides = array<i32>} : memref<128x128xf32, #tpu.memory_space<vmem>>, vector<16xf32>,
          %get3A_739 = arith.index_cast %add3A_408 : i32 to index
          %get3A_740 = arith.constant 64 : index
          %get3A_741 = tpu.vector_load %arg12[%get3A_739, %get3A_740] {strides = array<i32>} : memref<128x128xf32, #tpu.memory_space<vmem>>, vector<16xf32>,
          %swap3A_742 = arith.index_cast %add3A_408 : i32 to index
          %swap3A_743 = arith.constant 64 : index
          %swap3A_744 = tpu.vector_load %arg15[%swap3A_742, %swap3A_743] {strides = array<i32>} : memref<128x128xf32, #tpu.memory_space<vmem>>, vector<16xf32>,
          tpu.vector_store %arg15[%swap3A_742, %swap3A_743], %get3A_741 {strides = array<i32>} : memref<128x128xf32, #tpu.memory_space<vmem>>, vector<16xf32>,
          %get3A_745 = arith.index_cast %add3A_408 : i32 to index
          %get3A_746 = arith.constant 80 : index
          %get3A_747 = tpu.vector_load %arg12[%get3A_745, %get3A_746] {strides = array<i32>} : memref<128x128xf32, #tpu.memory_space<vmem>>, vector<16xf32>,
          %swap3A_748 = arith.index_cast %add3A_408 : i32 to index
          %swap3A_749 = arith.constant 80 : index
          %swap3A_750 = tpu.vector_load %arg15[%swap3A_748, %swap3A_749] {strides = array<i32>} : memref<128x128xf32, #tpu.memory_space<vmem>>, vector<16xf32>,
          tpu.vector_store %arg15[%swap3A_748, %swap3A_749], %get3A_747 {strides = array<i32>} : memref<128x128xf32, #tpu.memory_space<vmem>>, vector<16xf32>,
          %get3A_751 = arith.index_cast %add3A_408 : i32 to index
          %get3A_752 = arith.constant 96 : index
          %get3A_753 = tpu.vector_load %arg12[%get3A_751, %get3A_752] {strides = array<i32>} : memref<128x128xf32, #tpu.memory_space<vmem>>, vector<16xf32>,
          %swap3A_754 = arith.index_cast %add3A_408 : i32 to index
          %swap3A_755 = arith.constant 96 : index
          %swap3A_756 = tpu.vector_load %arg15[%swap3A_754, %swap3A_755] {strides = array<i32>} : memref<128x128xf32, #tpu.memory_space<vmem>>, vector<16xf32>,
          tpu.vector_store %arg15[%swap3A_754, %swap3A_755], %get3A_753 {strides = array<i32>} : memref<128x128xf32, #tpu.memory_space<vmem>>, vector<16xf32>,
          %get3A_757 = arith.index_cast %add3A_408 : i32 to index
          %get3A_758 = arith.constant 112 : index
          %get3A_759 = tpu.vector_load %arg12[%get3A_757, %get3A_758] {strides = array<i32>} : memref<128x128xf32, #tpu.memory_space<vmem>>, vector<16xf32>,
          %swap3A_760 = arith.index_cast %add3A_408 : i32 to index
          %swap3A_761 = arith.constant 112 : index
          %swap3A_762 = tpu.vector_load %arg15[%swap3A_760, %swap3A_761] {strides = array<i32>} : memref<128x128xf32, #tpu.memory_space<vmem>>, vector<16xf32>,
          tpu.vector_store %arg15[%swap3A_760, %swap3A_761], %get3A_759 {strides = array<i32>} : memref<128x128xf32, #tpu.memory_space<vmem>>, vector<16xf32>,
        } else {
        }
        %ge3A_414 = arith.constant 20000 : i32
        %ge3A_415 = arith.cmpi sge, %squeeze3A_404, %ge3A_414 : i32
        %lt3A_416 = arith.constant 200000 : i32
        %lt3A_417 = arith.cmpi slt, %squeeze3A_404, %lt3A_416 : i32
        %and3A_418 = arith.andi %ge3A_415, %lt3A_417 : i1
        %convert_element_type3A_419 = arith.extui %and3A_418 : i1 to i32
        %cond3A_420 = arith.constant 0 : i32
        %cond3A_421 = arith.cmpi ne, %convert_element_type3A_419, %cond3A_420 : i32
        scf.if %cond3A_421 {
          %get3A_715 = arith.index_cast %add3A_408 : i32 to index
          %get3A_716 = arith.constant 0 : index
          %get3A_717 = tpu.vector_load %arg13[%get3A_715, %get3A_716] {strides = array<i32>} : memref<128x32xf32, #tpu.memory_space<vmem>>, vector<16xf32>,
          %swap3A_718 = arith.index_cast %add3A_408 : i32 to index
          %swap3A_719 = arith.constant 0 : index
          %swap3A_720 = tpu.vector_load %arg16[%swap3A_718, %swap3A_719] {strides = array<i32>} : memref<128x48xf32, #tpu.memory_space<vmem>>, vector<16xf32>,
          tpu.vector_store %arg16[%swap3A_718, %swap3A_719], %get3A_717 {strides = array<i32>} : memref<128x48xf32, #tpu.memory_space<vmem>>, vector<16xf32>,
          %get3A_721 = arith.index_cast %add3A_408 : i32 to index
          %get3A_722 = arith.constant 16 : index
          %get3A_723 = tpu.vector_load %arg13[%get3A_721, %get3A_722] {strides = array<i32>} : memref<128x32xf32, #tpu.memory_space<vmem>>, vector<16xf32>,
          %swap3A_724 = arith.index_cast %add3A_408 : i32 to index
          %swap3A_725 = arith.constant 16 : index
          %swap3A_726 = tpu.vector_load %arg16[%swap3A_724, %swap3A_725] {strides = array<i32>} : memref<128x48xf32, #tpu.memory_space<vmem>>, vector<16xf32>,
          tpu.vector_store %arg16[%swap3A_724, %swap3A_725], %get3A_723 {strides = array<i32>} : memref<128x48xf32, #tpu.memory_space<vmem>>, vector<16xf32>,
        } else {
        }
        %ge3A_422 = arith.constant 200000 : i32
        %ge3A_423 = arith.cmpi sge, %squeeze3A_404, %ge3A_422 : i32
        %convert_element_type3A_424 = arith.extui %ge3A_423 : i1 to i32
        %cond3A_425 = arith.constant 0 : i32
        %cond3A_426 = arith.cmpi ne, %convert_element_type3A_424, %cond3A_425 : i32
        scf.if %cond3A_426 {
          %shift_right_arithmetic3A = arith.constant 3 : i32
          %shift_right_arithmetic3A_715 = vector.broadcast %shift_right_arithmetic3A : i32 to vector<16xi32>
          %shift_right_arithmetic3A_716 = arith.shrsi %iota3A, %shift_right_arithmetic3A_715 : vector<16xi32>
          %add3A_717 = vector.broadcast %add3A_408 : i32 to vector<16xi32>
          %add3A_718 = arith.addi %add3A_717, %shift_right_arithmetic3A_716 : vector<16xi32>
          %and3A_719 = arith.constant 7 : i32
          %and3A_720 = vector.broadcast %and3A_719 : i32 to vector<16xi32>
          %and3A_721 = arith.andi %iota3A, %and3A_720 : vector<16xi32>
          %gather3A = tpu.vector_load_idx %arg14[%add3A_718, %and3A_721] : memref<130x8xf32, #tpu.memory_space<vmem>>[vector<16xi32>, vector<16xi32>], vector<16xf32>,
          %lt3A_722 = arith.constant 8 : i32
          %lt3A_723 = vector.broadcast %lt3A_722 : i32 to vector<16xi32>
          %lt3A_724 = arith.cmpi slt, %iota3A, %lt3A_723 : vector<16xi32>
          %jit3A_725 = arith.constant 0.000000e+00 : f32
          %broadcast_in_dim3A_726 = vector.broadcast %jit3A_725 : f32 to vector<16xf32>
          %select_n3A_727 = arith.select %lt3A_724, %gather3A, %broadcast_in_dim3A_726 : vector<16xi1>, vector<16xf32>
          %swap3A_728 = arith.index_cast %add3A_408 : i32 to index
          %swap3A_729 = arith.constant 32 : index
          %swap3A_730 = tpu.vector_load %arg16[%swap3A_728, %swap3A_729] {strides = array<i32>} : memref<128x48xf32, #tpu.memory_space<vmem>>, vector<16xf32>,
          tpu.vector_store %arg16[%swap3A_728, %swap3A_729], %select_n3A_727 {strides = array<i32>} : memref<128x48xf32, #tpu.memory_space<vmem>>, vector<16xf32>,
        } else {
        }
        %slice3A_427 = vector.extract_strided_slice %get3A_334 {offsets = [4], sizes = [1], strides = [1]} : vector<16xi32> to vector<1xi32>
        %squeeze3A_428 = vector.extract %slice3A_427[0] : i32 from vector<1xi32>
        %mul3A_429 = arith.constant 16 : i32
        %mul3A_430 = arith.muli %mul3A_429, %scan3A_330 : i32
        %add3A_431 = arith.constant 4 : i32
        %add3A_432 = arith.addi %mul3A_430, %add3A_431 : i32
        %lt3A_433 = arith.constant 20000 : i32
        %lt3A_434 = arith.cmpi slt, %squeeze3A_428, %lt3A_433 : i32
        %convert_element_type3A_435 = arith.extui %lt3A_434 : i1 to i32
        %cond3A_436 = arith.constant 0 : i32
        %cond3A_437 = arith.cmpi ne, %convert_element_type3A_435, %cond3A_436 : i32
        scf.if %cond3A_437 {
          %get3A_715 = arith.index_cast %add3A_432 : i32 to index
          %get3A_716 = arith.constant 0 : index
          %get3A_717 = tpu.vector_load %arg12[%get3A_715, %get3A_716] {strides = array<i32>} : memref<128x128xf32, #tpu.memory_space<vmem>>, vector<16xf32>,
          %swap3A_718 = arith.index_cast %add3A_432 : i32 to index
          %swap3A_719 = arith.constant 0 : index
          %swap3A_720 = tpu.vector_load %arg15[%swap3A_718, %swap3A_719] {strides = array<i32>} : memref<128x128xf32, #tpu.memory_space<vmem>>, vector<16xf32>,
          tpu.vector_store %arg15[%swap3A_718, %swap3A_719], %get3A_717 {strides = array<i32>} : memref<128x128xf32, #tpu.memory_space<vmem>>, vector<16xf32>,
          %get3A_721 = arith.index_cast %add3A_432 : i32 to index
          %get3A_722 = arith.constant 16 : index
          %get3A_723 = tpu.vector_load %arg12[%get3A_721, %get3A_722] {strides = array<i32>} : memref<128x128xf32, #tpu.memory_space<vmem>>, vector<16xf32>,
          %swap3A_724 = arith.index_cast %add3A_432 : i32 to index
          %swap3A_725 = arith.constant 16 : index
          %swap3A_726 = tpu.vector_load %arg15[%swap3A_724, %swap3A_725] {strides = array<i32>} : memref<128x128xf32, #tpu.memory_space<vmem>>, vector<16xf32>,
          tpu.vector_store %arg15[%swap3A_724, %swap3A_725], %get3A_723 {strides = array<i32>} : memref<128x128xf32, #tpu.memory_space<vmem>>, vector<16xf32>,
          %get3A_727 = arith.index_cast %add3A_432 : i32 to index
          %get3A_728 = arith.constant 32 : index
          %get3A_729 = tpu.vector_load %arg12[%get3A_727, %get3A_728] {strides = array<i32>} : memref<128x128xf32, #tpu.memory_space<vmem>>, vector<16xf32>,
          %swap3A_730 = arith.index_cast %add3A_432 : i32 to index
          %swap3A_731 = arith.constant 32 : index
          %swap3A_732 = tpu.vector_load %arg15[%swap3A_730, %swap3A_731] {strides = array<i32>} : memref<128x128xf32, #tpu.memory_space<vmem>>, vector<16xf32>,
          tpu.vector_store %arg15[%swap3A_730, %swap3A_731], %get3A_729 {strides = array<i32>} : memref<128x128xf32, #tpu.memory_space<vmem>>, vector<16xf32>,
          %get3A_733 = arith.index_cast %add3A_432 : i32 to index
          %get3A_734 = arith.constant 48 : index
          %get3A_735 = tpu.vector_load %arg12[%get3A_733, %get3A_734] {strides = array<i32>} : memref<128x128xf32, #tpu.memory_space<vmem>>, vector<16xf32>,
          %swap3A_736 = arith.index_cast %add3A_432 : i32 to index
          %swap3A_737 = arith.constant 48 : index
          %swap3A_738 = tpu.vector_load %arg15[%swap3A_736, %swap3A_737] {strides = array<i32>} : memref<128x128xf32, #tpu.memory_space<vmem>>, vector<16xf32>,
          tpu.vector_store %arg15[%swap3A_736, %swap3A_737], %get3A_735 {strides = array<i32>} : memref<128x128xf32, #tpu.memory_space<vmem>>, vector<16xf32>,
          %get3A_739 = arith.index_cast %add3A_432 : i32 to index
          %get3A_740 = arith.constant 64 : index
          %get3A_741 = tpu.vector_load %arg12[%get3A_739, %get3A_740] {strides = array<i32>} : memref<128x128xf32, #tpu.memory_space<vmem>>, vector<16xf32>,
          %swap3A_742 = arith.index_cast %add3A_432 : i32 to index
          %swap3A_743 = arith.constant 64 : index
          %swap3A_744 = tpu.vector_load %arg15[%swap3A_742, %swap3A_743] {strides = array<i32>} : memref<128x128xf32, #tpu.memory_space<vmem>>, vector<16xf32>,
          tpu.vector_store %arg15[%swap3A_742, %swap3A_743], %get3A_741 {strides = array<i32>} : memref<128x128xf32, #tpu.memory_space<vmem>>, vector<16xf32>,
          %get3A_745 = arith.index_cast %add3A_432 : i32 to index
          %get3A_746 = arith.constant 80 : index
          %get3A_747 = tpu.vector_load %arg12[%get3A_745, %get3A_746] {strides = array<i32>} : memref<128x128xf32, #tpu.memory_space<vmem>>, vector<16xf32>,
          %swap3A_748 = arith.index_cast %add3A_432 : i32 to index
          %swap3A_749 = arith.constant 80 : index
          %swap3A_750 = tpu.vector_load %arg15[%swap3A_748, %swap3A_749] {strides = array<i32>} : memref<128x128xf32, #tpu.memory_space<vmem>>, vector<16xf32>,
          tpu.vector_store %arg15[%swap3A_748, %swap3A_749], %get3A_747 {strides = array<i32>} : memref<128x128xf32, #tpu.memory_space<vmem>>, vector<16xf32>,
          %get3A_751 = arith.index_cast %add3A_432 : i32 to index
          %get3A_752 = arith.constant 96 : index
          %get3A_753 = tpu.vector_load %arg12[%get3A_751, %get3A_752] {strides = array<i32>} : memref<128x128xf32, #tpu.memory_space<vmem>>, vector<16xf32>,
          %swap3A_754 = arith.index_cast %add3A_432 : i32 to index
          %swap3A_755 = arith.constant 96 : index
          %swap3A_756 = tpu.vector_load %arg15[%swap3A_754, %swap3A_755] {strides = array<i32>} : memref<128x128xf32, #tpu.memory_space<vmem>>, vector<16xf32>,
          tpu.vector_store %arg15[%swap3A_754, %swap3A_755], %get3A_753 {strides = array<i32>} : memref<128x128xf32, #tpu.memory_space<vmem>>, vector<16xf32>,
          %get3A_757 = arith.index_cast %add3A_432 : i32 to index
          %get3A_758 = arith.constant 112 : index
          %get3A_759 = tpu.vector_load %arg12[%get3A_757, %get3A_758] {strides = array<i32>} : memref<128x128xf32, #tpu.memory_space<vmem>>, vector<16xf32>,
          %swap3A_760 = arith.index_cast %add3A_432 : i32 to index
          %swap3A_761 = arith.constant 112 : index
          %swap3A_762 = tpu.vector_load %arg15[%swap3A_760, %swap3A_761] {strides = array<i32>} : memref<128x128xf32, #tpu.memory_space<vmem>>, vector<16xf32>,
          tpu.vector_store %arg15[%swap3A_760, %swap3A_761], %get3A_759 {strides = array<i32>} : memref<128x128xf32, #tpu.memory_space<vmem>>, vector<16xf32>,
        } else {
        }
        %ge3A_438 = arith.constant 20000 : i32
        %ge3A_439 = arith.cmpi sge, %squeeze3A_428, %ge3A_438 : i32
        %lt3A_440 = arith.constant 200000 : i32
        %lt3A_441 = arith.cmpi slt, %squeeze3A_428, %lt3A_440 : i32
        %and3A_442 = arith.andi %ge3A_439, %lt3A_441 : i1
        %convert_element_type3A_443 = arith.extui %and3A_442 : i1 to i32
        %cond3A_444 = arith.constant 0 : i32
        %cond3A_445 = arith.cmpi ne, %convert_element_type3A_443, %cond3A_444 : i32
        scf.if %cond3A_445 {
          %get3A_715 = arith.index_cast %add3A_432 : i32 to index
          %get3A_716 = arith.constant 0 : index
          %get3A_717 = tpu.vector_load %arg13[%get3A_715, %get3A_716] {strides = array<i32>} : memref<128x32xf32, #tpu.memory_space<vmem>>, vector<16xf32>,
          %swap3A_718 = arith.index_cast %add3A_432 : i32 to index
          %swap3A_719 = arith.constant 0 : index
          %swap3A_720 = tpu.vector_load %arg16[%swap3A_718, %swap3A_719] {strides = array<i32>} : memref<128x48xf32, #tpu.memory_space<vmem>>, vector<16xf32>,
          tpu.vector_store %arg16[%swap3A_718, %swap3A_719], %get3A_717 {strides = array<i32>} : memref<128x48xf32, #tpu.memory_space<vmem>>, vector<16xf32>,
          %get3A_721 = arith.index_cast %add3A_432 : i32 to index
          %get3A_722 = arith.constant 16 : index
          %get3A_723 = tpu.vector_load %arg13[%get3A_721, %get3A_722] {strides = array<i32>} : memref<128x32xf32, #tpu.memory_space<vmem>>, vector<16xf32>,
          %swap3A_724 = arith.index_cast %add3A_432 : i32 to index
          %swap3A_725 = arith.constant 16 : index
          %swap3A_726 = tpu.vector_load %arg16[%swap3A_724, %swap3A_725] {strides = array<i32>} : memref<128x48xf32, #tpu.memory_space<vmem>>, vector<16xf32>,
          tpu.vector_store %arg16[%swap3A_724, %swap3A_725], %get3A_723 {strides = array<i32>} : memref<128x48xf32, #tpu.memory_space<vmem>>, vector<16xf32>,
        } else {
        }
        %ge3A_446 = arith.constant 200000 : i32
        %ge3A_447 = arith.cmpi sge, %squeeze3A_428, %ge3A_446 : i32
        %convert_element_type3A_448 = arith.extui %ge3A_447 : i1 to i32
        %cond3A_449 = arith.constant 0 : i32
        %cond3A_450 = arith.cmpi ne, %convert_element_type3A_448, %cond3A_449 : i32
        scf.if %cond3A_450 {
          %shift_right_arithmetic3A = arith.constant 3 : i32
          %shift_right_arithmetic3A_715 = vector.broadcast %shift_right_arithmetic3A : i32 to vector<16xi32>
          %shift_right_arithmetic3A_716 = arith.shrsi %iota3A, %shift_right_arithmetic3A_715 : vector<16xi32>
          %add3A_717 = vector.broadcast %add3A_432 : i32 to vector<16xi32>
          %add3A_718 = arith.addi %add3A_717, %shift_right_arithmetic3A_716 : vector<16xi32>
          %and3A_719 = arith.constant 7 : i32
          %and3A_720 = vector.broadcast %and3A_719 : i32 to vector<16xi32>
          %and3A_721 = arith.andi %iota3A, %and3A_720 : vector<16xi32>
          %gather3A = tpu.vector_load_idx %arg14[%add3A_718, %and3A_721] : memref<130x8xf32, #tpu.memory_space<vmem>>[vector<16xi32>, vector<16xi32>], vector<16xf32>,
          %lt3A_722 = arith.constant 8 : i32
          %lt3A_723 = vector.broadcast %lt3A_722 : i32 to vector<16xi32>
          %lt3A_724 = arith.cmpi slt, %iota3A, %lt3A_723 : vector<16xi32>
          %jit3A_725 = arith.constant 0.000000e+00 : f32
          %broadcast_in_dim3A_726 = vector.broadcast %jit3A_725 : f32 to vector<16xf32>
          %select_n3A_727 = arith.select %lt3A_724, %gather3A, %broadcast_in_dim3A_726 : vector<16xi1>, vector<16xf32>
          %swap3A_728 = arith.index_cast %add3A_432 : i32 to index
          %swap3A_729 = arith.constant 32 : index
          %swap3A_730 = tpu.vector_load %arg16[%swap3A_728, %swap3A_729] {strides = array<i32>} : memref<128x48xf32, #tpu.memory_space<vmem>>, vector<16xf32>,
          tpu.vector_store %arg16[%swap3A_728, %swap3A_729], %select_n3A_727 {strides = array<i32>} : memref<128x48xf32, #tpu.memory_space<vmem>>, vector<16xf32>,
        } else {
        }
        %slice3A_451 = vector.extract_strided_slice %get3A_334 {offsets = [5], sizes = [1], strides = [1]} : vector<16xi32> to vector<1xi32>
        %squeeze3A_452 = vector.extract %slice3A_451[0] : i32 from vector<1xi32>
        %mul3A_453 = arith.constant 16 : i32
        %mul3A_454 = arith.muli %mul3A_453, %scan3A_330 : i32
        %add3A_455 = arith.constant 5 : i32
        %add3A_456 = arith.addi %mul3A_454, %add3A_455 : i32
        %lt3A_457 = arith.constant 20000 : i32
        %lt3A_458 = arith.cmpi slt, %squeeze3A_452, %lt3A_457 : i32
        %convert_element_type3A_459 = arith.extui %lt3A_458 : i1 to i32
        %cond3A_460 = arith.constant 0 : i32
        %cond3A_461 = arith.cmpi ne, %convert_element_type3A_459, %cond3A_460 : i32
        scf.if %cond3A_461 {
          %get3A_715 = arith.index_cast %add3A_456 : i32 to index
          %get3A_716 = arith.constant 0 : index
          %get3A_717 = tpu.vector_load %arg12[%get3A_715, %get3A_716] {strides = array<i32>} : memref<128x128xf32, #tpu.memory_space<vmem>>, vector<16xf32>,
          %swap3A_718 = arith.index_cast %add3A_456 : i32 to index
          %swap3A_719 = arith.constant 0 : index
          %swap3A_720 = tpu.vector_load %arg15[%swap3A_718, %swap3A_719] {strides = array<i32>} : memref<128x128xf32, #tpu.memory_space<vmem>>, vector<16xf32>,
          tpu.vector_store %arg15[%swap3A_718, %swap3A_719], %get3A_717 {strides = array<i32>} : memref<128x128xf32, #tpu.memory_space<vmem>>, vector<16xf32>,
          %get3A_721 = arith.index_cast %add3A_456 : i32 to index
          %get3A_722 = arith.constant 16 : index
          %get3A_723 = tpu.vector_load %arg12[%get3A_721, %get3A_722] {strides = array<i32>} : memref<128x128xf32, #tpu.memory_space<vmem>>, vector<16xf32>,
          %swap3A_724 = arith.index_cast %add3A_456 : i32 to index
          %swap3A_725 = arith.constant 16 : index
          %swap3A_726 = tpu.vector_load %arg15[%swap3A_724, %swap3A_725] {strides = array<i32>} : memref<128x128xf32, #tpu.memory_space<vmem>>, vector<16xf32>,
          tpu.vector_store %arg15[%swap3A_724, %swap3A_725], %get3A_723 {strides = array<i32>} : memref<128x128xf32, #tpu.memory_space<vmem>>, vector<16xf32>,
          %get3A_727 = arith.index_cast %add3A_456 : i32 to index
          %get3A_728 = arith.constant 32 : index
          %get3A_729 = tpu.vector_load %arg12[%get3A_727, %get3A_728] {strides = array<i32>} : memref<128x128xf32, #tpu.memory_space<vmem>>, vector<16xf32>,
          %swap3A_730 = arith.index_cast %add3A_456 : i32 to index
          %swap3A_731 = arith.constant 32 : index
          %swap3A_732 = tpu.vector_load %arg15[%swap3A_730, %swap3A_731] {strides = array<i32>} : memref<128x128xf32, #tpu.memory_space<vmem>>, vector<16xf32>,
          tpu.vector_store %arg15[%swap3A_730, %swap3A_731], %get3A_729 {strides = array<i32>} : memref<128x128xf32, #tpu.memory_space<vmem>>, vector<16xf32>,
          %get3A_733 = arith.index_cast %add3A_456 : i32 to index
          %get3A_734 = arith.constant 48 : index
          %get3A_735 = tpu.vector_load %arg12[%get3A_733, %get3A_734] {strides = array<i32>} : memref<128x128xf32, #tpu.memory_space<vmem>>, vector<16xf32>,
          %swap3A_736 = arith.index_cast %add3A_456 : i32 to index
          %swap3A_737 = arith.constant 48 : index
          %swap3A_738 = tpu.vector_load %arg15[%swap3A_736, %swap3A_737] {strides = array<i32>} : memref<128x128xf32, #tpu.memory_space<vmem>>, vector<16xf32>,
          tpu.vector_store %arg15[%swap3A_736, %swap3A_737], %get3A_735 {strides = array<i32>} : memref<128x128xf32, #tpu.memory_space<vmem>>, vector<16xf32>,
          %get3A_739 = arith.index_cast %add3A_456 : i32 to index
          %get3A_740 = arith.constant 64 : index
          %get3A_741 = tpu.vector_load %arg12[%get3A_739, %get3A_740] {strides = array<i32>} : memref<128x128xf32, #tpu.memory_space<vmem>>, vector<16xf32>,
          %swap3A_742 = arith.index_cast %add3A_456 : i32 to index
          %swap3A_743 = arith.constant 64 : index
          %swap3A_744 = tpu.vector_load %arg15[%swap3A_742, %swap3A_743] {strides = array<i32>} : memref<128x128xf32, #tpu.memory_space<vmem>>, vector<16xf32>,
          tpu.vector_store %arg15[%swap3A_742, %swap3A_743], %get3A_741 {strides = array<i32>} : memref<128x128xf32, #tpu.memory_space<vmem>>, vector<16xf32>,
          %get3A_745 = arith.index_cast %add3A_456 : i32 to index
          %get3A_746 = arith.constant 80 : index
          %get3A_747 = tpu.vector_load %arg12[%get3A_745, %get3A_746] {strides = array<i32>} : memref<128x128xf32, #tpu.memory_space<vmem>>, vector<16xf32>,
          %swap3A_748 = arith.index_cast %add3A_456 : i32 to index
          %swap3A_749 = arith.constant 80 : index
          %swap3A_750 = tpu.vector_load %arg15[%swap3A_748, %swap3A_749] {strides = array<i32>} : memref<128x128xf32, #tpu.memory_space<vmem>>, vector<16xf32>,
          tpu.vector_store %arg15[%swap3A_748, %swap3A_749], %get3A_747 {strides = array<i32>} : memref<128x128xf32, #tpu.memory_space<vmem>>, vector<16xf32>,
          %get3A_751 = arith.index_cast %add3A_456 : i32 to index
          %get3A_752 = arith.constant 96 : index
          %get3A_753 = tpu.vector_load %arg12[%get3A_751, %get3A_752] {strides = array<i32>} : memref<128x128xf32, #tpu.memory_space<vmem>>, vector<16xf32>,
          %swap3A_754 = arith.index_cast %add3A_456 : i32 to index
          %swap3A_755 = arith.constant 96 : index
          %swap3A_756 = tpu.vector_load %arg15[%swap3A_754, %swap3A_755] {strides = array<i32>} : memref<128x128xf32, #tpu.memory_space<vmem>>, vector<16xf32>,
          tpu.vector_store %arg15[%swap3A_754, %swap3A_755], %get3A_753 {strides = array<i32>} : memref<128x128xf32, #tpu.memory_space<vmem>>, vector<16xf32>,
          %get3A_757 = arith.index_cast %add3A_456 : i32 to index
          %get3A_758 = arith.constant 112 : index
          %get3A_759 = tpu.vector_load %arg12[%get3A_757, %get3A_758] {strides = array<i32>} : memref<128x128xf32, #tpu.memory_space<vmem>>, vector<16xf32>,
          %swap3A_760 = arith.index_cast %add3A_456 : i32 to index
          %swap3A_761 = arith.constant 112 : index
          %swap3A_762 = tpu.vector_load %arg15[%swap3A_760, %swap3A_761] {strides = array<i32>} : memref<128x128xf32, #tpu.memory_space<vmem>>, vector<16xf32>,
          tpu.vector_store %arg15[%swap3A_760, %swap3A_761], %get3A_759 {strides = array<i32>} : memref<128x128xf32, #tpu.memory_space<vmem>>, vector<16xf32>,
        } else {
        }
        %ge3A_462 = arith.constant 20000 : i32
        %ge3A_463 = arith.cmpi sge, %squeeze3A_452, %ge3A_462 : i32
        %lt3A_464 = arith.constant 200000 : i32
        %lt3A_465 = arith.cmpi slt, %squeeze3A_452, %lt3A_464 : i32
        %and3A_466 = arith.andi %ge3A_463, %lt3A_465 : i1
        %convert_element_type3A_467 = arith.extui %and3A_466 : i1 to i32
        %cond3A_468 = arith.constant 0 : i32
        %cond3A_469 = arith.cmpi ne, %convert_element_type3A_467, %cond3A_468 : i32
        scf.if %cond3A_469 {
          %get3A_715 = arith.index_cast %add3A_456 : i32 to index
          %get3A_716 = arith.constant 0 : index
          %get3A_717 = tpu.vector_load %arg13[%get3A_715, %get3A_716] {strides = array<i32>} : memref<128x32xf32, #tpu.memory_space<vmem>>, vector<16xf32>,
          %swap3A_718 = arith.index_cast %add3A_456 : i32 to index
          %swap3A_719 = arith.constant 0 : index
          %swap3A_720 = tpu.vector_load %arg16[%swap3A_718, %swap3A_719] {strides = array<i32>} : memref<128x48xf32, #tpu.memory_space<vmem>>, vector<16xf32>,
          tpu.vector_store %arg16[%swap3A_718, %swap3A_719], %get3A_717 {strides = array<i32>} : memref<128x48xf32, #tpu.memory_space<vmem>>, vector<16xf32>,
          %get3A_721 = arith.index_cast %add3A_456 : i32 to index
          %get3A_722 = arith.constant 16 : index
          %get3A_723 = tpu.vector_load %arg13[%get3A_721, %get3A_722] {strides = array<i32>} : memref<128x32xf32, #tpu.memory_space<vmem>>, vector<16xf32>,
          %swap3A_724 = arith.index_cast %add3A_456 : i32 to index
          %swap3A_725 = arith.constant 16 : index
          %swap3A_726 = tpu.vector_load %arg16[%swap3A_724, %swap3A_725] {strides = array<i32>} : memref<128x48xf32, #tpu.memory_space<vmem>>, vector<16xf32>,
          tpu.vector_store %arg16[%swap3A_724, %swap3A_725], %get3A_723 {strides = array<i32>} : memref<128x48xf32, #tpu.memory_space<vmem>>, vector<16xf32>,
        } else {
        }
        %ge3A_470 = arith.constant 200000 : i32
        %ge3A_471 = arith.cmpi sge, %squeeze3A_452, %ge3A_470 : i32
        %convert_element_type3A_472 = arith.extui %ge3A_471 : i1 to i32
        %cond3A_473 = arith.constant 0 : i32
        %cond3A_474 = arith.cmpi ne, %convert_element_type3A_472, %cond3A_473 : i32
        scf.if %cond3A_474 {
          %shift_right_arithmetic3A = arith.constant 3 : i32
          %shift_right_arithmetic3A_715 = vector.broadcast %shift_right_arithmetic3A : i32 to vector<16xi32>
          %shift_right_arithmetic3A_716 = arith.shrsi %iota3A, %shift_right_arithmetic3A_715 : vector<16xi32>
          %add3A_717 = vector.broadcast %add3A_456 : i32 to vector<16xi32>
          %add3A_718 = arith.addi %add3A_717, %shift_right_arithmetic3A_716 : vector<16xi32>
          %and3A_719 = arith.constant 7 : i32
          %and3A_720 = vector.broadcast %and3A_719 : i32 to vector<16xi32>
          %and3A_721 = arith.andi %iota3A, %and3A_720 : vector<16xi32>
          %gather3A = tpu.vector_load_idx %arg14[%add3A_718, %and3A_721] : memref<130x8xf32, #tpu.memory_space<vmem>>[vector<16xi32>, vector<16xi32>], vector<16xf32>,
          %lt3A_722 = arith.constant 8 : i32
          %lt3A_723 = vector.broadcast %lt3A_722 : i32 to vector<16xi32>
          %lt3A_724 = arith.cmpi slt, %iota3A, %lt3A_723 : vector<16xi32>
          %jit3A_725 = arith.constant 0.000000e+00 : f32
          %broadcast_in_dim3A_726 = vector.broadcast %jit3A_725 : f32 to vector<16xf32>
          %select_n3A_727 = arith.select %lt3A_724, %gather3A, %broadcast_in_dim3A_726 : vector<16xi1>, vector<16xf32>
          %swap3A_728 = arith.index_cast %add3A_456 : i32 to index
          %swap3A_729 = arith.constant 32 : index
          %swap3A_730 = tpu.vector_load %arg16[%swap3A_728, %swap3A_729] {strides = array<i32>} : memref<128x48xf32, #tpu.memory_space<vmem>>, vector<16xf32>,
          tpu.vector_store %arg16[%swap3A_728, %swap3A_729], %select_n3A_727 {strides = array<i32>} : memref<128x48xf32, #tpu.memory_space<vmem>>, vector<16xf32>,
        } else {
        }
        %slice3A_475 = vector.extract_strided_slice %get3A_334 {offsets = [6], sizes = [1], strides = [1]} : vector<16xi32> to vector<1xi32>
        %squeeze3A_476 = vector.extract %slice3A_475[0] : i32 from vector<1xi32>
        %mul3A_477 = arith.constant 16 : i32
        %mul3A_478 = arith.muli %mul3A_477, %scan3A_330 : i32
        %add3A_479 = arith.constant 6 : i32
        %add3A_480 = arith.addi %mul3A_478, %add3A_479 : i32
        %lt3A_481 = arith.constant 20000 : i32
        %lt3A_482 = arith.cmpi slt, %squeeze3A_476, %lt3A_481 : i32
        %convert_element_type3A_483 = arith.extui %lt3A_482 : i1 to i32
        %cond3A_484 = arith.constant 0 : i32
        %cond3A_485 = arith.cmpi ne, %convert_element_type3A_483, %cond3A_484 : i32
        scf.if %cond3A_485 {
          %get3A_715 = arith.index_cast %add3A_480 : i32 to index
          %get3A_716 = arith.constant 0 : index
          %get3A_717 = tpu.vector_load %arg12[%get3A_715, %get3A_716] {strides = array<i32>} : memref<128x128xf32, #tpu.memory_space<vmem>>, vector<16xf32>,
          %swap3A_718 = arith.index_cast %add3A_480 : i32 to index
          %swap3A_719 = arith.constant 0 : index
          %swap3A_720 = tpu.vector_load %arg15[%swap3A_718, %swap3A_719] {strides = array<i32>} : memref<128x128xf32, #tpu.memory_space<vmem>>, vector<16xf32>,
          tpu.vector_store %arg15[%swap3A_718, %swap3A_719], %get3A_717 {strides = array<i32>} : memref<128x128xf32, #tpu.memory_space<vmem>>, vector<16xf32>,
          %get3A_721 = arith.index_cast %add3A_480 : i32 to index
          %get3A_722 = arith.constant 16 : index
          %get3A_723 = tpu.vector_load %arg12[%get3A_721, %get3A_722] {strides = array<i32>} : memref<128x128xf32, #tpu.memory_space<vmem>>, vector<16xf32>,
          %swap3A_724 = arith.index_cast %add3A_480 : i32 to index
          %swap3A_725 = arith.constant 16 : index
          %swap3A_726 = tpu.vector_load %arg15[%swap3A_724, %swap3A_725] {strides = array<i32>} : memref<128x128xf32, #tpu.memory_space<vmem>>, vector<16xf32>,
          tpu.vector_store %arg15[%swap3A_724, %swap3A_725], %get3A_723 {strides = array<i32>} : memref<128x128xf32, #tpu.memory_space<vmem>>, vector<16xf32>,
          %get3A_727 = arith.index_cast %add3A_480 : i32 to index
          %get3A_728 = arith.constant 32 : index
          %get3A_729 = tpu.vector_load %arg12[%get3A_727, %get3A_728] {strides = array<i32>} : memref<128x128xf32, #tpu.memory_space<vmem>>, vector<16xf32>,
          %swap3A_730 = arith.index_cast %add3A_480 : i32 to index
          %swap3A_731 = arith.constant 32 : index
          %swap3A_732 = tpu.vector_load %arg15[%swap3A_730, %swap3A_731] {strides = array<i32>} : memref<128x128xf32, #tpu.memory_space<vmem>>, vector<16xf32>,
          tpu.vector_store %arg15[%swap3A_730, %swap3A_731], %get3A_729 {strides = array<i32>} : memref<128x128xf32, #tpu.memory_space<vmem>>, vector<16xf32>,
          %get3A_733 = arith.index_cast %add3A_480 : i32 to index
          %get3A_734 = arith.constant 48 : index
          %get3A_735 = tpu.vector_load %arg12[%get3A_733, %get3A_734] {strides = array<i32>} : memref<128x128xf32, #tpu.memory_space<vmem>>, vector<16xf32>,
          %swap3A_736 = arith.index_cast %add3A_480 : i32 to index
          %swap3A_737 = arith.constant 48 : index
          %swap3A_738 = tpu.vector_load %arg15[%swap3A_736, %swap3A_737] {strides = array<i32>} : memref<128x128xf32, #tpu.memory_space<vmem>>, vector<16xf32>,
          tpu.vector_store %arg15[%swap3A_736, %swap3A_737], %get3A_735 {strides = array<i32>} : memref<128x128xf32, #tpu.memory_space<vmem>>, vector<16xf32>,
          %get3A_739 = arith.index_cast %add3A_480 : i32 to index
          %get3A_740 = arith.constant 64 : index
          %get3A_741 = tpu.vector_load %arg12[%get3A_739, %get3A_740] {strides = array<i32>} : memref<128x128xf32, #tpu.memory_space<vmem>>, vector<16xf32>,
          %swap3A_742 = arith.index_cast %add3A_480 : i32 to index
          %swap3A_743 = arith.constant 64 : index
          %swap3A_744 = tpu.vector_load %arg15[%swap3A_742, %swap3A_743] {strides = array<i32>} : memref<128x128xf32, #tpu.memory_space<vmem>>, vector<16xf32>,
          tpu.vector_store %arg15[%swap3A_742, %swap3A_743], %get3A_741 {strides = array<i32>} : memref<128x128xf32, #tpu.memory_space<vmem>>, vector<16xf32>,
          %get3A_745 = arith.index_cast %add3A_480 : i32 to index
          %get3A_746 = arith.constant 80 : index
          %get3A_747 = tpu.vector_load %arg12[%get3A_745, %get3A_746] {strides = array<i32>} : memref<128x128xf32, #tpu.memory_space<vmem>>, vector<16xf32>,
          %swap3A_748 = arith.index_cast %add3A_480 : i32 to index
          %swap3A_749 = arith.constant 80 : index
          %swap3A_750 = tpu.vector_load %arg15[%swap3A_748, %swap3A_749] {strides = array<i32>} : memref<128x128xf32, #tpu.memory_space<vmem>>, vector<16xf32>,
          tpu.vector_store %arg15[%swap3A_748, %swap3A_749], %get3A_747 {strides = array<i32>} : memref<128x128xf32, #tpu.memory_space<vmem>>, vector<16xf32>,
          %get3A_751 = arith.index_cast %add3A_480 : i32 to index
          %get3A_752 = arith.constant 96 : index
          %get3A_753 = tpu.vector_load %arg12[%get3A_751, %get3A_752] {strides = array<i32>} : memref<128x128xf32, #tpu.memory_space<vmem>>, vector<16xf32>,
          %swap3A_754 = arith.index_cast %add3A_480 : i32 to index
          %swap3A_755 = arith.constant 96 : index
          %swap3A_756 = tpu.vector_load %arg15[%swap3A_754, %swap3A_755] {strides = array<i32>} : memref<128x128xf32, #tpu.memory_space<vmem>>, vector<16xf32>,
          tpu.vector_store %arg15[%swap3A_754, %swap3A_755], %get3A_753 {strides = array<i32>} : memref<128x128xf32, #tpu.memory_space<vmem>>, vector<16xf32>,
          %get3A_757 = arith.index_cast %add3A_480 : i32 to index
          %get3A_758 = arith.constant 112 : index
          %get3A_759 = tpu.vector_load %arg12[%get3A_757, %get3A_758] {strides = array<i32>} : memref<128x128xf32, #tpu.memory_space<vmem>>, vector<16xf32>,
          %swap3A_760 = arith.index_cast %add3A_480 : i32 to index
          %swap3A_761 = arith.constant 112 : index
          %swap3A_762 = tpu.vector_load %arg15[%swap3A_760, %swap3A_761] {strides = array<i32>} : memref<128x128xf32, #tpu.memory_space<vmem>>, vector<16xf32>,
          tpu.vector_store %arg15[%swap3A_760, %swap3A_761], %get3A_759 {strides = array<i32>} : memref<128x128xf32, #tpu.memory_space<vmem>>, vector<16xf32>,
        } else {
        }
        %ge3A_486 = arith.constant 20000 : i32
        %ge3A_487 = arith.cmpi sge, %squeeze3A_476, %ge3A_486 : i32
        %lt3A_488 = arith.constant 200000 : i32
        %lt3A_489 = arith.cmpi slt, %squeeze3A_476, %lt3A_488 : i32
        %and3A_490 = arith.andi %ge3A_487, %lt3A_489 : i1
        %convert_element_type3A_491 = arith.extui %and3A_490 : i1 to i32
        %cond3A_492 = arith.constant 0 : i32
        %cond3A_493 = arith.cmpi ne, %convert_element_type3A_491, %cond3A_492 : i32
        scf.if %cond3A_493 {
          %get3A_715 = arith.index_cast %add3A_480 : i32 to index
          %get3A_716 = arith.constant 0 : index
          %get3A_717 = tpu.vector_load %arg13[%get3A_715, %get3A_716] {strides = array<i32>} : memref<128x32xf32, #tpu.memory_space<vmem>>, vector<16xf32>,
          %swap3A_718 = arith.index_cast %add3A_480 : i32 to index
          %swap3A_719 = arith.constant 0 : index
          %swap3A_720 = tpu.vector_load %arg16[%swap3A_718, %swap3A_719] {strides = array<i32>} : memref<128x48xf32, #tpu.memory_space<vmem>>, vector<16xf32>,
          tpu.vector_store %arg16[%swap3A_718, %swap3A_719], %get3A_717 {strides = array<i32>} : memref<128x48xf32, #tpu.memory_space<vmem>>, vector<16xf32>,
          %get3A_721 = arith.index_cast %add3A_480 : i32 to index
          %get3A_722 = arith.constant 16 : index
          %get3A_723 = tpu.vector_load %arg13[%get3A_721, %get3A_722] {strides = array<i32>} : memref<128x32xf32, #tpu.memory_space<vmem>>, vector<16xf32>,
          %swap3A_724 = arith.index_cast %add3A_480 : i32 to index
          %swap3A_725 = arith.constant 16 : index
          %swap3A_726 = tpu.vector_load %arg16[%swap3A_724, %swap3A_725] {strides = array<i32>} : memref<128x48xf32, #tpu.memory_space<vmem>>, vector<16xf32>,
          tpu.vector_store %arg16[%swap3A_724, %swap3A_725], %get3A_723 {strides = array<i32>} : memref<128x48xf32, #tpu.memory_space<vmem>>, vector<16xf32>,
        } else {
        }
        %ge3A_494 = arith.constant 200000 : i32
        %ge3A_495 = arith.cmpi sge, %squeeze3A_476, %ge3A_494 : i32
        %convert_element_type3A_496 = arith.extui %ge3A_495 : i1 to i32
        %cond3A_497 = arith.constant 0 : i32
        %cond3A_498 = arith.cmpi ne, %convert_element_type3A_496, %cond3A_497 : i32
        scf.if %cond3A_498 {
          %shift_right_arithmetic3A = arith.constant 3 : i32
          %shift_right_arithmetic3A_715 = vector.broadcast %shift_right_arithmetic3A : i32 to vector<16xi32>
          %shift_right_arithmetic3A_716 = arith.shrsi %iota3A, %shift_right_arithmetic3A_715 : vector<16xi32>
          %add3A_717 = vector.broadcast %add3A_480 : i32 to vector<16xi32>
          %add3A_718 = arith.addi %add3A_717, %shift_right_arithmetic3A_716 : vector<16xi32>
          %and3A_719 = arith.constant 7 : i32
          %and3A_720 = vector.broadcast %and3A_719 : i32 to vector<16xi32>
          %and3A_721 = arith.andi %iota3A, %and3A_720 : vector<16xi32>
          %gather3A = tpu.vector_load_idx %arg14[%add3A_718, %and3A_721] : memref<130x8xf32, #tpu.memory_space<vmem>>[vector<16xi32>, vector<16xi32>], vector<16xf32>,
          %lt3A_722 = arith.constant 8 : i32
          %lt3A_723 = vector.broadcast %lt3A_722 : i32 to vector<16xi32>
          %lt3A_724 = arith.cmpi slt, %iota3A, %lt3A_723 : vector<16xi32>
          %jit3A_725 = arith.constant 0.000000e+00 : f32
          %broadcast_in_dim3A_726 = vector.broadcast %jit3A_725 : f32 to vector<16xf32>
          %select_n3A_727 = arith.select %lt3A_724, %gather3A, %broadcast_in_dim3A_726 : vector<16xi1>, vector<16xf32>
          %swap3A_728 = arith.index_cast %add3A_480 : i32 to index
          %swap3A_729 = arith.constant 32 : index
          %swap3A_730 = tpu.vector_load %arg16[%swap3A_728, %swap3A_729] {strides = array<i32>} : memref<128x48xf32, #tpu.memory_space<vmem>>, vector<16xf32>,
          tpu.vector_store %arg16[%swap3A_728, %swap3A_729], %select_n3A_727 {strides = array<i32>} : memref<128x48xf32, #tpu.memory_space<vmem>>, vector<16xf32>,
        } else {
        }
        %slice3A_499 = vector.extract_strided_slice %get3A_334 {offsets = [7], sizes = [1], strides = [1]} : vector<16xi32> to vector<1xi32>
        %squeeze3A_500 = vector.extract %slice3A_499[0] : i32 from vector<1xi32>
        %mul3A_501 = arith.constant 16 : i32
        %mul3A_502 = arith.muli %mul3A_501, %scan3A_330 : i32
        %add3A_503 = arith.constant 7 : i32
        %add3A_504 = arith.addi %mul3A_502, %add3A_503 : i32
        %lt3A_505 = arith.constant 20000 : i32
        %lt3A_506 = arith.cmpi slt, %squeeze3A_500, %lt3A_505 : i32
        %convert_element_type3A_507 = arith.extui %lt3A_506 : i1 to i32
        %cond3A_508 = arith.constant 0 : i32
        %cond3A_509 = arith.cmpi ne, %convert_element_type3A_507, %cond3A_508 : i32
        scf.if %cond3A_509 {
          %get3A_715 = arith.index_cast %add3A_504 : i32 to index
          %get3A_716 = arith.constant 0 : index
          %get3A_717 = tpu.vector_load %arg12[%get3A_715, %get3A_716] {strides = array<i32>} : memref<128x128xf32, #tpu.memory_space<vmem>>, vector<16xf32>,
          %swap3A_718 = arith.index_cast %add3A_504 : i32 to index
          %swap3A_719 = arith.constant 0 : index
          %swap3A_720 = tpu.vector_load %arg15[%swap3A_718, %swap3A_719] {strides = array<i32>} : memref<128x128xf32, #tpu.memory_space<vmem>>, vector<16xf32>,
          tpu.vector_store %arg15[%swap3A_718, %swap3A_719], %get3A_717 {strides = array<i32>} : memref<128x128xf32, #tpu.memory_space<vmem>>, vector<16xf32>,
          %get3A_721 = arith.index_cast %add3A_504 : i32 to index
          %get3A_722 = arith.constant 16 : index
          %get3A_723 = tpu.vector_load %arg12[%get3A_721, %get3A_722] {strides = array<i32>} : memref<128x128xf32, #tpu.memory_space<vmem>>, vector<16xf32>,
          %swap3A_724 = arith.index_cast %add3A_504 : i32 to index
          %swap3A_725 = arith.constant 16 : index
          %swap3A_726 = tpu.vector_load %arg15[%swap3A_724, %swap3A_725] {strides = array<i32>} : memref<128x128xf32, #tpu.memory_space<vmem>>, vector<16xf32>,
          tpu.vector_store %arg15[%swap3A_724, %swap3A_725], %get3A_723 {strides = array<i32>} : memref<128x128xf32, #tpu.memory_space<vmem>>, vector<16xf32>,
          %get3A_727 = arith.index_cast %add3A_504 : i32 to index
          %get3A_728 = arith.constant 32 : index
          %get3A_729 = tpu.vector_load %arg12[%get3A_727, %get3A_728] {strides = array<i32>} : memref<128x128xf32, #tpu.memory_space<vmem>>, vector<16xf32>,
          %swap3A_730 = arith.index_cast %add3A_504 : i32 to index
          %swap3A_731 = arith.constant 32 : index
          %swap3A_732 = tpu.vector_load %arg15[%swap3A_730, %swap3A_731] {strides = array<i32>} : memref<128x128xf32, #tpu.memory_space<vmem>>, vector<16xf32>,
          tpu.vector_store %arg15[%swap3A_730, %swap3A_731], %get3A_729 {strides = array<i32>} : memref<128x128xf32, #tpu.memory_space<vmem>>, vector<16xf32>,
          %get3A_733 = arith.index_cast %add3A_504 : i32 to index
          %get3A_734 = arith.constant 48 : index
          %get3A_735 = tpu.vector_load %arg12[%get3A_733, %get3A_734] {strides = array<i32>} : memref<128x128xf32, #tpu.memory_space<vmem>>, vector<16xf32>,
          %swap3A_736 = arith.index_cast %add3A_504 : i32 to index
          %swap3A_737 = arith.constant 48 : index
          %swap3A_738 = tpu.vector_load %arg15[%swap3A_736, %swap3A_737] {strides = array<i32>} : memref<128x128xf32, #tpu.memory_space<vmem>>, vector<16xf32>,
          tpu.vector_store %arg15[%swap3A_736, %swap3A_737], %get3A_735 {strides = array<i32>} : memref<128x128xf32, #tpu.memory_space<vmem>>, vector<16xf32>,
          %get3A_739 = arith.index_cast %add3A_504 : i32 to index
          %get3A_740 = arith.constant 64 : index
          %get3A_741 = tpu.vector_load %arg12[%get3A_739, %get3A_740] {strides = array<i32>} : memref<128x128xf32, #tpu.memory_space<vmem>>, vector<16xf32>,
          %swap3A_742 = arith.index_cast %add3A_504 : i32 to index
          %swap3A_743 = arith.constant 64 : index
          %swap3A_744 = tpu.vector_load %arg15[%swap3A_742, %swap3A_743] {strides = array<i32>} : memref<128x128xf32, #tpu.memory_space<vmem>>, vector<16xf32>,
          tpu.vector_store %arg15[%swap3A_742, %swap3A_743], %get3A_741 {strides = array<i32>} : memref<128x128xf32, #tpu.memory_space<vmem>>, vector<16xf32>,
          %get3A_745 = arith.index_cast %add3A_504 : i32 to index
          %get3A_746 = arith.constant 80 : index
          %get3A_747 = tpu.vector_load %arg12[%get3A_745, %get3A_746] {strides = array<i32>} : memref<128x128xf32, #tpu.memory_space<vmem>>, vector<16xf32>,
          %swap3A_748 = arith.index_cast %add3A_504 : i32 to index
          %swap3A_749 = arith.constant 80 : index
          %swap3A_750 = tpu.vector_load %arg15[%swap3A_748, %swap3A_749] {strides = array<i32>} : memref<128x128xf32, #tpu.memory_space<vmem>>, vector<16xf32>,
          tpu.vector_store %arg15[%swap3A_748, %swap3A_749], %get3A_747 {strides = array<i32>} : memref<128x128xf32, #tpu.memory_space<vmem>>, vector<16xf32>,
          %get3A_751 = arith.index_cast %add3A_504 : i32 to index
          %get3A_752 = arith.constant 96 : index
          %get3A_753 = tpu.vector_load %arg12[%get3A_751, %get3A_752] {strides = array<i32>} : memref<128x128xf32, #tpu.memory_space<vmem>>, vector<16xf32>,
          %swap3A_754 = arith.index_cast %add3A_504 : i32 to index
          %swap3A_755 = arith.constant 96 : index
          %swap3A_756 = tpu.vector_load %arg15[%swap3A_754, %swap3A_755] {strides = array<i32>} : memref<128x128xf32, #tpu.memory_space<vmem>>, vector<16xf32>,
          tpu.vector_store %arg15[%swap3A_754, %swap3A_755], %get3A_753 {strides = array<i32>} : memref<128x128xf32, #tpu.memory_space<vmem>>, vector<16xf32>,
          %get3A_757 = arith.index_cast %add3A_504 : i32 to index
          %get3A_758 = arith.constant 112 : index
          %get3A_759 = tpu.vector_load %arg12[%get3A_757, %get3A_758] {strides = array<i32>} : memref<128x128xf32, #tpu.memory_space<vmem>>, vector<16xf32>,
          %swap3A_760 = arith.index_cast %add3A_504 : i32 to index
          %swap3A_761 = arith.constant 112 : index
          %swap3A_762 = tpu.vector_load %arg15[%swap3A_760, %swap3A_761] {strides = array<i32>} : memref<128x128xf32, #tpu.memory_space<vmem>>, vector<16xf32>,
          tpu.vector_store %arg15[%swap3A_760, %swap3A_761], %get3A_759 {strides = array<i32>} : memref<128x128xf32, #tpu.memory_space<vmem>>, vector<16xf32>,
        } else {
        }
        %ge3A_510 = arith.constant 20000 : i32
        %ge3A_511 = arith.cmpi sge, %squeeze3A_500, %ge3A_510 : i32
        %lt3A_512 = arith.constant 200000 : i32
        %lt3A_513 = arith.cmpi slt, %squeeze3A_500, %lt3A_512 : i32
        %and3A_514 = arith.andi %ge3A_511, %lt3A_513 : i1
        %convert_element_type3A_515 = arith.extui %and3A_514 : i1 to i32
        %cond3A_516 = arith.constant 0 : i32
        %cond3A_517 = arith.cmpi ne, %convert_element_type3A_515, %cond3A_516 : i32
        scf.if %cond3A_517 {
          %get3A_715 = arith.index_cast %add3A_504 : i32 to index
          %get3A_716 = arith.constant 0 : index
          %get3A_717 = tpu.vector_load %arg13[%get3A_715, %get3A_716] {strides = array<i32>} : memref<128x32xf32, #tpu.memory_space<vmem>>, vector<16xf32>,
          %swap3A_718 = arith.index_cast %add3A_504 : i32 to index
          %swap3A_719 = arith.constant 0 : index
          %swap3A_720 = tpu.vector_load %arg16[%swap3A_718, %swap3A_719] {strides = array<i32>} : memref<128x48xf32, #tpu.memory_space<vmem>>, vector<16xf32>,
          tpu.vector_store %arg16[%swap3A_718, %swap3A_719], %get3A_717 {strides = array<i32>} : memref<128x48xf32, #tpu.memory_space<vmem>>, vector<16xf32>,
          %get3A_721 = arith.index_cast %add3A_504 : i32 to index
          %get3A_722 = arith.constant 16 : index
          %get3A_723 = tpu.vector_load %arg13[%get3A_721, %get3A_722] {strides = array<i32>} : memref<128x32xf32, #tpu.memory_space<vmem>>, vector<16xf32>,
          %swap3A_724 = arith.index_cast %add3A_504 : i32 to index
          %swap3A_725 = arith.constant 16 : index
          %swap3A_726 = tpu.vector_load %arg16[%swap3A_724, %swap3A_725] {strides = array<i32>} : memref<128x48xf32, #tpu.memory_space<vmem>>, vector<16xf32>,
          tpu.vector_store %arg16[%swap3A_724, %swap3A_725], %get3A_723 {strides = array<i32>} : memref<128x48xf32, #tpu.memory_space<vmem>>, vector<16xf32>,
        } else {
        }
        %ge3A_518 = arith.constant 200000 : i32
        %ge3A_519 = arith.cmpi sge, %squeeze3A_500, %ge3A_518 : i32
        %convert_element_type3A_520 = arith.extui %ge3A_519 : i1 to i32
        %cond3A_521 = arith.constant 0 : i32
        %cond3A_522 = arith.cmpi ne, %convert_element_type3A_520, %cond3A_521 : i32
        scf.if %cond3A_522 {
          %shift_right_arithmetic3A = arith.constant 3 : i32
          %shift_right_arithmetic3A_715 = vector.broadcast %shift_right_arithmetic3A : i32 to vector<16xi32>
          %shift_right_arithmetic3A_716 = arith.shrsi %iota3A, %shift_right_arithmetic3A_715 : vector<16xi32>
          %add3A_717 = vector.broadcast %add3A_504 : i32 to vector<16xi32>
          %add3A_718 = arith.addi %add3A_717, %shift_right_arithmetic3A_716 : vector<16xi32>
          %and3A_719 = arith.constant 7 : i32
          %and3A_720 = vector.broadcast %and3A_719 : i32 to vector<16xi32>
          %and3A_721 = arith.andi %iota3A, %and3A_720 : vector<16xi32>
          %gather3A = tpu.vector_load_idx %arg14[%add3A_718, %and3A_721] : memref<130x8xf32, #tpu.memory_space<vmem>>[vector<16xi32>, vector<16xi32>], vector<16xf32>,
          %lt3A_722 = arith.constant 8 : i32
          %lt3A_723 = vector.broadcast %lt3A_722 : i32 to vector<16xi32>
          %lt3A_724 = arith.cmpi slt, %iota3A, %lt3A_723 : vector<16xi32>
          %jit3A_725 = arith.constant 0.000000e+00 : f32
          %broadcast_in_dim3A_726 = vector.broadcast %jit3A_725 : f32 to vector<16xf32>
          %select_n3A_727 = arith.select %lt3A_724, %gather3A, %broadcast_in_dim3A_726 : vector<16xi1>, vector<16xf32>
          %swap3A_728 = arith.index_cast %add3A_504 : i32 to index
          %swap3A_729 = arith.constant 32 : index
          %swap3A_730 = tpu.vector_load %arg16[%swap3A_728, %swap3A_729] {strides = array<i32>} : memref<128x48xf32, #tpu.memory_space<vmem>>, vector<16xf32>,
          tpu.vector_store %arg16[%swap3A_728, %swap3A_729], %select_n3A_727 {strides = array<i32>} : memref<128x48xf32, #tpu.memory_space<vmem>>, vector<16xf32>,
        } else {
        }
        %slice3A_523 = vector.extract_strided_slice %get3A_334 {offsets = [8], sizes = [1], strides = [1]} : vector<16xi32> to vector<1xi32>
        %squeeze3A_524 = vector.extract %slice3A_523[0] : i32 from vector<1xi32>
        %mul3A_525 = arith.constant 16 : i32
        %mul3A_526 = arith.muli %mul3A_525, %scan3A_330 : i32
        %add3A_527 = arith.constant 8 : i32
        %add3A_528 = arith.addi %mul3A_526, %add3A_527 : i32
        %lt3A_529 = arith.constant 20000 : i32
        %lt3A_530 = arith.cmpi slt, %squeeze3A_524, %lt3A_529 : i32
        %convert_element_type3A_531 = arith.extui %lt3A_530 : i1 to i32
        %cond3A_532 = arith.constant 0 : i32
        %cond3A_533 = arith.cmpi ne, %convert_element_type3A_531, %cond3A_532 : i32
        scf.if %cond3A_533 {
          %get3A_715 = arith.index_cast %add3A_528 : i32 to index
          %get3A_716 = arith.constant 0 : index
          %get3A_717 = tpu.vector_load %arg12[%get3A_715, %get3A_716] {strides = array<i32>} : memref<128x128xf32, #tpu.memory_space<vmem>>, vector<16xf32>,
          %swap3A_718 = arith.index_cast %add3A_528 : i32 to index
          %swap3A_719 = arith.constant 0 : index
          %swap3A_720 = tpu.vector_load %arg15[%swap3A_718, %swap3A_719] {strides = array<i32>} : memref<128x128xf32, #tpu.memory_space<vmem>>, vector<16xf32>,
          tpu.vector_store %arg15[%swap3A_718, %swap3A_719], %get3A_717 {strides = array<i32>} : memref<128x128xf32, #tpu.memory_space<vmem>>, vector<16xf32>,
          %get3A_721 = arith.index_cast %add3A_528 : i32 to index
          %get3A_722 = arith.constant 16 : index
          %get3A_723 = tpu.vector_load %arg12[%get3A_721, %get3A_722] {strides = array<i32>} : memref<128x128xf32, #tpu.memory_space<vmem>>, vector<16xf32>,
          %swap3A_724 = arith.index_cast %add3A_528 : i32 to index
          %swap3A_725 = arith.constant 16 : index
          %swap3A_726 = tpu.vector_load %arg15[%swap3A_724, %swap3A_725] {strides = array<i32>} : memref<128x128xf32, #tpu.memory_space<vmem>>, vector<16xf32>,
          tpu.vector_store %arg15[%swap3A_724, %swap3A_725], %get3A_723 {strides = array<i32>} : memref<128x128xf32, #tpu.memory_space<vmem>>, vector<16xf32>,
          %get3A_727 = arith.index_cast %add3A_528 : i32 to index
          %get3A_728 = arith.constant 32 : index
          %get3A_729 = tpu.vector_load %arg12[%get3A_727, %get3A_728] {strides = array<i32>} : memref<128x128xf32, #tpu.memory_space<vmem>>, vector<16xf32>,
          %swap3A_730 = arith.index_cast %add3A_528 : i32 to index
          %swap3A_731 = arith.constant 32 : index
          %swap3A_732 = tpu.vector_load %arg15[%swap3A_730, %swap3A_731] {strides = array<i32>} : memref<128x128xf32, #tpu.memory_space<vmem>>, vector<16xf32>,
          tpu.vector_store %arg15[%swap3A_730, %swap3A_731], %get3A_729 {strides = array<i32>} : memref<128x128xf32, #tpu.memory_space<vmem>>, vector<16xf32>,
          %get3A_733 = arith.index_cast %add3A_528 : i32 to index
          %get3A_734 = arith.constant 48 : index
          %get3A_735 = tpu.vector_load %arg12[%get3A_733, %get3A_734] {strides = array<i32>} : memref<128x128xf32, #tpu.memory_space<vmem>>, vector<16xf32>,
          %swap3A_736 = arith.index_cast %add3A_528 : i32 to index
          %swap3A_737 = arith.constant 48 : index
          %swap3A_738 = tpu.vector_load %arg15[%swap3A_736, %swap3A_737] {strides = array<i32>} : memref<128x128xf32, #tpu.memory_space<vmem>>, vector<16xf32>,
          tpu.vector_store %arg15[%swap3A_736, %swap3A_737], %get3A_735 {strides = array<i32>} : memref<128x128xf32, #tpu.memory_space<vmem>>, vector<16xf32>,
          %get3A_739 = arith.index_cast %add3A_528 : i32 to index
          %get3A_740 = arith.constant 64 : index
          %get3A_741 = tpu.vector_load %arg12[%get3A_739, %get3A_740] {strides = array<i32>} : memref<128x128xf32, #tpu.memory_space<vmem>>, vector<16xf32>,
          %swap3A_742 = arith.index_cast %add3A_528 : i32 to index
          %swap3A_743 = arith.constant 64 : index
          %swap3A_744 = tpu.vector_load %arg15[%swap3A_742, %swap3A_743] {strides = array<i32>} : memref<128x128xf32, #tpu.memory_space<vmem>>, vector<16xf32>,
          tpu.vector_store %arg15[%swap3A_742, %swap3A_743], %get3A_741 {strides = array<i32>} : memref<128x128xf32, #tpu.memory_space<vmem>>, vector<16xf32>,
          %get3A_745 = arith.index_cast %add3A_528 : i32 to index
          %get3A_746 = arith.constant 80 : index
          %get3A_747 = tpu.vector_load %arg12[%get3A_745, %get3A_746] {strides = array<i32>} : memref<128x128xf32, #tpu.memory_space<vmem>>, vector<16xf32>,
          %swap3A_748 = arith.index_cast %add3A_528 : i32 to index
          %swap3A_749 = arith.constant 80 : index
          %swap3A_750 = tpu.vector_load %arg15[%swap3A_748, %swap3A_749] {strides = array<i32>} : memref<128x128xf32, #tpu.memory_space<vmem>>, vector<16xf32>,
          tpu.vector_store %arg15[%swap3A_748, %swap3A_749], %get3A_747 {strides = array<i32>} : memref<128x128xf32, #tpu.memory_space<vmem>>, vector<16xf32>,
          %get3A_751 = arith.index_cast %add3A_528 : i32 to index
          %get3A_752 = arith.constant 96 : index
          %get3A_753 = tpu.vector_load %arg12[%get3A_751, %get3A_752] {strides = array<i32>} : memref<128x128xf32, #tpu.memory_space<vmem>>, vector<16xf32>,
          %swap3A_754 = arith.index_cast %add3A_528 : i32 to index
          %swap3A_755 = arith.constant 96 : index
          %swap3A_756 = tpu.vector_load %arg15[%swap3A_754, %swap3A_755] {strides = array<i32>} : memref<128x128xf32, #tpu.memory_space<vmem>>, vector<16xf32>,
          tpu.vector_store %arg15[%swap3A_754, %swap3A_755], %get3A_753 {strides = array<i32>} : memref<128x128xf32, #tpu.memory_space<vmem>>, vector<16xf32>,
          %get3A_757 = arith.index_cast %add3A_528 : i32 to index
          %get3A_758 = arith.constant 112 : index
          %get3A_759 = tpu.vector_load %arg12[%get3A_757, %get3A_758] {strides = array<i32>} : memref<128x128xf32, #tpu.memory_space<vmem>>, vector<16xf32>,
          %swap3A_760 = arith.index_cast %add3A_528 : i32 to index
          %swap3A_761 = arith.constant 112 : index
          %swap3A_762 = tpu.vector_load %arg15[%swap3A_760, %swap3A_761] {strides = array<i32>} : memref<128x128xf32, #tpu.memory_space<vmem>>, vector<16xf32>,
          tpu.vector_store %arg15[%swap3A_760, %swap3A_761], %get3A_759 {strides = array<i32>} : memref<128x128xf32, #tpu.memory_space<vmem>>, vector<16xf32>,
        } else {
        }
        %ge3A_534 = arith.constant 20000 : i32
        %ge3A_535 = arith.cmpi sge, %squeeze3A_524, %ge3A_534 : i32
        %lt3A_536 = arith.constant 200000 : i32
        %lt3A_537 = arith.cmpi slt, %squeeze3A_524, %lt3A_536 : i32
        %and3A_538 = arith.andi %ge3A_535, %lt3A_537 : i1
        %convert_element_type3A_539 = arith.extui %and3A_538 : i1 to i32
        %cond3A_540 = arith.constant 0 : i32
        %cond3A_541 = arith.cmpi ne, %convert_element_type3A_539, %cond3A_540 : i32
        scf.if %cond3A_541 {
          %get3A_715 = arith.index_cast %add3A_528 : i32 to index
          %get3A_716 = arith.constant 0 : index
          %get3A_717 = tpu.vector_load %arg13[%get3A_715, %get3A_716] {strides = array<i32>} : memref<128x32xf32, #tpu.memory_space<vmem>>, vector<16xf32>,
          %swap3A_718 = arith.index_cast %add3A_528 : i32 to index
          %swap3A_719 = arith.constant 0 : index
          %swap3A_720 = tpu.vector_load %arg16[%swap3A_718, %swap3A_719] {strides = array<i32>} : memref<128x48xf32, #tpu.memory_space<vmem>>, vector<16xf32>,
          tpu.vector_store %arg16[%swap3A_718, %swap3A_719], %get3A_717 {strides = array<i32>} : memref<128x48xf32, #tpu.memory_space<vmem>>, vector<16xf32>,
          %get3A_721 = arith.index_cast %add3A_528 : i32 to index
          %get3A_722 = arith.constant 16 : index
          %get3A_723 = tpu.vector_load %arg13[%get3A_721, %get3A_722] {strides = array<i32>} : memref<128x32xf32, #tpu.memory_space<vmem>>, vector<16xf32>,
          %swap3A_724 = arith.index_cast %add3A_528 : i32 to index
          %swap3A_725 = arith.constant 16 : index
          %swap3A_726 = tpu.vector_load %arg16[%swap3A_724, %swap3A_725] {strides = array<i32>} : memref<128x48xf32, #tpu.memory_space<vmem>>, vector<16xf32>,
          tpu.vector_store %arg16[%swap3A_724, %swap3A_725], %get3A_723 {strides = array<i32>} : memref<128x48xf32, #tpu.memory_space<vmem>>, vector<16xf32>,
        } else {
        }
        %ge3A_542 = arith.constant 200000 : i32
        %ge3A_543 = arith.cmpi sge, %squeeze3A_524, %ge3A_542 : i32
        %convert_element_type3A_544 = arith.extui %ge3A_543 : i1 to i32
        %cond3A_545 = arith.constant 0 : i32
        %cond3A_546 = arith.cmpi ne, %convert_element_type3A_544, %cond3A_545 : i32
        scf.if %cond3A_546 {
          %shift_right_arithmetic3A = arith.constant 3 : i32
          %shift_right_arithmetic3A_715 = vector.broadcast %shift_right_arithmetic3A : i32 to vector<16xi32>
          %shift_right_arithmetic3A_716 = arith.shrsi %iota3A, %shift_right_arithmetic3A_715 : vector<16xi32>
          %add3A_717 = vector.broadcast %add3A_528 : i32 to vector<16xi32>
          %add3A_718 = arith.addi %add3A_717, %shift_right_arithmetic3A_716 : vector<16xi32>
          %and3A_719 = arith.constant 7 : i32
          %and3A_720 = vector.broadcast %and3A_719 : i32 to vector<16xi32>
          %and3A_721 = arith.andi %iota3A, %and3A_720 : vector<16xi32>
          %gather3A = tpu.vector_load_idx %arg14[%add3A_718, %and3A_721] : memref<130x8xf32, #tpu.memory_space<vmem>>[vector<16xi32>, vector<16xi32>], vector<16xf32>,
          %lt3A_722 = arith.constant 8 : i32
          %lt3A_723 = vector.broadcast %lt3A_722 : i32 to vector<16xi32>
          %lt3A_724 = arith.cmpi slt, %iota3A, %lt3A_723 : vector<16xi32>
          %jit3A_725 = arith.constant 0.000000e+00 : f32
          %broadcast_in_dim3A_726 = vector.broadcast %jit3A_725 : f32 to vector<16xf32>
          %select_n3A_727 = arith.select %lt3A_724, %gather3A, %broadcast_in_dim3A_726 : vector<16xi1>, vector<16xf32>
          %swap3A_728 = arith.index_cast %add3A_528 : i32 to index
          %swap3A_729 = arith.constant 32 : index
          %swap3A_730 = tpu.vector_load %arg16[%swap3A_728, %swap3A_729] {strides = array<i32>} : memref<128x48xf32, #tpu.memory_space<vmem>>, vector<16xf32>,
          tpu.vector_store %arg16[%swap3A_728, %swap3A_729], %select_n3A_727 {strides = array<i32>} : memref<128x48xf32, #tpu.memory_space<vmem>>, vector<16xf32>,
        } else {
        }
        %slice3A_547 = vector.extract_strided_slice %get3A_334 {offsets = [9], sizes = [1], strides = [1]} : vector<16xi32> to vector<1xi32>
        %squeeze3A_548 = vector.extract %slice3A_547[0] : i32 from vector<1xi32>
        %mul3A_549 = arith.constant 16 : i32
        %mul3A_550 = arith.muli %mul3A_549, %scan3A_330 : i32
        %add3A_551 = arith.constant 9 : i32
        %add3A_552 = arith.addi %mul3A_550, %add3A_551 : i32
        %lt3A_553 = arith.constant 20000 : i32
        %lt3A_554 = arith.cmpi slt, %squeeze3A_548, %lt3A_553 : i32
        %convert_element_type3A_555 = arith.extui %lt3A_554 : i1 to i32
        %cond3A_556 = arith.constant 0 : i32
        %cond3A_557 = arith.cmpi ne, %convert_element_type3A_555, %cond3A_556 : i32
        scf.if %cond3A_557 {
          %get3A_715 = arith.index_cast %add3A_552 : i32 to index
          %get3A_716 = arith.constant 0 : index
          %get3A_717 = tpu.vector_load %arg12[%get3A_715, %get3A_716] {strides = array<i32>} : memref<128x128xf32, #tpu.memory_space<vmem>>, vector<16xf32>,
          %swap3A_718 = arith.index_cast %add3A_552 : i32 to index
          %swap3A_719 = arith.constant 0 : index
          %swap3A_720 = tpu.vector_load %arg15[%swap3A_718, %swap3A_719] {strides = array<i32>} : memref<128x128xf32, #tpu.memory_space<vmem>>, vector<16xf32>,
          tpu.vector_store %arg15[%swap3A_718, %swap3A_719], %get3A_717 {strides = array<i32>} : memref<128x128xf32, #tpu.memory_space<vmem>>, vector<16xf32>,
          %get3A_721 = arith.index_cast %add3A_552 : i32 to index
          %get3A_722 = arith.constant 16 : index
          %get3A_723 = tpu.vector_load %arg12[%get3A_721, %get3A_722] {strides = array<i32>} : memref<128x128xf32, #tpu.memory_space<vmem>>, vector<16xf32>,
          %swap3A_724 = arith.index_cast %add3A_552 : i32 to index
          %swap3A_725 = arith.constant 16 : index
          %swap3A_726 = tpu.vector_load %arg15[%swap3A_724, %swap3A_725] {strides = array<i32>} : memref<128x128xf32, #tpu.memory_space<vmem>>, vector<16xf32>,
          tpu.vector_store %arg15[%swap3A_724, %swap3A_725], %get3A_723 {strides = array<i32>} : memref<128x128xf32, #tpu.memory_space<vmem>>, vector<16xf32>,
          %get3A_727 = arith.index_cast %add3A_552 : i32 to index
          %get3A_728 = arith.constant 32 : index
          %get3A_729 = tpu.vector_load %arg12[%get3A_727, %get3A_728] {strides = array<i32>} : memref<128x128xf32, #tpu.memory_space<vmem>>, vector<16xf32>,
          %swap3A_730 = arith.index_cast %add3A_552 : i32 to index
          %swap3A_731 = arith.constant 32 : index
          %swap3A_732 = tpu.vector_load %arg15[%swap3A_730, %swap3A_731] {strides = array<i32>} : memref<128x128xf32, #tpu.memory_space<vmem>>, vector<16xf32>,
          tpu.vector_store %arg15[%swap3A_730, %swap3A_731], %get3A_729 {strides = array<i32>} : memref<128x128xf32, #tpu.memory_space<vmem>>, vector<16xf32>,
          %get3A_733 = arith.index_cast %add3A_552 : i32 to index
          %get3A_734 = arith.constant 48 : index
          %get3A_735 = tpu.vector_load %arg12[%get3A_733, %get3A_734] {strides = array<i32>} : memref<128x128xf32, #tpu.memory_space<vmem>>, vector<16xf32>,
          %swap3A_736 = arith.index_cast %add3A_552 : i32 to index
          %swap3A_737 = arith.constant 48 : index
          %swap3A_738 = tpu.vector_load %arg15[%swap3A_736, %swap3A_737] {strides = array<i32>} : memref<128x128xf32, #tpu.memory_space<vmem>>, vector<16xf32>,
          tpu.vector_store %arg15[%swap3A_736, %swap3A_737], %get3A_735 {strides = array<i32>} : memref<128x128xf32, #tpu.memory_space<vmem>>, vector<16xf32>,
          %get3A_739 = arith.index_cast %add3A_552 : i32 to index
          %get3A_740 = arith.constant 64 : index
          %get3A_741 = tpu.vector_load %arg12[%get3A_739, %get3A_740] {strides = array<i32>} : memref<128x128xf32, #tpu.memory_space<vmem>>, vector<16xf32>,
          %swap3A_742 = arith.index_cast %add3A_552 : i32 to index
          %swap3A_743 = arith.constant 64 : index
          %swap3A_744 = tpu.vector_load %arg15[%swap3A_742, %swap3A_743] {strides = array<i32>} : memref<128x128xf32, #tpu.memory_space<vmem>>, vector<16xf32>,
          tpu.vector_store %arg15[%swap3A_742, %swap3A_743], %get3A_741 {strides = array<i32>} : memref<128x128xf32, #tpu.memory_space<vmem>>, vector<16xf32>,
          %get3A_745 = arith.index_cast %add3A_552 : i32 to index
          %get3A_746 = arith.constant 80 : index
          %get3A_747 = tpu.vector_load %arg12[%get3A_745, %get3A_746] {strides = array<i32>} : memref<128x128xf32, #tpu.memory_space<vmem>>, vector<16xf32>,
          %swap3A_748 = arith.index_cast %add3A_552 : i32 to index
          %swap3A_749 = arith.constant 80 : index
          %swap3A_750 = tpu.vector_load %arg15[%swap3A_748, %swap3A_749] {strides = array<i32>} : memref<128x128xf32, #tpu.memory_space<vmem>>, vector<16xf32>,
          tpu.vector_store %arg15[%swap3A_748, %swap3A_749], %get3A_747 {strides = array<i32>} : memref<128x128xf32, #tpu.memory_space<vmem>>, vector<16xf32>,
          %get3A_751 = arith.index_cast %add3A_552 : i32 to index
          %get3A_752 = arith.constant 96 : index
          %get3A_753 = tpu.vector_load %arg12[%get3A_751, %get3A_752] {strides = array<i32>} : memref<128x128xf32, #tpu.memory_space<vmem>>, vector<16xf32>,
          %swap3A_754 = arith.index_cast %add3A_552 : i32 to index
          %swap3A_755 = arith.constant 96 : index
          %swap3A_756 = tpu.vector_load %arg15[%swap3A_754, %swap3A_755] {strides = array<i32>} : memref<128x128xf32, #tpu.memory_space<vmem>>, vector<16xf32>,
          tpu.vector_store %arg15[%swap3A_754, %swap3A_755], %get3A_753 {strides = array<i32>} : memref<128x128xf32, #tpu.memory_space<vmem>>, vector<16xf32>,
          %get3A_757 = arith.index_cast %add3A_552 : i32 to index
          %get3A_758 = arith.constant 112 : index
          %get3A_759 = tpu.vector_load %arg12[%get3A_757, %get3A_758] {strides = array<i32>} : memref<128x128xf32, #tpu.memory_space<vmem>>, vector<16xf32>,
          %swap3A_760 = arith.index_cast %add3A_552 : i32 to index
          %swap3A_761 = arith.constant 112 : index
          %swap3A_762 = tpu.vector_load %arg15[%swap3A_760, %swap3A_761] {strides = array<i32>} : memref<128x128xf32, #tpu.memory_space<vmem>>, vector<16xf32>,
          tpu.vector_store %arg15[%swap3A_760, %swap3A_761], %get3A_759 {strides = array<i32>} : memref<128x128xf32, #tpu.memory_space<vmem>>, vector<16xf32>,
        } else {
        }
        %ge3A_558 = arith.constant 20000 : i32
        %ge3A_559 = arith.cmpi sge, %squeeze3A_548, %ge3A_558 : i32
        %lt3A_560 = arith.constant 200000 : i32
        %lt3A_561 = arith.cmpi slt, %squeeze3A_548, %lt3A_560 : i32
        %and3A_562 = arith.andi %ge3A_559, %lt3A_561 : i1
        %convert_element_type3A_563 = arith.extui %and3A_562 : i1 to i32
        %cond3A_564 = arith.constant 0 : i32
        %cond3A_565 = arith.cmpi ne, %convert_element_type3A_563, %cond3A_564 : i32
        scf.if %cond3A_565 {
          %get3A_715 = arith.index_cast %add3A_552 : i32 to index
          %get3A_716 = arith.constant 0 : index
          %get3A_717 = tpu.vector_load %arg13[%get3A_715, %get3A_716] {strides = array<i32>} : memref<128x32xf32, #tpu.memory_space<vmem>>, vector<16xf32>,
          %swap3A_718 = arith.index_cast %add3A_552 : i32 to index
          %swap3A_719 = arith.constant 0 : index
          %swap3A_720 = tpu.vector_load %arg16[%swap3A_718, %swap3A_719] {strides = array<i32>} : memref<128x48xf32, #tpu.memory_space<vmem>>, vector<16xf32>,
          tpu.vector_store %arg16[%swap3A_718, %swap3A_719], %get3A_717 {strides = array<i32>} : memref<128x48xf32, #tpu.memory_space<vmem>>, vector<16xf32>,
          %get3A_721 = arith.index_cast %add3A_552 : i32 to index
          %get3A_722 = arith.constant 16 : index
          %get3A_723 = tpu.vector_load %arg13[%get3A_721, %get3A_722] {strides = array<i32>} : memref<128x32xf32, #tpu.memory_space<vmem>>, vector<16xf32>,
          %swap3A_724 = arith.index_cast %add3A_552 : i32 to index
          %swap3A_725 = arith.constant 16 : index
          %swap3A_726 = tpu.vector_load %arg16[%swap3A_724, %swap3A_725] {strides = array<i32>} : memref<128x48xf32, #tpu.memory_space<vmem>>, vector<16xf32>,
          tpu.vector_store %arg16[%swap3A_724, %swap3A_725], %get3A_723 {strides = array<i32>} : memref<128x48xf32, #tpu.memory_space<vmem>>, vector<16xf32>,
        } else {
        }
        %ge3A_566 = arith.constant 200000 : i32
        %ge3A_567 = arith.cmpi sge, %squeeze3A_548, %ge3A_566 : i32
        %convert_element_type3A_568 = arith.extui %ge3A_567 : i1 to i32
        %cond3A_569 = arith.constant 0 : i32
        %cond3A_570 = arith.cmpi ne, %convert_element_type3A_568, %cond3A_569 : i32
        scf.if %cond3A_570 {
          %shift_right_arithmetic3A = arith.constant 3 : i32
          %shift_right_arithmetic3A_715 = vector.broadcast %shift_right_arithmetic3A : i32 to vector<16xi32>
          %shift_right_arithmetic3A_716 = arith.shrsi %iota3A, %shift_right_arithmetic3A_715 : vector<16xi32>
          %add3A_717 = vector.broadcast %add3A_552 : i32 to vector<16xi32>
          %add3A_718 = arith.addi %add3A_717, %shift_right_arithmetic3A_716 : vector<16xi32>
          %and3A_719 = arith.constant 7 : i32
          %and3A_720 = vector.broadcast %and3A_719 : i32 to vector<16xi32>
          %and3A_721 = arith.andi %iota3A, %and3A_720 : vector<16xi32>
          %gather3A = tpu.vector_load_idx %arg14[%add3A_718, %and3A_721] : memref<130x8xf32, #tpu.memory_space<vmem>>[vector<16xi32>, vector<16xi32>], vector<16xf32>,
          %lt3A_722 = arith.constant 8 : i32
          %lt3A_723 = vector.broadcast %lt3A_722 : i32 to vector<16xi32>
          %lt3A_724 = arith.cmpi slt, %iota3A, %lt3A_723 : vector<16xi32>
          %jit3A_725 = arith.constant 0.000000e+00 : f32
          %broadcast_in_dim3A_726 = vector.broadcast %jit3A_725 : f32 to vector<16xf32>
          %select_n3A_727 = arith.select %lt3A_724, %gather3A, %broadcast_in_dim3A_726 : vector<16xi1>, vector<16xf32>
          %swap3A_728 = arith.index_cast %add3A_552 : i32 to index
          %swap3A_729 = arith.constant 32 : index
          %swap3A_730 = tpu.vector_load %arg16[%swap3A_728, %swap3A_729] {strides = array<i32>} : memref<128x48xf32, #tpu.memory_space<vmem>>, vector<16xf32>,
          tpu.vector_store %arg16[%swap3A_728, %swap3A_729], %select_n3A_727 {strides = array<i32>} : memref<128x48xf32, #tpu.memory_space<vmem>>, vector<16xf32>,
        } else {
        }
        %slice3A_571 = vector.extract_strided_slice %get3A_334 {offsets = [10], sizes = [1], strides = [1]} : vector<16xi32> to vector<1xi32>
        %squeeze3A_572 = vector.extract %slice3A_571[0] : i32 from vector<1xi32>
        %mul3A_573 = arith.constant 16 : i32
        %mul3A_574 = arith.muli %mul3A_573, %scan3A_330 : i32
        %add3A_575 = arith.constant 10 : i32
        %add3A_576 = arith.addi %mul3A_574, %add3A_575 : i32
        %lt3A_577 = arith.constant 20000 : i32
        %lt3A_578 = arith.cmpi slt, %squeeze3A_572, %lt3A_577 : i32
        %convert_element_type3A_579 = arith.extui %lt3A_578 : i1 to i32
        %cond3A_580 = arith.constant 0 : i32
        %cond3A_581 = arith.cmpi ne, %convert_element_type3A_579, %cond3A_580 : i32
        scf.if %cond3A_581 {
          %get3A_715 = arith.index_cast %add3A_576 : i32 to index
          %get3A_716 = arith.constant 0 : index
          %get3A_717 = tpu.vector_load %arg12[%get3A_715, %get3A_716] {strides = array<i32>} : memref<128x128xf32, #tpu.memory_space<vmem>>, vector<16xf32>,
          %swap3A_718 = arith.index_cast %add3A_576 : i32 to index
          %swap3A_719 = arith.constant 0 : index
          %swap3A_720 = tpu.vector_load %arg15[%swap3A_718, %swap3A_719] {strides = array<i32>} : memref<128x128xf32, #tpu.memory_space<vmem>>, vector<16xf32>,
          tpu.vector_store %arg15[%swap3A_718, %swap3A_719], %get3A_717 {strides = array<i32>} : memref<128x128xf32, #tpu.memory_space<vmem>>, vector<16xf32>,
          %get3A_721 = arith.index_cast %add3A_576 : i32 to index
          %get3A_722 = arith.constant 16 : index
          %get3A_723 = tpu.vector_load %arg12[%get3A_721, %get3A_722] {strides = array<i32>} : memref<128x128xf32, #tpu.memory_space<vmem>>, vector<16xf32>,
          %swap3A_724 = arith.index_cast %add3A_576 : i32 to index
          %swap3A_725 = arith.constant 16 : index
          %swap3A_726 = tpu.vector_load %arg15[%swap3A_724, %swap3A_725] {strides = array<i32>} : memref<128x128xf32, #tpu.memory_space<vmem>>, vector<16xf32>,
          tpu.vector_store %arg15[%swap3A_724, %swap3A_725], %get3A_723 {strides = array<i32>} : memref<128x128xf32, #tpu.memory_space<vmem>>, vector<16xf32>,
          %get3A_727 = arith.index_cast %add3A_576 : i32 to index
          %get3A_728 = arith.constant 32 : index
          %get3A_729 = tpu.vector_load %arg12[%get3A_727, %get3A_728] {strides = array<i32>} : memref<128x128xf32, #tpu.memory_space<vmem>>, vector<16xf32>,
          %swap3A_730 = arith.index_cast %add3A_576 : i32 to index
          %swap3A_731 = arith.constant 32 : index
          %swap3A_732 = tpu.vector_load %arg15[%swap3A_730, %swap3A_731] {strides = array<i32>} : memref<128x128xf32, #tpu.memory_space<vmem>>, vector<16xf32>,
          tpu.vector_store %arg15[%swap3A_730, %swap3A_731], %get3A_729 {strides = array<i32>} : memref<128x128xf32, #tpu.memory_space<vmem>>, vector<16xf32>,
          %get3A_733 = arith.index_cast %add3A_576 : i32 to index
          %get3A_734 = arith.constant 48 : index
          %get3A_735 = tpu.vector_load %arg12[%get3A_733, %get3A_734] {strides = array<i32>} : memref<128x128xf32, #tpu.memory_space<vmem>>, vector<16xf32>,
          %swap3A_736 = arith.index_cast %add3A_576 : i32 to index
          %swap3A_737 = arith.constant 48 : index
          %swap3A_738 = tpu.vector_load %arg15[%swap3A_736, %swap3A_737] {strides = array<i32>} : memref<128x128xf32, #tpu.memory_space<vmem>>, vector<16xf32>,
          tpu.vector_store %arg15[%swap3A_736, %swap3A_737], %get3A_735 {strides = array<i32>} : memref<128x128xf32, #tpu.memory_space<vmem>>, vector<16xf32>,
          %get3A_739 = arith.index_cast %add3A_576 : i32 to index
          %get3A_740 = arith.constant 64 : index
          %get3A_741 = tpu.vector_load %arg12[%get3A_739, %get3A_740] {strides = array<i32>} : memref<128x128xf32, #tpu.memory_space<vmem>>, vector<16xf32>,
          %swap3A_742 = arith.index_cast %add3A_576 : i32 to index
          %swap3A_743 = arith.constant 64 : index
          %swap3A_744 = tpu.vector_load %arg15[%swap3A_742, %swap3A_743] {strides = array<i32>} : memref<128x128xf32, #tpu.memory_space<vmem>>, vector<16xf32>,
          tpu.vector_store %arg15[%swap3A_742, %swap3A_743], %get3A_741 {strides = array<i32>} : memref<128x128xf32, #tpu.memory_space<vmem>>, vector<16xf32>,
          %get3A_745 = arith.index_cast %add3A_576 : i32 to index
          %get3A_746 = arith.constant 80 : index
          %get3A_747 = tpu.vector_load %arg12[%get3A_745, %get3A_746] {strides = array<i32>} : memref<128x128xf32, #tpu.memory_space<vmem>>, vector<16xf32>,
          %swap3A_748 = arith.index_cast %add3A_576 : i32 to index
          %swap3A_749 = arith.constant 80 : index
          %swap3A_750 = tpu.vector_load %arg15[%swap3A_748, %swap3A_749] {strides = array<i32>} : memref<128x128xf32, #tpu.memory_space<vmem>>, vector<16xf32>,
          tpu.vector_store %arg15[%swap3A_748, %swap3A_749], %get3A_747 {strides = array<i32>} : memref<128x128xf32, #tpu.memory_space<vmem>>, vector<16xf32>,
          %get3A_751 = arith.index_cast %add3A_576 : i32 to index
          %get3A_752 = arith.constant 96 : index
          %get3A_753 = tpu.vector_load %arg12[%get3A_751, %get3A_752] {strides = array<i32>} : memref<128x128xf32, #tpu.memory_space<vmem>>, vector<16xf32>,
          %swap3A_754 = arith.index_cast %add3A_576 : i32 to index
          %swap3A_755 = arith.constant 96 : index
          %swap3A_756 = tpu.vector_load %arg15[%swap3A_754, %swap3A_755] {strides = array<i32>} : memref<128x128xf32, #tpu.memory_space<vmem>>, vector<16xf32>,
          tpu.vector_store %arg15[%swap3A_754, %swap3A_755], %get3A_753 {strides = array<i32>} : memref<128x128xf32, #tpu.memory_space<vmem>>, vector<16xf32>,
          %get3A_757 = arith.index_cast %add3A_576 : i32 to index
          %get3A_758 = arith.constant 112 : index
          %get3A_759 = tpu.vector_load %arg12[%get3A_757, %get3A_758] {strides = array<i32>} : memref<128x128xf32, #tpu.memory_space<vmem>>, vector<16xf32>,
          %swap3A_760 = arith.index_cast %add3A_576 : i32 to index
          %swap3A_761 = arith.constant 112 : index
          %swap3A_762 = tpu.vector_load %arg15[%swap3A_760, %swap3A_761] {strides = array<i32>} : memref<128x128xf32, #tpu.memory_space<vmem>>, vector<16xf32>,
          tpu.vector_store %arg15[%swap3A_760, %swap3A_761], %get3A_759 {strides = array<i32>} : memref<128x128xf32, #tpu.memory_space<vmem>>, vector<16xf32>,
        } else {
        }
        %ge3A_582 = arith.constant 20000 : i32
        %ge3A_583 = arith.cmpi sge, %squeeze3A_572, %ge3A_582 : i32
        %lt3A_584 = arith.constant 200000 : i32
        %lt3A_585 = arith.cmpi slt, %squeeze3A_572, %lt3A_584 : i32
        %and3A_586 = arith.andi %ge3A_583, %lt3A_585 : i1
        %convert_element_type3A_587 = arith.extui %and3A_586 : i1 to i32
        %cond3A_588 = arith.constant 0 : i32
        %cond3A_589 = arith.cmpi ne, %convert_element_type3A_587, %cond3A_588 : i32
        scf.if %cond3A_589 {
          %get3A_715 = arith.index_cast %add3A_576 : i32 to index
          %get3A_716 = arith.constant 0 : index
          %get3A_717 = tpu.vector_load %arg13[%get3A_715, %get3A_716] {strides = array<i32>} : memref<128x32xf32, #tpu.memory_space<vmem>>, vector<16xf32>,
          %swap3A_718 = arith.index_cast %add3A_576 : i32 to index
          %swap3A_719 = arith.constant 0 : index
          %swap3A_720 = tpu.vector_load %arg16[%swap3A_718, %swap3A_719] {strides = array<i32>} : memref<128x48xf32, #tpu.memory_space<vmem>>, vector<16xf32>,
          tpu.vector_store %arg16[%swap3A_718, %swap3A_719], %get3A_717 {strides = array<i32>} : memref<128x48xf32, #tpu.memory_space<vmem>>, vector<16xf32>,
          %get3A_721 = arith.index_cast %add3A_576 : i32 to index
          %get3A_722 = arith.constant 16 : index
          %get3A_723 = tpu.vector_load %arg13[%get3A_721, %get3A_722] {strides = array<i32>} : memref<128x32xf32, #tpu.memory_space<vmem>>, vector<16xf32>,
          %swap3A_724 = arith.index_cast %add3A_576 : i32 to index
          %swap3A_725 = arith.constant 16 : index
          %swap3A_726 = tpu.vector_load %arg16[%swap3A_724, %swap3A_725] {strides = array<i32>} : memref<128x48xf32, #tpu.memory_space<vmem>>, vector<16xf32>,
          tpu.vector_store %arg16[%swap3A_724, %swap3A_725], %get3A_723 {strides = array<i32>} : memref<128x48xf32, #tpu.memory_space<vmem>>, vector<16xf32>,
        } else {
        }
        %ge3A_590 = arith.constant 200000 : i32
        %ge3A_591 = arith.cmpi sge, %squeeze3A_572, %ge3A_590 : i32
        %convert_element_type3A_592 = arith.extui %ge3A_591 : i1 to i32
        %cond3A_593 = arith.constant 0 : i32
        %cond3A_594 = arith.cmpi ne, %convert_element_type3A_592, %cond3A_593 : i32
        scf.if %cond3A_594 {
          %shift_right_arithmetic3A = arith.constant 3 : i32
          %shift_right_arithmetic3A_715 = vector.broadcast %shift_right_arithmetic3A : i32 to vector<16xi32>
          %shift_right_arithmetic3A_716 = arith.shrsi %iota3A, %shift_right_arithmetic3A_715 : vector<16xi32>
          %add3A_717 = vector.broadcast %add3A_576 : i32 to vector<16xi32>
          %add3A_718 = arith.addi %add3A_717, %shift_right_arithmetic3A_716 : vector<16xi32>
          %and3A_719 = arith.constant 7 : i32
          %and3A_720 = vector.broadcast %and3A_719 : i32 to vector<16xi32>
          %and3A_721 = arith.andi %iota3A, %and3A_720 : vector<16xi32>
          %gather3A = tpu.vector_load_idx %arg14[%add3A_718, %and3A_721] : memref<130x8xf32, #tpu.memory_space<vmem>>[vector<16xi32>, vector<16xi32>], vector<16xf32>,
          %lt3A_722 = arith.constant 8 : i32
          %lt3A_723 = vector.broadcast %lt3A_722 : i32 to vector<16xi32>
          %lt3A_724 = arith.cmpi slt, %iota3A, %lt3A_723 : vector<16xi32>
          %jit3A_725 = arith.constant 0.000000e+00 : f32
          %broadcast_in_dim3A_726 = vector.broadcast %jit3A_725 : f32 to vector<16xf32>
          %select_n3A_727 = arith.select %lt3A_724, %gather3A, %broadcast_in_dim3A_726 : vector<16xi1>, vector<16xf32>
          %swap3A_728 = arith.index_cast %add3A_576 : i32 to index
          %swap3A_729 = arith.constant 32 : index
          %swap3A_730 = tpu.vector_load %arg16[%swap3A_728, %swap3A_729] {strides = array<i32>} : memref<128x48xf32, #tpu.memory_space<vmem>>, vector<16xf32>,
          tpu.vector_store %arg16[%swap3A_728, %swap3A_729], %select_n3A_727 {strides = array<i32>} : memref<128x48xf32, #tpu.memory_space<vmem>>, vector<16xf32>,
        } else {
        }
        %slice3A_595 = vector.extract_strided_slice %get3A_334 {offsets = [11], sizes = [1], strides = [1]} : vector<16xi32> to vector<1xi32>
        %squeeze3A_596 = vector.extract %slice3A_595[0] : i32 from vector<1xi32>
        %mul3A_597 = arith.constant 16 : i32
        %mul3A_598 = arith.muli %mul3A_597, %scan3A_330 : i32
        %add3A_599 = arith.constant 11 : i32
        %add3A_600 = arith.addi %mul3A_598, %add3A_599 : i32
        %lt3A_601 = arith.constant 20000 : i32
        %lt3A_602 = arith.cmpi slt, %squeeze3A_596, %lt3A_601 : i32
        %convert_element_type3A_603 = arith.extui %lt3A_602 : i1 to i32
        %cond3A_604 = arith.constant 0 : i32
        %cond3A_605 = arith.cmpi ne, %convert_element_type3A_603, %cond3A_604 : i32
        scf.if %cond3A_605 {
          %get3A_715 = arith.index_cast %add3A_600 : i32 to index
          %get3A_716 = arith.constant 0 : index
          %get3A_717 = tpu.vector_load %arg12[%get3A_715, %get3A_716] {strides = array<i32>} : memref<128x128xf32, #tpu.memory_space<vmem>>, vector<16xf32>,
          %swap3A_718 = arith.index_cast %add3A_600 : i32 to index
          %swap3A_719 = arith.constant 0 : index
          %swap3A_720 = tpu.vector_load %arg15[%swap3A_718, %swap3A_719] {strides = array<i32>} : memref<128x128xf32, #tpu.memory_space<vmem>>, vector<16xf32>,
          tpu.vector_store %arg15[%swap3A_718, %swap3A_719], %get3A_717 {strides = array<i32>} : memref<128x128xf32, #tpu.memory_space<vmem>>, vector<16xf32>,
          %get3A_721 = arith.index_cast %add3A_600 : i32 to index
          %get3A_722 = arith.constant 16 : index
          %get3A_723 = tpu.vector_load %arg12[%get3A_721, %get3A_722] {strides = array<i32>} : memref<128x128xf32, #tpu.memory_space<vmem>>, vector<16xf32>,
          %swap3A_724 = arith.index_cast %add3A_600 : i32 to index
          %swap3A_725 = arith.constant 16 : index
          %swap3A_726 = tpu.vector_load %arg15[%swap3A_724, %swap3A_725] {strides = array<i32>} : memref<128x128xf32, #tpu.memory_space<vmem>>, vector<16xf32>,
          tpu.vector_store %arg15[%swap3A_724, %swap3A_725], %get3A_723 {strides = array<i32>} : memref<128x128xf32, #tpu.memory_space<vmem>>, vector<16xf32>,
          %get3A_727 = arith.index_cast %add3A_600 : i32 to index
          %get3A_728 = arith.constant 32 : index
          %get3A_729 = tpu.vector_load %arg12[%get3A_727, %get3A_728] {strides = array<i32>} : memref<128x128xf32, #tpu.memory_space<vmem>>, vector<16xf32>,
          %swap3A_730 = arith.index_cast %add3A_600 : i32 to index
          %swap3A_731 = arith.constant 32 : index
          %swap3A_732 = tpu.vector_load %arg15[%swap3A_730, %swap3A_731] {strides = array<i32>} : memref<128x128xf32, #tpu.memory_space<vmem>>, vector<16xf32>,
          tpu.vector_store %arg15[%swap3A_730, %swap3A_731], %get3A_729 {strides = array<i32>} : memref<128x128xf32, #tpu.memory_space<vmem>>, vector<16xf32>,
          %get3A_733 = arith.index_cast %add3A_600 : i32 to index
          %get3A_734 = arith.constant 48 : index
          %get3A_735 = tpu.vector_load %arg12[%get3A_733, %get3A_734] {strides = array<i32>} : memref<128x128xf32, #tpu.memory_space<vmem>>, vector<16xf32>,
          %swap3A_736 = arith.index_cast %add3A_600 : i32 to index
          %swap3A_737 = arith.constant 48 : index
          %swap3A_738 = tpu.vector_load %arg15[%swap3A_736, %swap3A_737] {strides = array<i32>} : memref<128x128xf32, #tpu.memory_space<vmem>>, vector<16xf32>,
          tpu.vector_store %arg15[%swap3A_736, %swap3A_737], %get3A_735 {strides = array<i32>} : memref<128x128xf32, #tpu.memory_space<vmem>>, vector<16xf32>,
          %get3A_739 = arith.index_cast %add3A_600 : i32 to index
          %get3A_740 = arith.constant 64 : index
          %get3A_741 = tpu.vector_load %arg12[%get3A_739, %get3A_740] {strides = array<i32>} : memref<128x128xf32, #tpu.memory_space<vmem>>, vector<16xf32>,
          %swap3A_742 = arith.index_cast %add3A_600 : i32 to index
          %swap3A_743 = arith.constant 64 : index
          %swap3A_744 = tpu.vector_load %arg15[%swap3A_742, %swap3A_743] {strides = array<i32>} : memref<128x128xf32, #tpu.memory_space<vmem>>, vector<16xf32>,
          tpu.vector_store %arg15[%swap3A_742, %swap3A_743], %get3A_741 {strides = array<i32>} : memref<128x128xf32, #tpu.memory_space<vmem>>, vector<16xf32>,
          %get3A_745 = arith.index_cast %add3A_600 : i32 to index
          %get3A_746 = arith.constant 80 : index
          %get3A_747 = tpu.vector_load %arg12[%get3A_745, %get3A_746] {strides = array<i32>} : memref<128x128xf32, #tpu.memory_space<vmem>>, vector<16xf32>,
          %swap3A_748 = arith.index_cast %add3A_600 : i32 to index
          %swap3A_749 = arith.constant 80 : index
          %swap3A_750 = tpu.vector_load %arg15[%swap3A_748, %swap3A_749] {strides = array<i32>} : memref<128x128xf32, #tpu.memory_space<vmem>>, vector<16xf32>,
          tpu.vector_store %arg15[%swap3A_748, %swap3A_749], %get3A_747 {strides = array<i32>} : memref<128x128xf32, #tpu.memory_space<vmem>>, vector<16xf32>,
          %get3A_751 = arith.index_cast %add3A_600 : i32 to index
          %get3A_752 = arith.constant 96 : index
          %get3A_753 = tpu.vector_load %arg12[%get3A_751, %get3A_752] {strides = array<i32>} : memref<128x128xf32, #tpu.memory_space<vmem>>, vector<16xf32>,
          %swap3A_754 = arith.index_cast %add3A_600 : i32 to index
          %swap3A_755 = arith.constant 96 : index
          %swap3A_756 = tpu.vector_load %arg15[%swap3A_754, %swap3A_755] {strides = array<i32>} : memref<128x128xf32, #tpu.memory_space<vmem>>, vector<16xf32>,
          tpu.vector_store %arg15[%swap3A_754, %swap3A_755], %get3A_753 {strides = array<i32>} : memref<128x128xf32, #tpu.memory_space<vmem>>, vector<16xf32>,
          %get3A_757 = arith.index_cast %add3A_600 : i32 to index
          %get3A_758 = arith.constant 112 : index
          %get3A_759 = tpu.vector_load %arg12[%get3A_757, %get3A_758] {strides = array<i32>} : memref<128x128xf32, #tpu.memory_space<vmem>>, vector<16xf32>,
          %swap3A_760 = arith.index_cast %add3A_600 : i32 to index
          %swap3A_761 = arith.constant 112 : index
          %swap3A_762 = tpu.vector_load %arg15[%swap3A_760, %swap3A_761] {strides = array<i32>} : memref<128x128xf32, #tpu.memory_space<vmem>>, vector<16xf32>,
          tpu.vector_store %arg15[%swap3A_760, %swap3A_761], %get3A_759 {strides = array<i32>} : memref<128x128xf32, #tpu.memory_space<vmem>>, vector<16xf32>,
        } else {
        }
        %ge3A_606 = arith.constant 20000 : i32
        %ge3A_607 = arith.cmpi sge, %squeeze3A_596, %ge3A_606 : i32
        %lt3A_608 = arith.constant 200000 : i32
        %lt3A_609 = arith.cmpi slt, %squeeze3A_596, %lt3A_608 : i32
        %and3A_610 = arith.andi %ge3A_607, %lt3A_609 : i1
        %convert_element_type3A_611 = arith.extui %and3A_610 : i1 to i32
        %cond3A_612 = arith.constant 0 : i32
        %cond3A_613 = arith.cmpi ne, %convert_element_type3A_611, %cond3A_612 : i32
        scf.if %cond3A_613 {
          %get3A_715 = arith.index_cast %add3A_600 : i32 to index
          %get3A_716 = arith.constant 0 : index
          %get3A_717 = tpu.vector_load %arg13[%get3A_715, %get3A_716] {strides = array<i32>} : memref<128x32xf32, #tpu.memory_space<vmem>>, vector<16xf32>,
          %swap3A_718 = arith.index_cast %add3A_600 : i32 to index
          %swap3A_719 = arith.constant 0 : index
          %swap3A_720 = tpu.vector_load %arg16[%swap3A_718, %swap3A_719] {strides = array<i32>} : memref<128x48xf32, #tpu.memory_space<vmem>>, vector<16xf32>,
          tpu.vector_store %arg16[%swap3A_718, %swap3A_719], %get3A_717 {strides = array<i32>} : memref<128x48xf32, #tpu.memory_space<vmem>>, vector<16xf32>,
          %get3A_721 = arith.index_cast %add3A_600 : i32 to index
          %get3A_722 = arith.constant 16 : index
          %get3A_723 = tpu.vector_load %arg13[%get3A_721, %get3A_722] {strides = array<i32>} : memref<128x32xf32, #tpu.memory_space<vmem>>, vector<16xf32>,
          %swap3A_724 = arith.index_cast %add3A_600 : i32 to index
          %swap3A_725 = arith.constant 16 : index
          %swap3A_726 = tpu.vector_load %arg16[%swap3A_724, %swap3A_725] {strides = array<i32>} : memref<128x48xf32, #tpu.memory_space<vmem>>, vector<16xf32>,
          tpu.vector_store %arg16[%swap3A_724, %swap3A_725], %get3A_723 {strides = array<i32>} : memref<128x48xf32, #tpu.memory_space<vmem>>, vector<16xf32>,
        } else {
        }
        %ge3A_614 = arith.constant 200000 : i32
        %ge3A_615 = arith.cmpi sge, %squeeze3A_596, %ge3A_614 : i32
        %convert_element_type3A_616 = arith.extui %ge3A_615 : i1 to i32
        %cond3A_617 = arith.constant 0 : i32
        %cond3A_618 = arith.cmpi ne, %convert_element_type3A_616, %cond3A_617 : i32
        scf.if %cond3A_618 {
          %shift_right_arithmetic3A = arith.constant 3 : i32
          %shift_right_arithmetic3A_715 = vector.broadcast %shift_right_arithmetic3A : i32 to vector<16xi32>
          %shift_right_arithmetic3A_716 = arith.shrsi %iota3A, %shift_right_arithmetic3A_715 : vector<16xi32>
          %add3A_717 = vector.broadcast %add3A_600 : i32 to vector<16xi32>
          %add3A_718 = arith.addi %add3A_717, %shift_right_arithmetic3A_716 : vector<16xi32>
          %and3A_719 = arith.constant 7 : i32
          %and3A_720 = vector.broadcast %and3A_719 : i32 to vector<16xi32>
          %and3A_721 = arith.andi %iota3A, %and3A_720 : vector<16xi32>
          %gather3A = tpu.vector_load_idx %arg14[%add3A_718, %and3A_721] : memref<130x8xf32, #tpu.memory_space<vmem>>[vector<16xi32>, vector<16xi32>], vector<16xf32>,
          %lt3A_722 = arith.constant 8 : i32
          %lt3A_723 = vector.broadcast %lt3A_722 : i32 to vector<16xi32>
          %lt3A_724 = arith.cmpi slt, %iota3A, %lt3A_723 : vector<16xi32>
          %jit3A_725 = arith.constant 0.000000e+00 : f32
          %broadcast_in_dim3A_726 = vector.broadcast %jit3A_725 : f32 to vector<16xf32>
          %select_n3A_727 = arith.select %lt3A_724, %gather3A, %broadcast_in_dim3A_726 : vector<16xi1>, vector<16xf32>
          %swap3A_728 = arith.index_cast %add3A_600 : i32 to index
          %swap3A_729 = arith.constant 32 : index
          %swap3A_730 = tpu.vector_load %arg16[%swap3A_728, %swap3A_729] {strides = array<i32>} : memref<128x48xf32, #tpu.memory_space<vmem>>, vector<16xf32>,
          tpu.vector_store %arg16[%swap3A_728, %swap3A_729], %select_n3A_727 {strides = array<i32>} : memref<128x48xf32, #tpu.memory_space<vmem>>, vector<16xf32>,
        } else {
        }
        %slice3A_619 = vector.extract_strided_slice %get3A_334 {offsets = [12], sizes = [1], strides = [1]} : vector<16xi32> to vector<1xi32>
        %squeeze3A_620 = vector.extract %slice3A_619[0] : i32 from vector<1xi32>
        %mul3A_621 = arith.constant 16 : i32
        %mul3A_622 = arith.muli %mul3A_621, %scan3A_330 : i32
        %add3A_623 = arith.constant 12 : i32
        %add3A_624 = arith.addi %mul3A_622, %add3A_623 : i32
        %lt3A_625 = arith.constant 20000 : i32
        %lt3A_626 = arith.cmpi slt, %squeeze3A_620, %lt3A_625 : i32
        %convert_element_type3A_627 = arith.extui %lt3A_626 : i1 to i32
        %cond3A_628 = arith.constant 0 : i32
        %cond3A_629 = arith.cmpi ne, %convert_element_type3A_627, %cond3A_628 : i32
        scf.if %cond3A_629 {
          %get3A_715 = arith.index_cast %add3A_624 : i32 to index
          %get3A_716 = arith.constant 0 : index
          %get3A_717 = tpu.vector_load %arg12[%get3A_715, %get3A_716] {strides = array<i32>} : memref<128x128xf32, #tpu.memory_space<vmem>>, vector<16xf32>,
          %swap3A_718 = arith.index_cast %add3A_624 : i32 to index
          %swap3A_719 = arith.constant 0 : index
          %swap3A_720 = tpu.vector_load %arg15[%swap3A_718, %swap3A_719] {strides = array<i32>} : memref<128x128xf32, #tpu.memory_space<vmem>>, vector<16xf32>,
          tpu.vector_store %arg15[%swap3A_718, %swap3A_719], %get3A_717 {strides = array<i32>} : memref<128x128xf32, #tpu.memory_space<vmem>>, vector<16xf32>,
          %get3A_721 = arith.index_cast %add3A_624 : i32 to index
          %get3A_722 = arith.constant 16 : index
          %get3A_723 = tpu.vector_load %arg12[%get3A_721, %get3A_722] {strides = array<i32>} : memref<128x128xf32, #tpu.memory_space<vmem>>, vector<16xf32>,
          %swap3A_724 = arith.index_cast %add3A_624 : i32 to index
          %swap3A_725 = arith.constant 16 : index
          %swap3A_726 = tpu.vector_load %arg15[%swap3A_724, %swap3A_725] {strides = array<i32>} : memref<128x128xf32, #tpu.memory_space<vmem>>, vector<16xf32>,
          tpu.vector_store %arg15[%swap3A_724, %swap3A_725], %get3A_723 {strides = array<i32>} : memref<128x128xf32, #tpu.memory_space<vmem>>, vector<16xf32>,
          %get3A_727 = arith.index_cast %add3A_624 : i32 to index
          %get3A_728 = arith.constant 32 : index
          %get3A_729 = tpu.vector_load %arg12[%get3A_727, %get3A_728] {strides = array<i32>} : memref<128x128xf32, #tpu.memory_space<vmem>>, vector<16xf32>,
          %swap3A_730 = arith.index_cast %add3A_624 : i32 to index
          %swap3A_731 = arith.constant 32 : index
          %swap3A_732 = tpu.vector_load %arg15[%swap3A_730, %swap3A_731] {strides = array<i32>} : memref<128x128xf32, #tpu.memory_space<vmem>>, vector<16xf32>,
          tpu.vector_store %arg15[%swap3A_730, %swap3A_731], %get3A_729 {strides = array<i32>} : memref<128x128xf32, #tpu.memory_space<vmem>>, vector<16xf32>,
          %get3A_733 = arith.index_cast %add3A_624 : i32 to index
          %get3A_734 = arith.constant 48 : index
          %get3A_735 = tpu.vector_load %arg12[%get3A_733, %get3A_734] {strides = array<i32>} : memref<128x128xf32, #tpu.memory_space<vmem>>, vector<16xf32>,
          %swap3A_736 = arith.index_cast %add3A_624 : i32 to index
          %swap3A_737 = arith.constant 48 : index
          %swap3A_738 = tpu.vector_load %arg15[%swap3A_736, %swap3A_737] {strides = array<i32>} : memref<128x128xf32, #tpu.memory_space<vmem>>, vector<16xf32>,
          tpu.vector_store %arg15[%swap3A_736, %swap3A_737], %get3A_735 {strides = array<i32>} : memref<128x128xf32, #tpu.memory_space<vmem>>, vector<16xf32>,
          %get3A_739 = arith.index_cast %add3A_624 : i32 to index
          %get3A_740 = arith.constant 64 : index
          %get3A_741 = tpu.vector_load %arg12[%get3A_739, %get3A_740] {strides = array<i32>} : memref<128x128xf32, #tpu.memory_space<vmem>>, vector<16xf32>,
          %swap3A_742 = arith.index_cast %add3A_624 : i32 to index
          %swap3A_743 = arith.constant 64 : index
          %swap3A_744 = tpu.vector_load %arg15[%swap3A_742, %swap3A_743] {strides = array<i32>} : memref<128x128xf32, #tpu.memory_space<vmem>>, vector<16xf32>,
          tpu.vector_store %arg15[%swap3A_742, %swap3A_743], %get3A_741 {strides = array<i32>} : memref<128x128xf32, #tpu.memory_space<vmem>>, vector<16xf32>,
          %get3A_745 = arith.index_cast %add3A_624 : i32 to index
          %get3A_746 = arith.constant 80 : index
          %get3A_747 = tpu.vector_load %arg12[%get3A_745, %get3A_746] {strides = array<i32>} : memref<128x128xf32, #tpu.memory_space<vmem>>, vector<16xf32>,
          %swap3A_748 = arith.index_cast %add3A_624 : i32 to index
          %swap3A_749 = arith.constant 80 : index
          %swap3A_750 = tpu.vector_load %arg15[%swap3A_748, %swap3A_749] {strides = array<i32>} : memref<128x128xf32, #tpu.memory_space<vmem>>, vector<16xf32>,
          tpu.vector_store %arg15[%swap3A_748, %swap3A_749], %get3A_747 {strides = array<i32>} : memref<128x128xf32, #tpu.memory_space<vmem>>, vector<16xf32>,
          %get3A_751 = arith.index_cast %add3A_624 : i32 to index
          %get3A_752 = arith.constant 96 : index
          %get3A_753 = tpu.vector_load %arg12[%get3A_751, %get3A_752] {strides = array<i32>} : memref<128x128xf32, #tpu.memory_space<vmem>>, vector<16xf32>,
          %swap3A_754 = arith.index_cast %add3A_624 : i32 to index
          %swap3A_755 = arith.constant 96 : index
          %swap3A_756 = tpu.vector_load %arg15[%swap3A_754, %swap3A_755] {strides = array<i32>} : memref<128x128xf32, #tpu.memory_space<vmem>>, vector<16xf32>,
          tpu.vector_store %arg15[%swap3A_754, %swap3A_755], %get3A_753 {strides = array<i32>} : memref<128x128xf32, #tpu.memory_space<vmem>>, vector<16xf32>,
          %get3A_757 = arith.index_cast %add3A_624 : i32 to index
          %get3A_758 = arith.constant 112 : index
          %get3A_759 = tpu.vector_load %arg12[%get3A_757, %get3A_758] {strides = array<i32>} : memref<128x128xf32, #tpu.memory_space<vmem>>, vector<16xf32>,
          %swap3A_760 = arith.index_cast %add3A_624 : i32 to index
          %swap3A_761 = arith.constant 112 : index
          %swap3A_762 = tpu.vector_load %arg15[%swap3A_760, %swap3A_761] {strides = array<i32>} : memref<128x128xf32, #tpu.memory_space<vmem>>, vector<16xf32>,
          tpu.vector_store %arg15[%swap3A_760, %swap3A_761], %get3A_759 {strides = array<i32>} : memref<128x128xf32, #tpu.memory_space<vmem>>, vector<16xf32>,
        } else {
        }
        %ge3A_630 = arith.constant 20000 : i32
        %ge3A_631 = arith.cmpi sge, %squeeze3A_620, %ge3A_630 : i32
        %lt3A_632 = arith.constant 200000 : i32
        %lt3A_633 = arith.cmpi slt, %squeeze3A_620, %lt3A_632 : i32
        %and3A_634 = arith.andi %ge3A_631, %lt3A_633 : i1
        %convert_element_type3A_635 = arith.extui %and3A_634 : i1 to i32
        %cond3A_636 = arith.constant 0 : i32
        %cond3A_637 = arith.cmpi ne, %convert_element_type3A_635, %cond3A_636 : i32
        scf.if %cond3A_637 {
          %get3A_715 = arith.index_cast %add3A_624 : i32 to index
          %get3A_716 = arith.constant 0 : index
          %get3A_717 = tpu.vector_load %arg13[%get3A_715, %get3A_716] {strides = array<i32>} : memref<128x32xf32, #tpu.memory_space<vmem>>, vector<16xf32>,
          %swap3A_718 = arith.index_cast %add3A_624 : i32 to index
          %swap3A_719 = arith.constant 0 : index
          %swap3A_720 = tpu.vector_load %arg16[%swap3A_718, %swap3A_719] {strides = array<i32>} : memref<128x48xf32, #tpu.memory_space<vmem>>, vector<16xf32>,
          tpu.vector_store %arg16[%swap3A_718, %swap3A_719], %get3A_717 {strides = array<i32>} : memref<128x48xf32, #tpu.memory_space<vmem>>, vector<16xf32>,
          %get3A_721 = arith.index_cast %add3A_624 : i32 to index
          %get3A_722 = arith.constant 16 : index
          %get3A_723 = tpu.vector_load %arg13[%get3A_721, %get3A_722] {strides = array<i32>} : memref<128x32xf32, #tpu.memory_space<vmem>>, vector<16xf32>,
          %swap3A_724 = arith.index_cast %add3A_624 : i32 to index
          %swap3A_725 = arith.constant 16 : index
          %swap3A_726 = tpu.vector_load %arg16[%swap3A_724, %swap3A_725] {strides = array<i32>} : memref<128x48xf32, #tpu.memory_space<vmem>>, vector<16xf32>,
          tpu.vector_store %arg16[%swap3A_724, %swap3A_725], %get3A_723 {strides = array<i32>} : memref<128x48xf32, #tpu.memory_space<vmem>>, vector<16xf32>,
        } else {
        }
        %ge3A_638 = arith.constant 200000 : i32
        %ge3A_639 = arith.cmpi sge, %squeeze3A_620, %ge3A_638 : i32
        %convert_element_type3A_640 = arith.extui %ge3A_639 : i1 to i32
        %cond3A_641 = arith.constant 0 : i32
        %cond3A_642 = arith.cmpi ne, %convert_element_type3A_640, %cond3A_641 : i32
        scf.if %cond3A_642 {
          %shift_right_arithmetic3A = arith.constant 3 : i32
          %shift_right_arithmetic3A_715 = vector.broadcast %shift_right_arithmetic3A : i32 to vector<16xi32>
          %shift_right_arithmetic3A_716 = arith.shrsi %iota3A, %shift_right_arithmetic3A_715 : vector<16xi32>
          %add3A_717 = vector.broadcast %add3A_624 : i32 to vector<16xi32>
          %add3A_718 = arith.addi %add3A_717, %shift_right_arithmetic3A_716 : vector<16xi32>
          %and3A_719 = arith.constant 7 : i32
          %and3A_720 = vector.broadcast %and3A_719 : i32 to vector<16xi32>
          %and3A_721 = arith.andi %iota3A, %and3A_720 : vector<16xi32>
          %gather3A = tpu.vector_load_idx %arg14[%add3A_718, %and3A_721] : memref<130x8xf32, #tpu.memory_space<vmem>>[vector<16xi32>, vector<16xi32>], vector<16xf32>,
          %lt3A_722 = arith.constant 8 : i32
          %lt3A_723 = vector.broadcast %lt3A_722 : i32 to vector<16xi32>
          %lt3A_724 = arith.cmpi slt, %iota3A, %lt3A_723 : vector<16xi32>
          %jit3A_725 = arith.constant 0.000000e+00 : f32
          %broadcast_in_dim3A_726 = vector.broadcast %jit3A_725 : f32 to vector<16xf32>
          %select_n3A_727 = arith.select %lt3A_724, %gather3A, %broadcast_in_dim3A_726 : vector<16xi1>, vector<16xf32>
          %swap3A_728 = arith.index_cast %add3A_624 : i32 to index
          %swap3A_729 = arith.constant 32 : index
          %swap3A_730 = tpu.vector_load %arg16[%swap3A_728, %swap3A_729] {strides = array<i32>} : memref<128x48xf32, #tpu.memory_space<vmem>>, vector<16xf32>,
          tpu.vector_store %arg16[%swap3A_728, %swap3A_729], %select_n3A_727 {strides = array<i32>} : memref<128x48xf32, #tpu.memory_space<vmem>>, vector<16xf32>,
        } else {
        }
        %slice3A_643 = vector.extract_strided_slice %get3A_334 {offsets = [13], sizes = [1], strides = [1]} : vector<16xi32> to vector<1xi32>
        %squeeze3A_644 = vector.extract %slice3A_643[0] : i32 from vector<1xi32>
        %mul3A_645 = arith.constant 16 : i32
        %mul3A_646 = arith.muli %mul3A_645, %scan3A_330 : i32
        %add3A_647 = arith.constant 13 : i32
        %add3A_648 = arith.addi %mul3A_646, %add3A_647 : i32
        %lt3A_649 = arith.constant 20000 : i32
        %lt3A_650 = arith.cmpi slt, %squeeze3A_644, %lt3A_649 : i32
        %convert_element_type3A_651 = arith.extui %lt3A_650 : i1 to i32
        %cond3A_652 = arith.constant 0 : i32
        %cond3A_653 = arith.cmpi ne, %convert_element_type3A_651, %cond3A_652 : i32
        scf.if %cond3A_653 {
          %get3A_715 = arith.index_cast %add3A_648 : i32 to index
          %get3A_716 = arith.constant 0 : index
          %get3A_717 = tpu.vector_load %arg12[%get3A_715, %get3A_716] {strides = array<i32>} : memref<128x128xf32, #tpu.memory_space<vmem>>, vector<16xf32>,
          %swap3A_718 = arith.index_cast %add3A_648 : i32 to index
          %swap3A_719 = arith.constant 0 : index
          %swap3A_720 = tpu.vector_load %arg15[%swap3A_718, %swap3A_719] {strides = array<i32>} : memref<128x128xf32, #tpu.memory_space<vmem>>, vector<16xf32>,
          tpu.vector_store %arg15[%swap3A_718, %swap3A_719], %get3A_717 {strides = array<i32>} : memref<128x128xf32, #tpu.memory_space<vmem>>, vector<16xf32>,
          %get3A_721 = arith.index_cast %add3A_648 : i32 to index
          %get3A_722 = arith.constant 16 : index
          %get3A_723 = tpu.vector_load %arg12[%get3A_721, %get3A_722] {strides = array<i32>} : memref<128x128xf32, #tpu.memory_space<vmem>>, vector<16xf32>,
          %swap3A_724 = arith.index_cast %add3A_648 : i32 to index
          %swap3A_725 = arith.constant 16 : index
          %swap3A_726 = tpu.vector_load %arg15[%swap3A_724, %swap3A_725] {strides = array<i32>} : memref<128x128xf32, #tpu.memory_space<vmem>>, vector<16xf32>,
          tpu.vector_store %arg15[%swap3A_724, %swap3A_725], %get3A_723 {strides = array<i32>} : memref<128x128xf32, #tpu.memory_space<vmem>>, vector<16xf32>,
          %get3A_727 = arith.index_cast %add3A_648 : i32 to index
          %get3A_728 = arith.constant 32 : index
          %get3A_729 = tpu.vector_load %arg12[%get3A_727, %get3A_728] {strides = array<i32>} : memref<128x128xf32, #tpu.memory_space<vmem>>, vector<16xf32>,
          %swap3A_730 = arith.index_cast %add3A_648 : i32 to index
          %swap3A_731 = arith.constant 32 : index
          %swap3A_732 = tpu.vector_load %arg15[%swap3A_730, %swap3A_731] {strides = array<i32>} : memref<128x128xf32, #tpu.memory_space<vmem>>, vector<16xf32>,
          tpu.vector_store %arg15[%swap3A_730, %swap3A_731], %get3A_729 {strides = array<i32>} : memref<128x128xf32, #tpu.memory_space<vmem>>, vector<16xf32>,
          %get3A_733 = arith.index_cast %add3A_648 : i32 to index
          %get3A_734 = arith.constant 48 : index
          %get3A_735 = tpu.vector_load %arg12[%get3A_733, %get3A_734] {strides = array<i32>} : memref<128x128xf32, #tpu.memory_space<vmem>>, vector<16xf32>,
          %swap3A_736 = arith.index_cast %add3A_648 : i32 to index
          %swap3A_737 = arith.constant 48 : index
          %swap3A_738 = tpu.vector_load %arg15[%swap3A_736, %swap3A_737] {strides = array<i32>} : memref<128x128xf32, #tpu.memory_space<vmem>>, vector<16xf32>,
          tpu.vector_store %arg15[%swap3A_736, %swap3A_737], %get3A_735 {strides = array<i32>} : memref<128x128xf32, #tpu.memory_space<vmem>>, vector<16xf32>,
          %get3A_739 = arith.index_cast %add3A_648 : i32 to index
          %get3A_740 = arith.constant 64 : index
          %get3A_741 = tpu.vector_load %arg12[%get3A_739, %get3A_740] {strides = array<i32>} : memref<128x128xf32, #tpu.memory_space<vmem>>, vector<16xf32>,
          %swap3A_742 = arith.index_cast %add3A_648 : i32 to index
          %swap3A_743 = arith.constant 64 : index
          %swap3A_744 = tpu.vector_load %arg15[%swap3A_742, %swap3A_743] {strides = array<i32>} : memref<128x128xf32, #tpu.memory_space<vmem>>, vector<16xf32>,
          tpu.vector_store %arg15[%swap3A_742, %swap3A_743], %get3A_741 {strides = array<i32>} : memref<128x128xf32, #tpu.memory_space<vmem>>, vector<16xf32>,
          %get3A_745 = arith.index_cast %add3A_648 : i32 to index
          %get3A_746 = arith.constant 80 : index
          %get3A_747 = tpu.vector_load %arg12[%get3A_745, %get3A_746] {strides = array<i32>} : memref<128x128xf32, #tpu.memory_space<vmem>>, vector<16xf32>,
          %swap3A_748 = arith.index_cast %add3A_648 : i32 to index
          %swap3A_749 = arith.constant 80 : index
          %swap3A_750 = tpu.vector_load %arg15[%swap3A_748, %swap3A_749] {strides = array<i32>} : memref<128x128xf32, #tpu.memory_space<vmem>>, vector<16xf32>,
          tpu.vector_store %arg15[%swap3A_748, %swap3A_749], %get3A_747 {strides = array<i32>} : memref<128x128xf32, #tpu.memory_space<vmem>>, vector<16xf32>,
          %get3A_751 = arith.index_cast %add3A_648 : i32 to index
          %get3A_752 = arith.constant 96 : index
          %get3A_753 = tpu.vector_load %arg12[%get3A_751, %get3A_752] {strides = array<i32>} : memref<128x128xf32, #tpu.memory_space<vmem>>, vector<16xf32>,
          %swap3A_754 = arith.index_cast %add3A_648 : i32 to index
          %swap3A_755 = arith.constant 96 : index
          %swap3A_756 = tpu.vector_load %arg15[%swap3A_754, %swap3A_755] {strides = array<i32>} : memref<128x128xf32, #tpu.memory_space<vmem>>, vector<16xf32>,
          tpu.vector_store %arg15[%swap3A_754, %swap3A_755], %get3A_753 {strides = array<i32>} : memref<128x128xf32, #tpu.memory_space<vmem>>, vector<16xf32>,
          %get3A_757 = arith.index_cast %add3A_648 : i32 to index
          %get3A_758 = arith.constant 112 : index
          %get3A_759 = tpu.vector_load %arg12[%get3A_757, %get3A_758] {strides = array<i32>} : memref<128x128xf32, #tpu.memory_space<vmem>>, vector<16xf32>,
          %swap3A_760 = arith.index_cast %add3A_648 : i32 to index
          %swap3A_761 = arith.constant 112 : index
          %swap3A_762 = tpu.vector_load %arg15[%swap3A_760, %swap3A_761] {strides = array<i32>} : memref<128x128xf32, #tpu.memory_space<vmem>>, vector<16xf32>,
          tpu.vector_store %arg15[%swap3A_760, %swap3A_761], %get3A_759 {strides = array<i32>} : memref<128x128xf32, #tpu.memory_space<vmem>>, vector<16xf32>,
        } else {
        }
        %ge3A_654 = arith.constant 20000 : i32
        %ge3A_655 = arith.cmpi sge, %squeeze3A_644, %ge3A_654 : i32
        %lt3A_656 = arith.constant 200000 : i32
        %lt3A_657 = arith.cmpi slt, %squeeze3A_644, %lt3A_656 : i32
        %and3A_658 = arith.andi %ge3A_655, %lt3A_657 : i1
        %convert_element_type3A_659 = arith.extui %and3A_658 : i1 to i32
        %cond3A_660 = arith.constant 0 : i32
        %cond3A_661 = arith.cmpi ne, %convert_element_type3A_659, %cond3A_660 : i32
        scf.if %cond3A_661 {
          %get3A_715 = arith.index_cast %add3A_648 : i32 to index
          %get3A_716 = arith.constant 0 : index
          %get3A_717 = tpu.vector_load %arg13[%get3A_715, %get3A_716] {strides = array<i32>} : memref<128x32xf32, #tpu.memory_space<vmem>>, vector<16xf32>,
          %swap3A_718 = arith.index_cast %add3A_648 : i32 to index
          %swap3A_719 = arith.constant 0 : index
          %swap3A_720 = tpu.vector_load %arg16[%swap3A_718, %swap3A_719] {strides = array<i32>} : memref<128x48xf32, #tpu.memory_space<vmem>>, vector<16xf32>,
          tpu.vector_store %arg16[%swap3A_718, %swap3A_719], %get3A_717 {strides = array<i32>} : memref<128x48xf32, #tpu.memory_space<vmem>>, vector<16xf32>,
          %get3A_721 = arith.index_cast %add3A_648 : i32 to index
          %get3A_722 = arith.constant 16 : index
          %get3A_723 = tpu.vector_load %arg13[%get3A_721, %get3A_722] {strides = array<i32>} : memref<128x32xf32, #tpu.memory_space<vmem>>, vector<16xf32>,
          %swap3A_724 = arith.index_cast %add3A_648 : i32 to index
          %swap3A_725 = arith.constant 16 : index
          %swap3A_726 = tpu.vector_load %arg16[%swap3A_724, %swap3A_725] {strides = array<i32>} : memref<128x48xf32, #tpu.memory_space<vmem>>, vector<16xf32>,
          tpu.vector_store %arg16[%swap3A_724, %swap3A_725], %get3A_723 {strides = array<i32>} : memref<128x48xf32, #tpu.memory_space<vmem>>, vector<16xf32>,
        } else {
        }
        %ge3A_662 = arith.constant 200000 : i32
        %ge3A_663 = arith.cmpi sge, %squeeze3A_644, %ge3A_662 : i32
        %convert_element_type3A_664 = arith.extui %ge3A_663 : i1 to i32
        %cond3A_665 = arith.constant 0 : i32
        %cond3A_666 = arith.cmpi ne, %convert_element_type3A_664, %cond3A_665 : i32
        scf.if %cond3A_666 {
          %shift_right_arithmetic3A = arith.constant 3 : i32
          %shift_right_arithmetic3A_715 = vector.broadcast %shift_right_arithmetic3A : i32 to vector<16xi32>
          %shift_right_arithmetic3A_716 = arith.shrsi %iota3A, %shift_right_arithmetic3A_715 : vector<16xi32>
          %add3A_717 = vector.broadcast %add3A_648 : i32 to vector<16xi32>
          %add3A_718 = arith.addi %add3A_717, %shift_right_arithmetic3A_716 : vector<16xi32>
          %and3A_719 = arith.constant 7 : i32
          %and3A_720 = vector.broadcast %and3A_719 : i32 to vector<16xi32>
          %and3A_721 = arith.andi %iota3A, %and3A_720 : vector<16xi32>
          %gather3A = tpu.vector_load_idx %arg14[%add3A_718, %and3A_721] : memref<130x8xf32, #tpu.memory_space<vmem>>[vector<16xi32>, vector<16xi32>], vector<16xf32>,
          %lt3A_722 = arith.constant 8 : i32
          %lt3A_723 = vector.broadcast %lt3A_722 : i32 to vector<16xi32>
          %lt3A_724 = arith.cmpi slt, %iota3A, %lt3A_723 : vector<16xi32>
          %jit3A_725 = arith.constant 0.000000e+00 : f32
          %broadcast_in_dim3A_726 = vector.broadcast %jit3A_725 : f32 to vector<16xf32>
          %select_n3A_727 = arith.select %lt3A_724, %gather3A, %broadcast_in_dim3A_726 : vector<16xi1>, vector<16xf32>
          %swap3A_728 = arith.index_cast %add3A_648 : i32 to index
          %swap3A_729 = arith.constant 32 : index
          %swap3A_730 = tpu.vector_load %arg16[%swap3A_728, %swap3A_729] {strides = array<i32>} : memref<128x48xf32, #tpu.memory_space<vmem>>, vector<16xf32>,
          tpu.vector_store %arg16[%swap3A_728, %swap3A_729], %select_n3A_727 {strides = array<i32>} : memref<128x48xf32, #tpu.memory_space<vmem>>, vector<16xf32>,
        } else {
        }
        %slice3A_667 = vector.extract_strided_slice %get3A_334 {offsets = [14], sizes = [1], strides = [1]} : vector<16xi32> to vector<1xi32>
        %squeeze3A_668 = vector.extract %slice3A_667[0] : i32 from vector<1xi32>
        %mul3A_669 = arith.constant 16 : i32
        %mul3A_670 = arith.muli %mul3A_669, %scan3A_330 : i32
        %add3A_671 = arith.constant 14 : i32
        %add3A_672 = arith.addi %mul3A_670, %add3A_671 : i32
        %lt3A_673 = arith.constant 20000 : i32
        %lt3A_674 = arith.cmpi slt, %squeeze3A_668, %lt3A_673 : i32
        %convert_element_type3A_675 = arith.extui %lt3A_674 : i1 to i32
        %cond3A_676 = arith.constant 0 : i32
        %cond3A_677 = arith.cmpi ne, %convert_element_type3A_675, %cond3A_676 : i32
        scf.if %cond3A_677 {
          %get3A_715 = arith.index_cast %add3A_672 : i32 to index
          %get3A_716 = arith.constant 0 : index
          %get3A_717 = tpu.vector_load %arg12[%get3A_715, %get3A_716] {strides = array<i32>} : memref<128x128xf32, #tpu.memory_space<vmem>>, vector<16xf32>,
          %swap3A_718 = arith.index_cast %add3A_672 : i32 to index
          %swap3A_719 = arith.constant 0 : index
          %swap3A_720 = tpu.vector_load %arg15[%swap3A_718, %swap3A_719] {strides = array<i32>} : memref<128x128xf32, #tpu.memory_space<vmem>>, vector<16xf32>,
          tpu.vector_store %arg15[%swap3A_718, %swap3A_719], %get3A_717 {strides = array<i32>} : memref<128x128xf32, #tpu.memory_space<vmem>>, vector<16xf32>,
          %get3A_721 = arith.index_cast %add3A_672 : i32 to index
          %get3A_722 = arith.constant 16 : index
          %get3A_723 = tpu.vector_load %arg12[%get3A_721, %get3A_722] {strides = array<i32>} : memref<128x128xf32, #tpu.memory_space<vmem>>, vector<16xf32>,
          %swap3A_724 = arith.index_cast %add3A_672 : i32 to index
          %swap3A_725 = arith.constant 16 : index
          %swap3A_726 = tpu.vector_load %arg15[%swap3A_724, %swap3A_725] {strides = array<i32>} : memref<128x128xf32, #tpu.memory_space<vmem>>, vector<16xf32>,
          tpu.vector_store %arg15[%swap3A_724, %swap3A_725], %get3A_723 {strides = array<i32>} : memref<128x128xf32, #tpu.memory_space<vmem>>, vector<16xf32>,
          %get3A_727 = arith.index_cast %add3A_672 : i32 to index
          %get3A_728 = arith.constant 32 : index
          %get3A_729 = tpu.vector_load %arg12[%get3A_727, %get3A_728] {strides = array<i32>} : memref<128x128xf32, #tpu.memory_space<vmem>>, vector<16xf32>,
          %swap3A_730 = arith.index_cast %add3A_672 : i32 to index
          %swap3A_731 = arith.constant 32 : index
          %swap3A_732 = tpu.vector_load %arg15[%swap3A_730, %swap3A_731] {strides = array<i32>} : memref<128x128xf32, #tpu.memory_space<vmem>>, vector<16xf32>,
          tpu.vector_store %arg15[%swap3A_730, %swap3A_731], %get3A_729 {strides = array<i32>} : memref<128x128xf32, #tpu.memory_space<vmem>>, vector<16xf32>,
          %get3A_733 = arith.index_cast %add3A_672 : i32 to index
          %get3A_734 = arith.constant 48 : index
          %get3A_735 = tpu.vector_load %arg12[%get3A_733, %get3A_734] {strides = array<i32>} : memref<128x128xf32, #tpu.memory_space<vmem>>, vector<16xf32>,
          %swap3A_736 = arith.index_cast %add3A_672 : i32 to index
          %swap3A_737 = arith.constant 48 : index
          %swap3A_738 = tpu.vector_load %arg15[%swap3A_736, %swap3A_737] {strides = array<i32>} : memref<128x128xf32, #tpu.memory_space<vmem>>, vector<16xf32>,
          tpu.vector_store %arg15[%swap3A_736, %swap3A_737], %get3A_735 {strides = array<i32>} : memref<128x128xf32, #tpu.memory_space<vmem>>, vector<16xf32>,
          %get3A_739 = arith.index_cast %add3A_672 : i32 to index
          %get3A_740 = arith.constant 64 : index
          %get3A_741 = tpu.vector_load %arg12[%get3A_739, %get3A_740] {strides = array<i32>} : memref<128x128xf32, #tpu.memory_space<vmem>>, vector<16xf32>,
          %swap3A_742 = arith.index_cast %add3A_672 : i32 to index
          %swap3A_743 = arith.constant 64 : index
          %swap3A_744 = tpu.vector_load %arg15[%swap3A_742, %swap3A_743] {strides = array<i32>} : memref<128x128xf32, #tpu.memory_space<vmem>>, vector<16xf32>,
          tpu.vector_store %arg15[%swap3A_742, %swap3A_743], %get3A_741 {strides = array<i32>} : memref<128x128xf32, #tpu.memory_space<vmem>>, vector<16xf32>,
          %get3A_745 = arith.index_cast %add3A_672 : i32 to index
          %get3A_746 = arith.constant 80 : index
          %get3A_747 = tpu.vector_load %arg12[%get3A_745, %get3A_746] {strides = array<i32>} : memref<128x128xf32, #tpu.memory_space<vmem>>, vector<16xf32>,
          %swap3A_748 = arith.index_cast %add3A_672 : i32 to index
          %swap3A_749 = arith.constant 80 : index
          %swap3A_750 = tpu.vector_load %arg15[%swap3A_748, %swap3A_749] {strides = array<i32>} : memref<128x128xf32, #tpu.memory_space<vmem>>, vector<16xf32>,
          tpu.vector_store %arg15[%swap3A_748, %swap3A_749], %get3A_747 {strides = array<i32>} : memref<128x128xf32, #tpu.memory_space<vmem>>, vector<16xf32>,
          %get3A_751 = arith.index_cast %add3A_672 : i32 to index
          %get3A_752 = arith.constant 96 : index
          %get3A_753 = tpu.vector_load %arg12[%get3A_751, %get3A_752] {strides = array<i32>} : memref<128x128xf32, #tpu.memory_space<vmem>>, vector<16xf32>,
          %swap3A_754 = arith.index_cast %add3A_672 : i32 to index
          %swap3A_755 = arith.constant 96 : index
          %swap3A_756 = tpu.vector_load %arg15[%swap3A_754, %swap3A_755] {strides = array<i32>} : memref<128x128xf32, #tpu.memory_space<vmem>>, vector<16xf32>,
          tpu.vector_store %arg15[%swap3A_754, %swap3A_755], %get3A_753 {strides = array<i32>} : memref<128x128xf32, #tpu.memory_space<vmem>>, vector<16xf32>,
          %get3A_757 = arith.index_cast %add3A_672 : i32 to index
          %get3A_758 = arith.constant 112 : index
          %get3A_759 = tpu.vector_load %arg12[%get3A_757, %get3A_758] {strides = array<i32>} : memref<128x128xf32, #tpu.memory_space<vmem>>, vector<16xf32>,
          %swap3A_760 = arith.index_cast %add3A_672 : i32 to index
          %swap3A_761 = arith.constant 112 : index
          %swap3A_762 = tpu.vector_load %arg15[%swap3A_760, %swap3A_761] {strides = array<i32>} : memref<128x128xf32, #tpu.memory_space<vmem>>, vector<16xf32>,
          tpu.vector_store %arg15[%swap3A_760, %swap3A_761], %get3A_759 {strides = array<i32>} : memref<128x128xf32, #tpu.memory_space<vmem>>, vector<16xf32>,
        } else {
        }
        %ge3A_678 = arith.constant 20000 : i32
        %ge3A_679 = arith.cmpi sge, %squeeze3A_668, %ge3A_678 : i32
        %lt3A_680 = arith.constant 200000 : i32
        %lt3A_681 = arith.cmpi slt, %squeeze3A_668, %lt3A_680 : i32
        %and3A_682 = arith.andi %ge3A_679, %lt3A_681 : i1
        %convert_element_type3A_683 = arith.extui %and3A_682 : i1 to i32
        %cond3A_684 = arith.constant 0 : i32
        %cond3A_685 = arith.cmpi ne, %convert_element_type3A_683, %cond3A_684 : i32
        scf.if %cond3A_685 {
          %get3A_715 = arith.index_cast %add3A_672 : i32 to index
          %get3A_716 = arith.constant 0 : index
          %get3A_717 = tpu.vector_load %arg13[%get3A_715, %get3A_716] {strides = array<i32>} : memref<128x32xf32, #tpu.memory_space<vmem>>, vector<16xf32>,
          %swap3A_718 = arith.index_cast %add3A_672 : i32 to index
          %swap3A_719 = arith.constant 0 : index
          %swap3A_720 = tpu.vector_load %arg16[%swap3A_718, %swap3A_719] {strides = array<i32>} : memref<128x48xf32, #tpu.memory_space<vmem>>, vector<16xf32>,
          tpu.vector_store %arg16[%swap3A_718, %swap3A_719], %get3A_717 {strides = array<i32>} : memref<128x48xf32, #tpu.memory_space<vmem>>, vector<16xf32>,
          %get3A_721 = arith.index_cast %add3A_672 : i32 to index
          %get3A_722 = arith.constant 16 : index
          %get3A_723 = tpu.vector_load %arg13[%get3A_721, %get3A_722] {strides = array<i32>} : memref<128x32xf32, #tpu.memory_space<vmem>>, vector<16xf32>,
          %swap3A_724 = arith.index_cast %add3A_672 : i32 to index
          %swap3A_725 = arith.constant 16 : index
          %swap3A_726 = tpu.vector_load %arg16[%swap3A_724, %swap3A_725] {strides = array<i32>} : memref<128x48xf32, #tpu.memory_space<vmem>>, vector<16xf32>,
          tpu.vector_store %arg16[%swap3A_724, %swap3A_725], %get3A_723 {strides = array<i32>} : memref<128x48xf32, #tpu.memory_space<vmem>>, vector<16xf32>,
        } else {
        }
        %ge3A_686 = arith.constant 200000 : i32
        %ge3A_687 = arith.cmpi sge, %squeeze3A_668, %ge3A_686 : i32
        %convert_element_type3A_688 = arith.extui %ge3A_687 : i1 to i32
        %cond3A_689 = arith.constant 0 : i32
        %cond3A_690 = arith.cmpi ne, %convert_element_type3A_688, %cond3A_689 : i32
        scf.if %cond3A_690 {
          %shift_right_arithmetic3A = arith.constant 3 : i32
          %shift_right_arithmetic3A_715 = vector.broadcast %shift_right_arithmetic3A : i32 to vector<16xi32>
          %shift_right_arithmetic3A_716 = arith.shrsi %iota3A, %shift_right_arithmetic3A_715 : vector<16xi32>
          %add3A_717 = vector.broadcast %add3A_672 : i32 to vector<16xi32>
          %add3A_718 = arith.addi %add3A_717, %shift_right_arithmetic3A_716 : vector<16xi32>
          %and3A_719 = arith.constant 7 : i32
          %and3A_720 = vector.broadcast %and3A_719 : i32 to vector<16xi32>
          %and3A_721 = arith.andi %iota3A, %and3A_720 : vector<16xi32>
          %gather3A = tpu.vector_load_idx %arg14[%add3A_718, %and3A_721] : memref<130x8xf32, #tpu.memory_space<vmem>>[vector<16xi32>, vector<16xi32>], vector<16xf32>,
          %lt3A_722 = arith.constant 8 : i32
          %lt3A_723 = vector.broadcast %lt3A_722 : i32 to vector<16xi32>
          %lt3A_724 = arith.cmpi slt, %iota3A, %lt3A_723 : vector<16xi32>
          %jit3A_725 = arith.constant 0.000000e+00 : f32
          %broadcast_in_dim3A_726 = vector.broadcast %jit3A_725 : f32 to vector<16xf32>
          %select_n3A_727 = arith.select %lt3A_724, %gather3A, %broadcast_in_dim3A_726 : vector<16xi1>, vector<16xf32>
          %swap3A_728 = arith.index_cast %add3A_672 : i32 to index
          %swap3A_729 = arith.constant 32 : index
          %swap3A_730 = tpu.vector_load %arg16[%swap3A_728, %swap3A_729] {strides = array<i32>} : memref<128x48xf32, #tpu.memory_space<vmem>>, vector<16xf32>,
          tpu.vector_store %arg16[%swap3A_728, %swap3A_729], %select_n3A_727 {strides = array<i32>} : memref<128x48xf32, #tpu.memory_space<vmem>>, vector<16xf32>,
        } else {
        }
        %slice3A_691 = vector.extract_strided_slice %get3A_334 {offsets = [15], sizes = [1], strides = [1]} : vector<16xi32> to vector<1xi32>
        %squeeze3A_692 = vector.extract %slice3A_691[0] : i32 from vector<1xi32>
        %mul3A_693 = arith.constant 16 : i32
        %mul3A_694 = arith.muli %mul3A_693, %scan3A_330 : i32
        %add3A_695 = arith.constant 15 : i32
        %add3A_696 = arith.addi %mul3A_694, %add3A_695 : i32
        %lt3A_697 = arith.constant 20000 : i32
        %lt3A_698 = arith.cmpi slt, %squeeze3A_692, %lt3A_697 : i32
        %convert_element_type3A_699 = arith.extui %lt3A_698 : i1 to i32
        %cond3A_700 = arith.constant 0 : i32
        %cond3A_701 = arith.cmpi ne, %convert_element_type3A_699, %cond3A_700 : i32
        scf.if %cond3A_701 {
          %get3A_715 = arith.index_cast %add3A_696 : i32 to index
          %get3A_716 = arith.constant 0 : index
          %get3A_717 = tpu.vector_load %arg12[%get3A_715, %get3A_716] {strides = array<i32>} : memref<128x128xf32, #tpu.memory_space<vmem>>, vector<16xf32>,
          %swap3A_718 = arith.index_cast %add3A_696 : i32 to index
          %swap3A_719 = arith.constant 0 : index
          %swap3A_720 = tpu.vector_load %arg15[%swap3A_718, %swap3A_719] {strides = array<i32>} : memref<128x128xf32, #tpu.memory_space<vmem>>, vector<16xf32>,
          tpu.vector_store %arg15[%swap3A_718, %swap3A_719], %get3A_717 {strides = array<i32>} : memref<128x128xf32, #tpu.memory_space<vmem>>, vector<16xf32>,
          %get3A_721 = arith.index_cast %add3A_696 : i32 to index
          %get3A_722 = arith.constant 16 : index
          %get3A_723 = tpu.vector_load %arg12[%get3A_721, %get3A_722] {strides = array<i32>} : memref<128x128xf32, #tpu.memory_space<vmem>>, vector<16xf32>,
          %swap3A_724 = arith.index_cast %add3A_696 : i32 to index
          %swap3A_725 = arith.constant 16 : index
          %swap3A_726 = tpu.vector_load %arg15[%swap3A_724, %swap3A_725] {strides = array<i32>} : memref<128x128xf32, #tpu.memory_space<vmem>>, vector<16xf32>,
          tpu.vector_store %arg15[%swap3A_724, %swap3A_725], %get3A_723 {strides = array<i32>} : memref<128x128xf32, #tpu.memory_space<vmem>>, vector<16xf32>,
          %get3A_727 = arith.index_cast %add3A_696 : i32 to index
          %get3A_728 = arith.constant 32 : index
          %get3A_729 = tpu.vector_load %arg12[%get3A_727, %get3A_728] {strides = array<i32>} : memref<128x128xf32, #tpu.memory_space<vmem>>, vector<16xf32>,
          %swap3A_730 = arith.index_cast %add3A_696 : i32 to index
          %swap3A_731 = arith.constant 32 : index
          %swap3A_732 = tpu.vector_load %arg15[%swap3A_730, %swap3A_731] {strides = array<i32>} : memref<128x128xf32, #tpu.memory_space<vmem>>, vector<16xf32>,
          tpu.vector_store %arg15[%swap3A_730, %swap3A_731], %get3A_729 {strides = array<i32>} : memref<128x128xf32, #tpu.memory_space<vmem>>, vector<16xf32>,
          %get3A_733 = arith.index_cast %add3A_696 : i32 to index
          %get3A_734 = arith.constant 48 : index
          %get3A_735 = tpu.vector_load %arg12[%get3A_733, %get3A_734] {strides = array<i32>} : memref<128x128xf32, #tpu.memory_space<vmem>>, vector<16xf32>,
          %swap3A_736 = arith.index_cast %add3A_696 : i32 to index
          %swap3A_737 = arith.constant 48 : index
          %swap3A_738 = tpu.vector_load %arg15[%swap3A_736, %swap3A_737] {strides = array<i32>} : memref<128x128xf32, #tpu.memory_space<vmem>>, vector<16xf32>,
          tpu.vector_store %arg15[%swap3A_736, %swap3A_737], %get3A_735 {strides = array<i32>} : memref<128x128xf32, #tpu.memory_space<vmem>>, vector<16xf32>,
          %get3A_739 = arith.index_cast %add3A_696 : i32 to index
          %get3A_740 = arith.constant 64 : index
          %get3A_741 = tpu.vector_load %arg12[%get3A_739, %get3A_740] {strides = array<i32>} : memref<128x128xf32, #tpu.memory_space<vmem>>, vector<16xf32>,
          %swap3A_742 = arith.index_cast %add3A_696 : i32 to index
          %swap3A_743 = arith.constant 64 : index
          %swap3A_744 = tpu.vector_load %arg15[%swap3A_742, %swap3A_743] {strides = array<i32>} : memref<128x128xf32, #tpu.memory_space<vmem>>, vector<16xf32>,
          tpu.vector_store %arg15[%swap3A_742, %swap3A_743], %get3A_741 {strides = array<i32>} : memref<128x128xf32, #tpu.memory_space<vmem>>, vector<16xf32>,
          %get3A_745 = arith.index_cast %add3A_696 : i32 to index
          %get3A_746 = arith.constant 80 : index
          %get3A_747 = tpu.vector_load %arg12[%get3A_745, %get3A_746] {strides = array<i32>} : memref<128x128xf32, #tpu.memory_space<vmem>>, vector<16xf32>,
          %swap3A_748 = arith.index_cast %add3A_696 : i32 to index
          %swap3A_749 = arith.constant 80 : index
          %swap3A_750 = tpu.vector_load %arg15[%swap3A_748, %swap3A_749] {strides = array<i32>} : memref<128x128xf32, #tpu.memory_space<vmem>>, vector<16xf32>,
          tpu.vector_store %arg15[%swap3A_748, %swap3A_749], %get3A_747 {strides = array<i32>} : memref<128x128xf32, #tpu.memory_space<vmem>>, vector<16xf32>,
          %get3A_751 = arith.index_cast %add3A_696 : i32 to index
          %get3A_752 = arith.constant 96 : index
          %get3A_753 = tpu.vector_load %arg12[%get3A_751, %get3A_752] {strides = array<i32>} : memref<128x128xf32, #tpu.memory_space<vmem>>, vector<16xf32>,
          %swap3A_754 = arith.index_cast %add3A_696 : i32 to index
          %swap3A_755 = arith.constant 96 : index
          %swap3A_756 = tpu.vector_load %arg15[%swap3A_754, %swap3A_755] {strides = array<i32>} : memref<128x128xf32, #tpu.memory_space<vmem>>, vector<16xf32>,
          tpu.vector_store %arg15[%swap3A_754, %swap3A_755], %get3A_753 {strides = array<i32>} : memref<128x128xf32, #tpu.memory_space<vmem>>, vector<16xf32>,
          %get3A_757 = arith.index_cast %add3A_696 : i32 to index
          %get3A_758 = arith.constant 112 : index
          %get3A_759 = tpu.vector_load %arg12[%get3A_757, %get3A_758] {strides = array<i32>} : memref<128x128xf32, #tpu.memory_space<vmem>>, vector<16xf32>,
          %swap3A_760 = arith.index_cast %add3A_696 : i32 to index
          %swap3A_761 = arith.constant 112 : index
          %swap3A_762 = tpu.vector_load %arg15[%swap3A_760, %swap3A_761] {strides = array<i32>} : memref<128x128xf32, #tpu.memory_space<vmem>>, vector<16xf32>,
          tpu.vector_store %arg15[%swap3A_760, %swap3A_761], %get3A_759 {strides = array<i32>} : memref<128x128xf32, #tpu.memory_space<vmem>>, vector<16xf32>,
        } else {
        }
        %ge3A_702 = arith.constant 20000 : i32
        %ge3A_703 = arith.cmpi sge, %squeeze3A_692, %ge3A_702 : i32
        %lt3A_704 = arith.constant 200000 : i32
        %lt3A_705 = arith.cmpi slt, %squeeze3A_692, %lt3A_704 : i32
        %and3A_706 = arith.andi %ge3A_703, %lt3A_705 : i1
        %convert_element_type3A_707 = arith.extui %and3A_706 : i1 to i32
        %cond3A_708 = arith.constant 0 : i32
        %cond3A_709 = arith.cmpi ne, %convert_element_type3A_707, %cond3A_708 : i32
        scf.if %cond3A_709 {
          %get3A_715 = arith.index_cast %add3A_696 : i32 to index
          %get3A_716 = arith.constant 0 : index
          %get3A_717 = tpu.vector_load %arg13[%get3A_715, %get3A_716] {strides = array<i32>} : memref<128x32xf32, #tpu.memory_space<vmem>>, vector<16xf32>,
          %swap3A_718 = arith.index_cast %add3A_696 : i32 to index
          %swap3A_719 = arith.constant 0 : index
          %swap3A_720 = tpu.vector_load %arg16[%swap3A_718, %swap3A_719] {strides = array<i32>} : memref<128x48xf32, #tpu.memory_space<vmem>>, vector<16xf32>,
          tpu.vector_store %arg16[%swap3A_718, %swap3A_719], %get3A_717 {strides = array<i32>} : memref<128x48xf32, #tpu.memory_space<vmem>>, vector<16xf32>,
          %get3A_721 = arith.index_cast %add3A_696 : i32 to index
          %get3A_722 = arith.constant 16 : index
          %get3A_723 = tpu.vector_load %arg13[%get3A_721, %get3A_722] {strides = array<i32>} : memref<128x32xf32, #tpu.memory_space<vmem>>, vector<16xf32>,
          %swap3A_724 = arith.index_cast %add3A_696 : i32 to index
          %swap3A_725 = arith.constant 16 : index
          %swap3A_726 = tpu.vector_load %arg16[%swap3A_724, %swap3A_725] {strides = array<i32>} : memref<128x48xf32, #tpu.memory_space<vmem>>, vector<16xf32>,
          tpu.vector_store %arg16[%swap3A_724, %swap3A_725], %get3A_723 {strides = array<i32>} : memref<128x48xf32, #tpu.memory_space<vmem>>, vector<16xf32>,
        } else {
        }
        %ge3A_710 = arith.constant 200000 : i32
        %ge3A_711 = arith.cmpi sge, %squeeze3A_692, %ge3A_710 : i32
        %convert_element_type3A_712 = arith.extui %ge3A_711 : i1 to i32
        %cond3A_713 = arith.constant 0 : i32
        %cond3A_714 = arith.cmpi ne, %convert_element_type3A_712, %cond3A_713 : i32
        scf.if %cond3A_714 {
          %shift_right_arithmetic3A = arith.constant 3 : i32
          %shift_right_arithmetic3A_715 = vector.broadcast %shift_right_arithmetic3A : i32 to vector<16xi32>
          %shift_right_arithmetic3A_716 = arith.shrsi %iota3A, %shift_right_arithmetic3A_715 : vector<16xi32>
          %add3A_717 = vector.broadcast %add3A_696 : i32 to vector<16xi32>
          %add3A_718 = arith.addi %add3A_717, %shift_right_arithmetic3A_716 : vector<16xi32>
          %and3A_719 = arith.constant 7 : i32
          %and3A_720 = vector.broadcast %and3A_719 : i32 to vector<16xi32>
          %and3A_721 = arith.andi %iota3A, %and3A_720 : vector<16xi32>
          %gather3A = tpu.vector_load_idx %arg14[%add3A_718, %and3A_721] : memref<130x8xf32, #tpu.memory_space<vmem>>[vector<16xi32>, vector<16xi32>], vector<16xf32>,
          %lt3A_722 = arith.constant 8 : i32
          %lt3A_723 = vector.broadcast %lt3A_722 : i32 to vector<16xi32>
          %lt3A_724 = arith.cmpi slt, %iota3A, %lt3A_723 : vector<16xi32>
          %jit3A_725 = arith.constant 0.000000e+00 : f32
          %broadcast_in_dim3A_726 = vector.broadcast %jit3A_725 : f32 to vector<16xf32>
          %select_n3A_727 = arith.select %lt3A_724, %gather3A, %broadcast_in_dim3A_726 : vector<16xi1>, vector<16xf32>
          %swap3A_728 = arith.index_cast %add3A_696 : i32 to index
          %swap3A_729 = arith.constant 32 : index
          %swap3A_730 = tpu.vector_load %arg16[%swap3A_728, %swap3A_729] {strides = array<i32>} : memref<128x48xf32, #tpu.memory_space<vmem>>, vector<16xf32>,
          tpu.vector_store %arg16[%swap3A_728, %swap3A_729], %select_n3A_727 {strides = array<i32>} : memref<128x48xf32, #tpu.memory_space<vmem>>, vector<16xf32>,
        } else {
        }
      }
      %scan3A_329 = arith.constant 8 : i32
      "tpu.region"() ({
        %run_scoped3A = tpu.sem_alloc : memref<!tpu.dma_semaphore, #tpu.memory_space<semaphore_mem>>
        %dma_start3A_330 = arith.constant 0 : i32
        %dma_start3A_331 = tpu.memref_slice %arg6[%add3A_12, %dma_start3A_330] : memref<204800x128xf32, #tpu.memory_space<hbm>> -> memref<128x128xf32, #tpu.memory_space<hbm>>
        %dma_start3A_332 = arith.constant 0 : i32
        %dma_start3A_333 = tpu.memref_slice %arg6[%add3A_12, %dma_start3A_332] : memref<204800x128xf32, #tpu.memory_space<hbm>> -> memref<128x128xf32, #tpu.memory_space<hbm>>
        tpu.enqueue_dma source(%arg15 : memref<128x128xf32, #tpu.memory_space<vmem>>) target(%dma_start3A_333 : memref<128x128xf32, #tpu.memory_space<hbm>>) target_semaphore(%run_scoped3A : memref<!tpu.dma_semaphore, #tpu.memory_space<semaphore_mem>>)
        %dma_wait3A_334 = arith.constant 0 : i32
        %dma_wait3A_335 = tpu.memref_slice %arg6[%add3A_12, %dma_wait3A_334] : memref<204800x128xf32, #tpu.memory_space<hbm>> -> memref<128x128xf32, #tpu.memory_space<hbm>>
        %dma_wait3A_336 = arith.constant 0 : i32
        %dma_wait3A_337 = tpu.memref_slice %arg6[%add3A_12, %dma_wait3A_336] : memref<204800x128xf32, #tpu.memory_space<hbm>> -> memref<128x128xf32, #tpu.memory_space<hbm>>
        tpu.wait_dma2 semaphore(%run_scoped3A : memref<!tpu.dma_semaphore, #tpu.memory_space<semaphore_mem>>) src(%arg15 : memref<128x128xf32, #tpu.memory_space<vmem>>) dst(%dma_wait3A_337 : memref<128x128xf32, #tpu.memory_space<hbm>>)
        tpu.yield
      }) : () -> ()
      "tpu.region"() ({
        %run_scoped3A = tpu.sem_alloc : memref<!tpu.dma_semaphore, #tpu.memory_space<semaphore_mem>>
        %dma_start3A_330 = arith.constant 0 : i32
        %dma_start3A_331 = tpu.memref_slice %arg7[%add3A_12, %dma_start3A_330] : memref<204800x128xf32, #tpu.memory_space<hbm>> -> memref<128x48xf32, #tpu.memory_space<hbm>>
        %dma_start3A_332 = arith.constant 0 : i32
        %dma_start3A_333 = tpu.memref_slice %arg7[%add3A_12, %dma_start3A_332] : memref<204800x128xf32, #tpu.memory_space<hbm>> -> memref<128x48xf32, #tpu.memory_space<hbm>>
        tpu.enqueue_dma source(%arg16 : memref<128x48xf32, #tpu.memory_space<vmem>>) target(%dma_start3A_333 : memref<128x48xf32, #tpu.memory_space<hbm>>) target_semaphore(%run_scoped3A : memref<!tpu.dma_semaphore, #tpu.memory_space<semaphore_mem>>)
        %dma_wait3A_334 = arith.constant 0 : i32
        %dma_wait3A_335 = tpu.memref_slice %arg7[%add3A_12, %dma_wait3A_334] : memref<204800x128xf32, #tpu.memory_space<hbm>> -> memref<128x48xf32, #tpu.memory_space<hbm>>
        %dma_wait3A_336 = arith.constant 0 : i32
        %dma_wait3A_337 = tpu.memref_slice %arg7[%add3A_12, %dma_wait3A_336] : memref<204800x128xf32, #tpu.memory_space<hbm>> -> memref<128x48xf32, #tpu.memory_space<hbm>>
        tpu.wait_dma2 semaphore(%run_scoped3A : memref<!tpu.dma_semaphore, #tpu.memory_space<semaphore_mem>>) src(%arg16 : memref<128x48xf32, #tpu.memory_space<vmem>>) dst(%dma_wait3A_337 : memref<128x48xf32, #tpu.memory_space<hbm>>)
        tpu.yield
      }) : () -> ()
    }
    %scan3A_8 = arith.constant 50 : i32
    return
  }
}

module attributes {stable_mosaic.version = 14 : i64} {
  func.func @_w0_body(%arg0: i32, %arg1: memref<2000x128xf32, #tpu.memory_space<vmem>>, %arg2: memref<128x128xf32, #tpu.memory_space<vmem>>, %arg3: memref<2000x128xf32, #tpu.memory_space<vmem>>) attributes {dimension_semantics = [#tpu.dimension_semantics<arbitrary>], iteration_bounds = array<i64: 10>, scalar_prefetch = 0 : i64, scratch_operands = 0 : i64, tpu.core_type = #tpu.core_type<tc>, window_params = [{transform_indices = @transform_0, window_bounds = array<i64: 2000, 128>}, {pipeline_mode = #tpu.pipeline_mode<synchronous>, transform_indices = @transform_1, window_bounds = array<i64: 128, 128>}, {transform_indices = @transform_2, window_bounds = array<i64: 2000, 128>}]} {
    %get3A = arith.constant 0 : index
    %get3A_0 = arith.constant 0 : index
    %get3A_1 = vector.load %arg1[%get3A, %get3A_0] : memref<2000x128xf32, #tpu.memory_space<vmem>>, vector<2000x128xf32>
    %get3A_2 = arith.constant 0 : index
    %get3A_3 = arith.constant 0 : index
    %get3A_4 = vector.load %arg2[%get3A_2, %get3A_3] : memref<128x128xf32, #tpu.memory_space<vmem>>, vector<128x128xf32>
    %dot_general3A = arith.constant dense<0.000000e+00> : vector<2000x128xf32>
    %dot_general3A_5 = tpu.matmul %get3A_1, %get3A_4, %dot_general3A {dimension_numbers = #tpu.dot_dimension_numbers<[1], [1], [0], [0], [0, 0, 1, 0], [], []>, transpose_lhs_hint = false} : vector<2000x128xf32>, vector<128x128xf32>, vector<2000x128xf32> -> vector<2000x128xf32>
    %swap3A = arith.constant 0 : index
    %swap3A_6 = arith.constant 0 : index
    %swap3A_7 = vector.load %arg3[%swap3A, %swap3A_6] : memref<2000x128xf32, #tpu.memory_space<vmem>>, vector<2000x128xf32>
    tpu.vector_store %arg3[%swap3A, %swap3A_6], %dot_general3A_5 {strides = array<i32>} : memref<2000x128xf32, #tpu.memory_space<vmem>>, vector<2000x128xf32>,
    return
  }
  func.func @transform_0(%arg0: i32) -> (i32, i32) {
    %c0_i32 = arith.constant 0 : i32
    %c0_i32_0 = arith.constant 0 : i32
    return %arg0, %c0_i32 : i32, i32
  }
  func.func @transform_1(%arg0: i32) -> (i32, i32) {
    %c0_i32 = arith.constant 0 : i32
    %c0_i32_0 = arith.constant 0 : i32
    %c0_i32_1 = arith.constant 0 : i32
    return %c0_i32, %c0_i32_0 : i32, i32
  }
  func.func @transform_2(%arg0: i32) -> (i32, i32) {
    %c0_i32 = arith.constant 0 : i32
    %c0_i32_0 = arith.constant 0 : i32
    return %arg0, %c0_i32 : i32, i32
  }
}

module attributes {stable_mosaic.version = 14 : i64} {
  func.func @_tc_project_body(%arg0: i32, %arg1: memref<800x128xf32, #tpu.memory_space<vmem>>, %arg2: memref<800x128xf32, #tpu.memory_space<vmem>>, %arg3: memref<48x128xf32, #tpu.memory_space<vmem>>, %arg4: memref<16x50x128xf32, #tpu.memory_space<vmem>>) attributes {dimension_semantics = [#tpu.dimension_semantics<arbitrary>], iteration_bounds = array<i64: 256>, scalar_prefetch = 0 : i64, scratch_operands = 0 : i64, tpu.core_type = #tpu.core_type<tc>, window_params = [{transform_indices = @transform_0, window_bounds = array<i64: 800, 128>}, {transform_indices = @transform_1, window_bounds = array<i64: 800, 128>}, {pipeline_mode = #tpu.pipeline_mode<synchronous>, transform_indices = @transform_2, window_bounds = array<i64: 48, 128>}, {transform_indices = @transform_3, window_bounds = array<i64: 16, 50, 128>}]} {
    %get3A = arith.constant 0 : index
    %get3A_0 = arith.constant 0 : index
    %get3A_1 = vector.load %arg1[%get3A, %get3A_0] : memref<800x128xf32, #tpu.memory_space<vmem>>, vector<800x128xf32>
    %get3A_2 = arith.constant 0 : index
    %get3A_3 = arith.constant 0 : index
    %get3A_4 = vector.load %arg2[%get3A_2, %get3A_3] : memref<800x128xf32, #tpu.memory_space<vmem>>, vector<800x48xf32>
    %get3A_5 = arith.constant 0 : index
    %get3A_6 = arith.constant 0 : index
    %get3A_7 = vector.load %arg3[%get3A_5, %get3A_6] : memref<48x128xf32, #tpu.memory_space<vmem>>, vector<48x128xf32>
    %dot_general3A = arith.constant dense<0.000000e+00> : vector<800x128xf32>
    %dot_general3A_8 = tpu.matmul %get3A_4, %get3A_7, %dot_general3A {dimension_numbers = #tpu.dot_dimension_numbers<[1], [0], [0], [1], [0, 0, 1, 1], [], []>, transpose_lhs_hint = false} : vector<800x48xf32>, vector<48x128xf32>, vector<800x128xf32> -> vector<800x128xf32>
    %add3A = arith.addf %get3A_1, %dot_general3A_8 : vector<800x128xf32>
    %mul3A = arith.constant 11.3137083 : f32
    %mul3A_9 = vector.broadcast %mul3A : f32 to vector<800x128xf32>
    %mul3A_10 = arith.mulf %add3A, %mul3A_9 : vector<800x128xf32>
    %reshape3A = vector.shape_cast %mul3A_10 : vector<800x128xf32> to vector<16x50x128xf32>
    %swap3A = arith.constant 0 : index
    %swap3A_11 = arith.constant 0 : index
    %swap3A_12 = arith.constant 0 : index
    %swap3A_13 = vector.load %arg4[%swap3A, %swap3A_11, %swap3A_12] : memref<16x50x128xf32, #tpu.memory_space<vmem>>, vector<16x50x128xf32>
    tpu.vector_store %arg4[%swap3A, %swap3A_11, %swap3A_12], %reshape3A {strides = array<i32>} : memref<16x50x128xf32, #tpu.memory_space<vmem>>, vector<16x50x128xf32>,
    return
  }
  func.func @transform_0(%arg0: i32) -> (i32, i32) {
    %c0_i32 = arith.constant 0 : i32
    %c0_i32_0 = arith.constant 0 : i32
    return %arg0, %c0_i32 : i32, i32
  }
  func.func @transform_1(%arg0: i32) -> (i32, i32) {
    %c0_i32 = arith.constant 0 : i32
    %c0_i32_0 = arith.constant 0 : i32
    return %arg0, %c0_i32 : i32, i32
  }
  func.func @transform_2(%arg0: i32) -> (i32, i32) {
    %c0_i32 = arith.constant 0 : i32
    %c0_i32_0 = arith.constant 0 : i32
    %c0_i32_1 = arith.constant 0 : i32
    return %c0_i32, %c0_i32_0 : i32, i32
  }
  func.func @transform_3(%arg0: i32) -> (i32, i32, i32) {
    %c0_i32 = arith.constant 0 : i32
    %c0_i32_0 = arith.constant 0 : i32
    %c0_i32_1 = arith.constant 0 : i32
    return %arg0, %c0_i32, %c0_i32_0 : i32, i32, i32
  }
}

</mosaic_0001>

<sc_bundles>
// kernel: kernel.5.cloned.1.call-start
scs
__scs_entry_jumppad:
0x0: {  	(pc) =	sbr.rel $0x88, $3  }
0x1: {  	(tag) =	ssettag $0x0;
	lr =	simm.s32 $0x1  }
0x2: {  	[smem:$0x3F9A] =	sst lr;
	_ =	strace $0xD0000000  }
0x3: {  	_ = 	snop  }
0x4: {  	_ = 	snop  }
0x5: {  	_ = 	snop  }
0x6: {  	_ = 	snop  }
0x7: {  	_ = 	snop  }
__scs_overlays_trampoline_lowered:
0x8: {  	[smem:$0x3FA9] =	sst s0  }
0x9: {  	[smem:$0x3FAA] =	sst s1  }
0xa: {  	[smem:$0x3FAB] =	sst s2  }
0xb: {  	[smem:$0x3FAC] =	sst s3  }
0xc: {  	[smem:$0x3FAD] =	sst s4  }
0xd: {  	[smem:$0x3FAE] =	sst s5  }
0xe: {  	[smem:$0x3FAF] =	sst s6  }
0xf: {  	[smem:$0x3FB0] =	sst s7  }
0x10: {  	[smem:$0x3FB1] =	sst s8  }
0x11: {  	[smem:$0x3FB2] =	sst s9;
	s0 =	simm.s32 @!p0 $0x0  }
0x12: {  	s1 =	sld [smem:$0x3F98];
	s0 =	simm.s32 @p0 $0x1  }
0x13: {  	[smem:$0x3FB3] =	sst s0;
	s0 =	simm.s32 @!p1 $0x0  }
0x14: {  	s2 =	sld [smem:$0x3F97];
	s0 =	simm.s32 @p1 $0x1  }
0x15: {  	[smem:$0x3FB4] =	sst s0;
	s0 =	simm.s32 @!p2 $0x0  }
0x16: {  	s3 =	sld [smem:$0x3FDB];
	s0 =	simm.s32 @p2 $0x1  }
0x17: {  	s4 =	simm.s32 $0x1BF5;
	[smem:$0x3FB6] =	sst s0  }
0x18: {  	s0 =	sld [smem:$0x3F99];
	_ =	swait.ge [sflag:s4], $0x0  }
0x19: {  	s7 =	sld [smem:$0x3F9A]  }
0x1a: {  	s8 =	sadd.s32 $0xFFFFE003, lr  }
0x1b: {  	s9 =	sadd.s32 $0xFFFFFEF7, lr;
	s5 =	simm.s32 $0xFFFFFFFF;
	p2 =	slt.u32 s8, $0xFFFFF086  }
0x1c: {  	p1 =	slt.u32 s9, $0xF7A;
	s5 =	simm.s32 @!p2 $0x0  }
0x1d: {  	s5 =	simm.s32 @p1 $0x1;
	p0 =	seq.s32 s7, s2  }
0x1e: {  	s7 =	smul.u32 @!p0 $0xF7A, s2;
	p2 =	seq.s32 @!p0 s5, $0x0  }
0x1f: {  	s9 =	smul.u32 $0xF7A, s1;
	s8 =	simm.s32 @!p0 $0x1BF5;
	p2 =	por !p2, p0  }
0x20: {  	[sflag:s8] =	ssyncset.s32 @!p0 $0xFFFFF086;
	s6 =	sadd.s32 @!p0 s3, s7;
	s7 =	simm.s32 @!p0 $0x108  }
0x21: {  	s3 =	sadd.s32 s3, s9;
	s6 =	sadd.s32 @!p0 $0x88, s6;
	s7 =	simm.s32 @p2 $0x1082  }
0x22: {  	[simem:s7], [sflag:s8] =	dma.local @!p0 [hbm:s6], $0xF7A  }
0x23: {  	s9 =	sor.u32 $0xD0000000, s2;
	s6 =	simm.s32 $0x108;
	_ =	swait.ge @!p0 [sflag:s8], $0x0  }
0x24: {  	s3 =	sadd.s32 $0x88, s3;
	s6 =	simm.s32 @!p1 $0x1082;
	[sflag:s4] =	ssyncset.s32 $0xFFFFF086  }
0x25: {  	[simem:s6], [sflag:s4] =	dma.local [hbm:s3], $0xF7A  }
0x26: {  	[smem:$0x3F9A] =	sst s1;
	(tag) =	ssettag s2;
	_ =	strace s9  }
0x27: {  	s1 =	sld [smem:$0x3FAA]  }
0x28: {  	s2 =	sld [smem:$0x3FAB]  }
0x29: {  	s4 =	sld [smem:$0x3FAD]  }
0x2a: {  	p0 =	seq.s32 s5, $0x0;
	s5 =	sld [smem:$0x3FAE]  }
0x2b: {  	s6 =	sld [smem:$0x3FAF]  }
0x2c: {  	s7 =	sld [smem:$0x3FB0]  }
0x2d: {  	s3 =	simm.s32 $0x108;
	s8 =	sld [smem:$0x3FB1]  }
0x2e: {  	s3 =	simm.s32 @!p0 $0x1082;
	s9 =	sld [smem:$0x3FB2]  }
0x2f: {  	lr =	sadd.s32 s0, s3;
	s0 =	sld [smem:$0x3FA9]  }
0x30: {  	s3 =	sld [smem:$0x3FAC]  }
0x31: {  	[smem:$0x3FB5] =	sst s10  }
0x32: {  	s10 =	sld [smem:$0x3FB3];
	_ =	sdelay $0x3  }
0x33: {  	p0 =	seq.s32 s10, $0x1;
	s10 =	sld [smem:$0x3FB5];
	_ =	sdelay $0x3  }
0x34: {  	[smem:$0x3FB5] =	sst s10  }
0x35: {  	s10 =	sld [smem:$0x3FB4];
	_ =	sdelay $0x3  }
0x36: {  	p1 =	seq.s32 s10, $0x1;
	s10 =	sld [smem:$0x3FB5];
	_ =	sdelay $0x3  }
0x37: {  	[smem:$0x3FB5] =	sst s10  }
0x38: {  	s10 =	sld [smem:$0x3FB6]  }
0x39: {  	_ = 	snop;
	(pc) =	sbr.ind lr, $3  }
0x3a: {  	_ = 	snop  }
0x3b: {  	_ = 	snop  }
0x3c: {  	p2 =	seq.s32 s10, $0x1;
	s10 =	sld [smem:$0x3FB5]  }
0x3d: {  	_ =	shalt  }
0x3e: {  	_ =	shalt  }
0x3f: {  	_ =	shalt  }
0x40: {  	_ =	shalt  }
0x41: {  	_ =	shalt  }
0x42: {  	_ =	shalt  }
0x43: {  	_ =	shalt  }
0x44: {  	_ =	shalt  }
0x45: {  	_ =	shalt  }
0x46: {  	_ =	shalt  }
0x47: {  	_ =	shalt  }
0x48: {  	_ =	shalt  }
0x49: {  	_ =	shalt  }
0x4a: {  	_ =	shalt  }
0x4b: {  	_ =	shalt  }
0x4c: {  	_ =	shalt  }
0x4d: {  	_ =	shalt  }
0x4e: {  	_ =	shalt  }
0x4f: {  	_ =	shalt  }
0x50: {  	_ =	shalt  }
0x51: {  	_ =	shalt  }
0x52: {  	_ =	shalt  }
0x53: {  	_ =	shalt  }
0x54: {  	_ =	shalt  }
0x55: {  	_ =	shalt  }
0x56: {  	_ =	shalt  }
0x57: {  	_ =	shalt  }
0x58: {  	_ =	shalt  }
0x59: {  	_ =	shalt  }
0x5a: {  	_ =	shalt  }
0x5b: {  	_ =	shalt  }
0x5c: {  	_ =	shalt  }
0x5d: {  	_ =	shalt  }
0x5e: {  	_ =	shalt  }
0x5f: {  	_ =	shalt  }
0x60: {  	_ =	shalt  }
0x61: {  	_ =	shalt  }
0x62: {  	_ =	shalt  }
0x63: {  	_ =	shalt  }
0x64: {  	_ =	shalt  }
0x65: {  	_ =	shalt  }
0x66: {  	_ =	shalt  }
0x67: {  	_ =	shalt  }
0x68: {  	_ =	shalt  }
0x69: {  	_ =	shalt  }
0x6a: {  	_ =	shalt  }
0x6b: {  	_ =	shalt  }
0x6c: {  	_ =	shalt  }
0x6d: {  	_ =	shalt  }
0x6e: {  	_ =	shalt  }
0x6f: {  	_ =	shalt  }
0x70: {  	_ =	shalt  }
0x71: {  	_ =	shalt  }
0x72: {  	_ =	shalt  }
0x73: {  	_ =	shalt  }
0x74: {  	_ =	shalt  }
0x75: {  	_ =	shalt  }
0x76: {  	_ =	shalt  }
0x77: {  	_ =	shalt  }
0x78: {  	_ =	shalt  }
0x79: {  	_ =	shalt  }
0x7a: {  	_ =	shalt  }
0x7b: {  	_ =	shalt  }
0x7c: {  	_ =	shalt  }
0x7d: {  	_ =	shalt  }
0x7e: {  	_ =	shalt  }
0x7f: {  	_ =	shalt  }
0x80: {  	_ =	shalt  }
0x81: {  	_ =	shalt  }
0x82: {  	_ =	shalt  }
0x83: {  	_ =	shalt  }
0x84: {  	_ =	shalt  }
0x85: {  	_ =	shalt  }
0x86: {  	_ =	shalt  }
0x87: {  	_ =	shalt  }
.Lfunc_end0:
.L_simem_size_0:
called_computation_lowered:
.L_overlay_start_0:
0x88: {  	s2 =	sld [smem:$0x3FD9]  }
0x89: {  	s3 =	sld [smem:$0x3FFE];
	_ =	sdelay $0x1  }
0x8a: {  	s1 =	srdreg.scid  }
0x8b: {  	s0 =	sand.u32 $0x1, s1  }
0x8c: {  	s17 =	sshll.u32 s0, $0xA;
	s2 =	sadd.s32 s3, s2  }
0x8d: {  	s2 =	sadd.s32 s2, s17  }
0x8e: {  	[smem:$0x3FC1] =	sst s2  }
0x8f: {  	_ = 	snop  }
0x90: {  	s2 =	sld [smem:$0x3FD0];
	(tm) =	ssettm $0x1  }
0x91: {  	s18 =	sld [smem:$0x3FFB];
	_ =	sdelay $0x3  }
0x92: {  	_ =	strace s18  }
0x93: {  	s3 =	sld [smem:$0x3FFC];
	_ =	sdelay $0x3  }
0x94: {  	_ =	strace s3  }
0x95: {  	s3 =	sld [smem:$0x3FFD];
	_ =	sdelay $0x3  }
0x96: {  	_ =	strace s3  }
0x97: {  	_ =	strace $0x8FFFFFFF  }
0x98: {  	s19 =	sld [smem:$0x3FDB];
	_ =	sdelay $0x1  }
0x99: {  	s4 =	simm.s32 $_scs_section_size  }
0x9a: {  	s5 =	simm.s32 $_size__tile_overlayer_lowered;
	s6 =	simm.s32 $_tile_overlayer_lowered  }
0x9b: {  	s22 =	simm.s32 $0x1BFF;
	s21 =	sshll.u32 s6, $0x1;
	s3 =	sadd.s32 s4, s19  }
0x9c: {  	s7 =	simm.s32 $0x0;
	s20 =	sshll.u32 s5, $0x1;
	s5 =	sadd.s32 s21, s3  }
0x9d: {  	[timem:s7], [sflag:s22] =	dma.local [hbm:s5], s20  }
0x9e: {  	_ =	swait.ge [sflag:s22], s20  }
0x9f: {  	s4 =	ssub.s32 $0x0, s20;
	[sflag:s22] =	ssyncset.done $0x0  }
0xa0: {  	[sflag:s22] =	ssyncadd.s32 s4;
	_ =	sdelay $0x1  }
0xa1: {  	s23 =	simm.s32 $0x1B8B  }
0xa2: {  	_ =	swait.ge [sflag:s23], $0x1  }
0xa3: {  	[sflag:s23] =	ssyncset.done $0x0  }
0xa4: {  	s25 =	simm.s32 $0x1B8E;
	s24 =	sld [smem:$0x3FFE];
	[sflag:s23] =	ssyncadd.s32 $0xFFFFFFFF  }
0xa5: {  	s26 =	simm.s32 $execute0_lowered;
	[smem:$0x3FD2] =	sst s25  }
0xa6: {  	s5 =	sshll.u32 s26, $0x1;
	_ =	strace $0x80000046;
	[dreg:$0x1] =	wrdreg $0xFFFFFFFF  }
0xa7: {  	s28 =	simm.s32 $_size_execute0_lowered;
	s3 =	sadd.s32 s3, s5;
	[dreg:$0x0] =	wrdreg $0x0  }
0xa8: {  	s5 =	sshll.u32 s28, $0x1;
	[dreg:$0x2] =	wrdreg s3  }
0xa9: {  	[dreg:$0x3] =	wrdreg s5  }
0xaa: {  	[dreg:$0x4] =	wrdreg $0xC0  }
0xab: {  	_ =	task [dreg:s7], $0x5FFFF  }
0xac: {  	[dreg:$0x1] =	wrdreg $0xFFFFFFFF  }
0xad: {  	[dreg:$0x0] =	wrdreg $0x60  }
0xae: {  	[dreg:$0x2] =	wrdreg s24  }
0xaf: {  	[dreg:$0x3] =	wrdreg s2  }
0xb0: {  	[dreg:$0x4] =	wrdreg $0x9  }
0xb1: {  	_ =	task.clear_ibuf [dreg:s7], $0x5FFFF;
	_ =	strace $0x90000046  }
0xb2: {  	s29 =	simm.s32 $0x9;
	_ =	strace $0x80000048  }
0xb3: {  	_ =	swait.ge [sflag:s29], $0x1  }
0xb4: {  	[sflag:s29] =	ssyncadd.s32 $0xFFFFFFFF  }
0xb5: {  	_ =	strace $0x90000048  }
0xb6: {  	_ =	sfence  }
0xb7: {  	s30 =	sld [smem:$0x0];
	_ =	sdelay $0x2  }
0xb8: {  	s31 =	sshll.u32 s1, $0xD;
	s1 =	sshrl.u32 s1, $0x2  }
0xb9: {  	s3 =	sand.u32 $0x4000, s31;
	s1 =	sadd.s32 s1, s30  }
0xba: {  	s0 =	sor.u32 s3, s0;
	s1 =	sshll.u32 s1, $0x11  }
0xbb: {  	s0 =	sor.u32 s1, s0  }
0xbc: {  	s0 =	sadd.s32 $0x8F2B, s0  }
0xbd: {  	[sflag:s0] =	ssyncadd.remote.s32 $0x1  }
0xbe: {  	_ =	sfence.sel $0xFFFF  }
0xbf: {  	[dreg:$0x0] =	wrdreg $0xFFFFFFFF;
	(pc) =	sbr.abs _section_cstart, $3  }
0xc0: {  	[dreg:$0x1] =	wrdreg $0xFFFFFFFF  }
0xc1: {  	_ =	task.clear_ibuf [dreg:s7], $0x2FFFF;
	_ =	strace $0x9FFFFFFF  }
0xc2: {  	(tm) =	ssettm $0x7FFFFFFF  }
0xc3: {  	_ =	shalt  }
tec
execute0_lowered:
.L_overlay_start_1:
0x0: {  	(tag) =	ssettag $0x1  }
0x1: {  	s8 =	rddreg [dreg:$0x0]  }
0x2: {  	s1 =	rddreg [dreg:$0x1];
	s2 =	simm.s32 $0x0;
	s6 =	srdreg.scid  }
0x3: {  	s3 =	stileid.u32;
	s13 =	simm.s32 $0x200;
	s14 =	simm.s32 $0x100  }
0x4: {  	s15 =	simm.s32 $0x4200;
	s16 =	simm.s32 $0x180;
	s17 =	simm.s32 $0x5200  }
0x5: {  	s18 =	simm.s32 $0x1;
	s19 =	simm.s32 $0x2;
	s20 =	simm.s32 $0x3  }
0x6: {  	s21 =	simm.s32 $0x5610;
	s22 =	simm.s32 $0x30;
	s23 =	simm.s32 $0x9610  }
0x7: {  	s24 =	simm.s32 $0x0;
	[smem:$0x7FF] =	sst s2;
	s4 =	sadd.s32 $0xB1E00, s8  }
0x8: {  	s5 =	sadd.s32 $0xB8200, s8;
	s9 =	sand.u32 $0x1, s6;
	s6 =	sadd.s32 $0x2000, s8  }
0x9: {  	s11 =	sshll.u32 s3, $0x1;
	s7 =	sadd.s32 $0xC37000, s8;
	s10 =	ssub.s32 $0x2, s9  }
0xa: {  	s8 =	sadd.s32 $0x106400, s8;
	_ =	strace $0x80000047;
	s12 =	sshrl.u32 s10, $0x1  }
0xb: {  	s9 =	sor.u32 s9, s11;
	s11 =	simm.s32 $0x4;
	s10 =	ssub.s32 s10, s12  }
0xc: {  	v0 =	vimm.f32 $0.0e+00;
	s9 =	smul.u32 $0x1900, s9;
	s12 =	simm.s32 $0x80;
	s10 =	smax.u32 s10, $0x1  }
.LBB2_1:
0xd: {  	s25 =	simm.s32 $0x0  }
.LBB2_2:
0xe: {  	s26 =	sshll.u32 s25, $0x7  }
0xf: {  	s26 =	sadd.s32 s9, s26  }
0x10: {  	s28 =	sshrl.u32 s26, $0x3  }
0x11: {  	s29 =	simm.s32 $0x0;
	s28 =	sadd.s32 s4, s28  }
0x12: {  	[tilespmem:s29], [sflag:$0x4] =	stream.linear.gather [hbm4b:s28+s29], $0x80, $0x38;
	[tilespmem:$0xAE10] =	vst v63  }
0x13: {  	_ =	swait.ge [sflag:s11], $0x80  }
0x14: {  	[sflag:s11] =	ssyncset.done $0x0  }
0x15: {  	[sflag:s11] =	ssyncadd.s32 $0xFFFFFF80  }
0x16: {  	v1 =	vld [tilespmem:$0x0];
	_ =	sdelay $0x2  }
0x17: {  	v2 =	vld [tilespmem:$0x10];
	_ =	sdelay $0x1  }
0x18: {  	vm0 =	vlt.s32 v1, $0x4E20;
	v3 =	vadd.s32 $0xFFFFB1E0, v1  }
0x19: {  	v5 =	vld [tilespmem:$0x20];
	vm6 =	vgt.s32 v1, $0x30D3F;
	vm1 =	vlt.u32 v3, $0x2BF20;
	v4 =	vnsel vm0, $0xFFFFFFFF, v1  }
0x1a: {  	v1 =	vnsel vm6, $0x30D3F, v1;
	[tilespmem:$0x80] =	vst v4;
	v3 =	vnsel vm1, $0xFFFFFFFF, v3  }
0x1b: {  	vm7 =	vlt.s32 v2, $0x4E20;
	v1 =	vadd.s32 $0xFFFCF2C0, v1;
	[tilespmem:$0x100] =	vst v3;
	v3 =	vadd.s32 $0xFFFFB1E0, v2  }
0x1c: {  	v61 =	vld [tilespmem:$0x30];
	vm9 =	vgt.s32 v2, $0x30D3F;
	[tilespmem:$0x180] =	vst v1;
	v1 =	vnsel vm7, $0xFFFFFFFF, v2;
	vm8 =	vlt.u32 v3, $0x2BF20  }
0x1d: {  	v2 =	vnsel vm9, $0x30D3F, v2;
	[tilespmem:$0x90] =	vst v1;
	v1 =	vnsel vm8, $0xFFFFFFFF, v3  }
0x1e: {  	vm10 =	vlt.s32 v5, $0x4E20;
	[tilespmem:$0x110] =	vst v1;
	v1 =	vadd.s32 $0xFFFCF2C0, v2;
	v2 =	vadd.s32 $0xFFFFB1E0, v5  }
0x1f: {  	vm12 =	vgt.s32 v5, $0x30D3F;
	v3 =	vld [tilespmem:$0x40];
	[tilespmem:$0x190] =	vst v1;
	vm11 =	vlt.u32 v2, $0x2BF20;
	v1 =	vnsel vm10, $0xFFFFFFFF, v5  }
0x20: {  	[tilespmem:$0xA0] =	vst v1;
	v1 =	vnsel vm11, $0xFFFFFFFF, v2;
	v2 =	vnsel vm12, $0x30D3F, v5  }
0x21: {  	vm13 =	vlt.s32 v61, $0x4E20;
	[tilespmem:$0x120] =	vst v1;
	v1 =	vadd.s32 $0xFFFCF2C0, v2;
	v2 =	vadd.s32 $0xFFFFB1E0, v61  }
0x22: {  	v62 =	vld [tilespmem:$0x50];
	vm15 =	vgt.s32 v61, $0x30D3F;
	[tilespmem:$0x1A0] =	vst v1;
	vm14 =	vlt.u32 v2, $0x2BF20;
	v1 =	vnsel vm13, $0xFFFFFFFF, v61  }
0x23: {  	[tilespmem:$0xB0] =	vst v1;
	v1 =	vnsel vm14, $0xFFFFFFFF, v2;
	v2 =	vnsel vm15, $0x30D3F, v61  }
0x24: {  	vm4 =	vlt.s32 v3, $0x4E20;
	[tilespmem:$0x130] =	vst v1;
	v1 =	vadd.s32 $0xFFFCF2C0, v2;
	v2 =	vadd.s32 $0xFFFFB1E0, v3  }
0x25: {  	v63 =	vld [tilespmem:$0x60];
	vm6 =	vgt.s32 v3, $0x30D3F;
	[tilespmem:$0x1B0] =	vst v1;
	vm5 =	vlt.u32 v2, $0x2BF20;
	v1 =	vnsel vm4, $0xFFFFFFFF, v3  }
0x26: {  	[tilespmem:$0xC0] =	vst v1;
	v1 =	vnsel vm5, $0xFFFFFFFF, v2;
	v2 =	vnsel vm6, $0x30D3F, v3  }
0x27: {  	vm7 =	vlt.s32 v62, $0x4E20;
	[tilespmem:$0x140] =	vst v1;
	v1 =	vadd.s32 $0xFFFCF2C0, v2;
	v2 =	vadd.s32 $0xFFFFB1E0, v62  }
0x28: {  	vm9 =	vgt.s32 v62, $0x30D3F;
	v3 =	vld [tilespmem:$0x70];
	[tilespmem:$0x1C0] =	vst v1;
	vm8 =	vlt.u32 v2, $0x2BF20;
	v1 =	vnsel vm7, $0xFFFFFFFF, v62  }
0x29: {  	[tilespmem:$0xD0] =	vst v1;
	v1 =	vnsel vm8, $0xFFFFFFFF, v2;
	v2 =	vnsel vm9, $0x30D3F, v62  }
0x2a: {  	vm10 =	vlt.s32 v63, $0x4E20;
	[tilespmem:$0x150] =	vst v1;
	v1 =	vadd.s32 $0xFFFCF2C0, v2;
	v2 =	vadd.s32 $0xFFFFB1E0, v63  }
0x2b: {  	vm12 =	vgt.s32 v63, $0x30D3F;
	[tilespmem:$0x1D0] =	vst v1;
	vm11 =	vlt.u32 v2, $0x2BF20;
	v1 =	vnsel vm10, $0xFFFFFFFF, v63  }
0x2c: {  	[tilespmem:$0xE0] =	vst v1;
	v1 =	vnsel vm11, $0xFFFFFFFF, v2;
	v2 =	vnsel vm12, $0x30D3F, v63  }
0x2d: {  	vm13 =	vlt.s32 v3, $0x4E20;
	[tilespmem:$0x160] =	vst v1;
	v1 =	vadd.s32 $0xFFFCF2C0, v2;
	v2 =	vadd.s32 $0xFFFFB1E0, v3  }
0x2e: {  	vm15 =	vgt.s32 v3, $0x30D3F;
	[tilespmem:$0x1E0] =	vst v1;
	vm14 =	vlt.u32 v2, $0x2BF20;
	v1 =	vnsel vm13, $0xFFFFFFFF, v3  }
0x2f: {  	[tilespmem:$0xF0] =	vst v1;
	v1 =	vnsel vm14, $0xFFFFFFFF, v2;
	v2 =	vnsel vm15, $0x30D3F, v3  }
0x30: {  	[tilespmem:$0x170] =	vst v1;
	v1 =	vadd.s32 $0xFFFCF2C0, v2  }
0x31: {  	[tilespmem:$0x1F0] =	vst v1;
	(ifvalue) =	ssetifvalue $0xFFFFFFFF  }
0x32: {  	(ifvalue) =	ssetifvalue $0xFFFFFFFF  }
0x33: {  	[tilespmem:s13], [sflag:$0x1] =	stream.indirect.gather [hbm4b:s5+s12], $0x80, s12, s12, $0x40b8;
	[tilespmem:$0xAE10] =	vst v63  }
0x34: {  	(ifvalue) =	ssetifvalue $0xFFFFFFFF  }
0x35: {  	(ifvalue) =	ssetifvalue $0xFFFFFFFF  }
0x36: {  	[tilespmem:s15], [sflag:$0x2] =	stream.indirect.gather [hbm4b:s6+s12], $0x20, s14, s12, $0x40b8;
	[tilespmem:$0xAE10] =	vst v63  }
0x37: {  	(ifvalue) =	ssetifvalue $0xFFFFFFFF  }
0x38: {  	s28 =	simm.s32 $0x5650;
	(ifvalue) =	ssetifvalue $0xFFFFFFFF  }
0x39: {  	[tilespmem:s17], [sflag:$0x3] =	stream.indirect.gather [hbm4b:s7+s12], $0x8, s16, s12, $0x40b8;
	[tilespmem:$0xAE10] =	vst v63  }
0x3a: {  	[tilespmem:s28+$0x0] =	vst v0  }
0x3b: {  	[tilespmem:s28+$0x10] =	vst v0  }
0x3c: {  	[tilespmem:s28+$0x20] =	vst v0  }
0x3d: {  	[tilespmem:s28+$0x30] =	vst v0  }
0x3e: {  	[tilespmem:s28+$0xFFFFFFD0] =	vst v0  }
0x3f: {  	[tilespmem:s28+$0xFFFFFFC0] =	vst v0  }
0x40: {  	[tilespmem:s28+$0xFFFFFFE0] =	vst v0  }
0x41: {  	s30 =	simm.s32 $0x0;
	s29 =	simm.s32 $0xC0;
	[tilespmem:s28+$0xFFFFFFF0] =	vst v0  }
.LBB2_3:
0x42: {  	p0 =	sne.s32 s29, $0x5F40;
	[tilespmem:s30+$0x9630] =	vst v0  }
0x43: {  	[tilespmem:s30+$0x9610] =	vst v0  }
0x44: {  	s28 =	sadd.s32 $0x80, s28;
	[tilespmem:s30+$0x9620] =	vst v0  }
0x45: {  	[tilespmem:s28+$0x0] =	vst v0  }
0x46: {  	[tilespmem:s28+$0x10] =	vst v0  }
0x47: {  	[tilespmem:s28+$0x20] =	vst v0  }
.Ltmp0:
0x48: {  	[tilespmem:s28+$0x30] =	vst v0;
	(pc) =	sbr.rel @p0 .LBB2_3-.Ltmp0, $4  }
0x49: {  	[tilespmem:s28+$0xFFFFFFD0] =	vst v0  }
0x4a: {  	[tilespmem:s28+$0xFFFFFFC0] =	vst v0  }
0x4b: {  	[tilespmem:s28+$0xFFFFFFE0] =	vst v0  }
0x4c: {  	s30 =	sshra.s32 s29, $0x2;
	s29 =	sadd.s32 $0xC0, s29;
	[tilespmem:s28+$0xFFFFFFF0] =	vst v0  }
0x4d: {  	[tilespmem:s30+$0x9630] =	vst v0  }
0x4e: {  	[tilespmem:s30+$0x9610] =	vst v0  }
0x4f: {  	[tilespmem:s30+$0x9620] =	vst v0  }
0x50: {  	_ =	swait.ge [sflag:s18], $0x4000  }
0x51: {  	[sflag:s18] =	ssyncset.done $0x0  }
0x52: {  	[sflag:s18] =	ssyncadd.s32 $0xFFFFC000  }
0x53: {  	_ =	swait.ge [sflag:s19], $0x1000  }
0x54: {  	[sflag:s19] =	ssyncset.done $0x0  }
0x55: {  	[sflag:s19] =	ssyncadd.s32 $0xFFFFF000  }
0x56: {  	_ =	swait.ge [sflag:s20], $0x400  }
0x57: {  	[sflag:s20] =	ssyncset.done $0x0  }
0x58: {  	s28 =	simm.s32 $0x0;
	[sflag:s20] =	ssyncadd.s32 $0xFFFFFC00  }
.LBB2_5:
0x59: {  	s29 =	sshll.u32 s28, $0x4  }
0x5a: {  	v1 =	vld [tilespmem:s29+$0x0];
	_ =	sdelay $0x4  }
0x5b: {  	(v2sf) =	vpush v1, $0x0;
	_ =	sdelay $0xe  }
0x5c: {  	s30 =	spop (v2sf)  }
0x5d: {  	p1 =	sgt.s32 s30, $0x4E1F  }
0x5e: {  	p2 =	sgt.u32 @p1 s30, $0x30D3F  }
0x5f: {  	p0 =	por !p2, !p1  }
0x60: {  	v2 =	vlaneseq.u32 @!p0  }
0x61: {  	v3 =	vshrl.u32 @!p0 v2, $0x3  }
0x62: {  	v4 =	vmov @!p0 s29;
	v3 =	vmul.u32 @!p0 $0x8, v3  }
0x63: {  	v4 =	vshll.u32 @!p0 v4, $0x3  }
0x64: {  	v2 =	vand.u32 @!p0 $0x7, v2;
	v3 =	vor.u32 @!p0 v3, v4  }
0x65: {  	v2 =	vor.u32 @!p0 v2, v3;
	_ =	sdelay $0x3  }
0x66: {  	s30 =	simm.s32 @!p0 $0x5200  }
0x67: {  	v2 =	vld.idx.msk @!p0 [tilespmem:v2+s30+$0x0], $0xffff;
	_ =	sdelay $0x2  }
0x68: {  	(v2sf) =	vpush v1, $0x1;
	s30 =	smul.u32 @!p0 $0xC00, s28  }
0x69: {  	p2 =	por p2, !p1;
	vm0 =	vmmov @!p0 $0xff  }
0x6a: {  	s31 =	sshll.u32 @!p2 s28, $0x9;
	s30 =	sshra.s32 @!p0 s30, $0x2;
	v2 =	vnsel @!p0 vm0, $0x0, v2  }
0x6b: {  	[tilespmem:s30+$0x9630] =	vst @!p0 v2;
	s30 =	sand.u32 @!p2 $0x3FFFFE00, s31  }
0x6c: {  	v2 =	vld @!p2 [tilespmem:s30+$0x4200];
	_ =	sdelay $0x1  }
0x6d: {  	s31 =	smul.u32 @!p2 $0xC00, s28;
	_ =	sdelay $0x1  }
0x6e: {  	s31 =	sshra.s32 @!p2 s31, $0x2  }
0x6f: {  	[tilespmem:s31+$0x9610] =	vst @!p2 v2  }
0x70: {  	v2 =	vld @!p2 [tilespmem:s30+$0x4210];
	_ =	sdelay $0x4  }
0x71: {  	s30 =	sshll.u32 @!p1 s28, $0xB;
	[tilespmem:s31+$0x9620] =	vst @!p2 v2;
	s31 =	spop (v2sf)  }
0x72: {  	v2 =	vld @!p1 [tilespmem:s30+$0x200];
	p0 =	sgt.s32 s31, $0x4E1F  }
0x73: {  	v3 =	vld @!p1 [tilespmem:s30+$0x210];
	p3 =	sgt.u32 @p0 s31, $0x30D3F  }
0x74: {  	v4 =	vld @!p1 [tilespmem:s30+$0x220];
	p2 =	por !p3, !p0  }
0x75: {  	v5 =	vld @!p1 [tilespmem:s30+$0x230];
	v6 =	vlaneseq.u32 @!p2  }
0x76: {  	v7 =	vld @!p1 [tilespmem:s30+$0x240];
	s31 =	sor.u32 $0x1, s29;
	v8 =	vshrl.u32 @!p2 v6, $0x3  }
0x77: {  	v9 =	vmov @!p2 s31;
	[tilespmem:s30+$0x5610] =	vst @!p1 v2;
	v2 =	vld @!p1 [tilespmem:s30+$0x250];
	v8 =	vmul.u32 @!p2 $0x8, v8  }
0x78: {  	v9 =	vshll.u32 @!p2 v9, $0x3;
	[tilespmem:s30+$0x5620] =	vst @!p1 v3;
	v3 =	vld @!p1 [tilespmem:s30+$0x260]  }
0x79: {  	v6 =	vand.u32 @!p2 $0x7, v6;
	[tilespmem:s30+$0x5630] =	vst @!p1 v4;
	v4 =	vld @!p1 [tilespmem:s30+$0x270];
	v8 =	vadd.s32 @!p2 v8, v9  }
0x7a: {  	[tilespmem:s30+$0x5640] =	vst @!p1 v5;
	v5 =	vor.u32 @!p2 v6, v8  }
0x7b: {  	[tilespmem:s30+$0x5650] =	vst @!p1 v7  }
0x7c: {  	[tilespmem:s30+$0x5660] =	vst @!p1 v2  }
0x7d: {  	[tilespmem:s30+$0x5670] =	vst @!p1 v3  }
0x7e: {  	[tilespmem:s30+$0x5680] =	vst @!p1 v4;
	s30 =	simm.s32 @!p2 $0x5200  }
0x7f: {  	v2 =	vld.idx.msk @!p2 [tilespmem:v5+s30+$0x0], $0xffff;
	_ =	sdelay $0x2  }
0x80: {  	(v2sf) =	vpush v1, $0x2;
	s30 =	smul.u32 @!p2 $0xC0, s31  }
0x81: {  	vm0 =	vmmov @!p2 $0xff;
	p1 =	por p3, !p0  }
0x82: {  	s0 =	sshll.u32 @!p1 s31, $0x5;
	s30 =	sshra.s32 @!p2 s30, $0x2;
	v2 =	vnsel @!p2 vm0, $0x0, v2  }
0x83: {  	s0 =	sand.u32 @!p1 $0x3FFFFFE0, s0;
	[tilespmem:s30+$0x9630] =	vst @!p2 v2  }
0x84: {  	v2 =	vld @!p1 [tilespmem:s0+$0x4200];
	_ =	sdelay $0x1  }
0x85: {  	s30 =	smul.u32 @!p1 $0xC0, s31;
	_ =	sdelay $0x1  }
0x86: {  	s30 =	sshra.s32 @!p1 s30, $0x2  }
0x87: {  	[tilespmem:s30+$0x9610] =	vst @!p1 v2  }
0x88: {  	v2 =	vld @!p1 [tilespmem:s0+$0x4210];
	_ =	sdelay $0x4  }
0x89: {  	s0 =	sshll.u32 @!p0 s31, $0x7;
	[tilespmem:s30+$0x9620] =	vst @!p1 v2;
	s30 =	spop (v2sf)  }
0x8a: {  	v2 =	vld @!p0 [tilespmem:s0+$0x200];
	p1 =	sgt.s32 s30, $0x4E1F  }
0x8b: {  	v3 =	vld @!p0 [tilespmem:s0+$0x210];
	p3 =	sgt.u32 @p1 s30, $0x30D3F  }
0x8c: {  	v4 =	vld @!p0 [tilespmem:s0+$0x220];
	p2 =	por !p3, !p1  }
0x8d: {  	v5 =	vld @!p0 [tilespmem:s0+$0x230];
	v6 =	vlaneseq.u32 @!p2  }
0x8e: {  	v7 =	vld @!p0 [tilespmem:s0+$0x240];
	s30 =	sor.u32 $0x2, s29;
	v8 =	vshrl.u32 @!p2 v6, $0x3  }
0x8f: {  	v9 =	vmov @!p2 s30;
	[tilespmem:s0+$0x5610] =	vst @!p0 v2;
	v2 =	vld @!p0 [tilespmem:s0+$0x250];
	v8 =	vmul.u32 @!p2 $0x8, v8  }
0x90: {  	v9 =	vshll.u32 @!p2 v9, $0x3;
	[tilespmem:s0+$0x5620] =	vst @!p0 v3;
	v3 =	vld @!p0 [tilespmem:s0+$0x260]  }
0x91: {  	v6 =	vand.u32 @!p2 $0x7, v6;
	[tilespmem:s0+$0x5630] =	vst @!p0 v4;
	v4 =	vld @!p0 [tilespmem:s0+$0x270];
	v8 =	vor.u32 @!p2 v8, v9  }
0x92: {  	[tilespmem:s0+$0x5640] =	vst @!p0 v5;
	v5 =	vor.u32 @!p2 v6, v8  }
0x93: {  	[tilespmem:s0+$0x5650] =	vst @!p0 v7  }
0x94: {  	[tilespmem:s0+$0x5660] =	vst @!p0 v2  }
0x95: {  	[tilespmem:s0+$0x5670] =	vst @!p0 v3  }
0x96: {  	[tilespmem:s0+$0x5680] =	vst @!p0 v4;
	s0 =	simm.s32 @!p2 $0x5200  }
0x97: {  	v2 =	vld.idx.msk @!p2 [tilespmem:v5+s0+$0x0], $0xffff;
	_ =	sdelay $0x2  }
0x98: {  	(v2sf) =	vpush v1, $0x3;
	s0 =	smul.u32 @!p2 $0xC0, s30  }
0x99: {  	vm0 =	vmmov @!p2 $0xff;
	p0 =	por p3, !p1  }
0x9a: {  	s31 =	sshll.u32 @!p0 s30, $0x5;
	s0 =	sshra.s32 @!p2 s0, $0x2;
	v2 =	vnsel @!p2 vm0, $0x0, v2  }
0x9b: {  	[tilespmem:s0+$0x9630] =	vst @!p2 v2;
	s0 =	sand.u32 @!p0 $0x3FFFFFE0, s31  }
0x9c: {  	v2 =	vld @!p0 [tilespmem:s0+$0x4200];
	_ =	sdelay $0x1  }
0x9d: {  	s31 =	smul.u32 @!p0 $0xC0, s30;
	_ =	sdelay $0x1  }
0x9e: {  	s31 =	sshra.s32 @!p0 s31, $0x2  }
0x9f: {  	[tilespmem:s31+$0x9610] =	vst @!p0 v2  }
0xa0: {  	v2 =	vld @!p0 [tilespmem:s0+$0x4210];
	_ =	sdelay $0x4  }
0xa1: {  	s0 =	sshll.u32 @!p1 s30, $0x7;
	s30 =	spop (v2sf);
	[tilespmem:s31+$0x9620] =	vst @!p0 v2  }
0xa2: {  	p0 =	sgt.s32 s30, $0x4E1F;
	v2 =	vld @!p1 [tilespmem:s0+$0x200]  }
0xa3: {  	v3 =	vld @!p1 [tilespmem:s0+$0x210];
	p3 =	sgt.u32 @p0 s30, $0x30D3F  }
0xa4: {  	v4 =	vld @!p1 [tilespmem:s0+$0x220];
	p2 =	por !p3, !p0  }
0xa5: {  	v5 =	vld @!p1 [tilespmem:s0+$0x230];
	v6 =	vlaneseq.u32 @!p2  }
0xa6: {  	v7 =	vld @!p1 [tilespmem:s0+$0x240];
	s30 =	sor.u32 $0x3, s29;
	v8 =	vshrl.u32 @!p2 v6, $0x3  }
0xa7: {  	v9 =	vmov @!p2 s30;
	v8 =	vmul.u32 @!p2 $0x8, v8;
	[tilespmem:s0+$0x5610] =	vst @!p1 v2;
	v2 =	vld @!p1 [tilespmem:s0+$0x250]  }
0xa8: {  	v9 =	vshll.u32 @!p2 v9, $0x3;
	[tilespmem:s0+$0x5620] =	vst @!p1 v3;
	v3 =	vld @!p1 [tilespmem:s0+$0x260]  }
0xa9: {  	v6 =	vand.u32 @!p2 $0x7, v6;
	[tilespmem:s0+$0x5630] =	vst @!p1 v4;
	v4 =	vld @!p1 [tilespmem:s0+$0x270];
	v8 =	vadd.s32 @!p2 v8, v9  }
0xaa: {  	[tilespmem:s0+$0x5640] =	vst @!p1 v5;
	v5 =	vor.u32 @!p2 v6, v8  }
0xab: {  	[tilespmem:s0+$0x5650] =	vst @!p1 v7  }
0xac: {  	[tilespmem:s0+$0x5660] =	vst @!p1 v2  }
0xad: {  	[tilespmem:s0+$0x5670] =	vst @!p1 v3  }
0xae: {  	[tilespmem:s0+$0x5680] =	vst @!p1 v4;
	s0 =	simm.s32 @!p2 $0x5200  }
0xaf: {  	v2 =	vld.idx.msk @!p2 [tilespmem:v5+s0+$0x0], $0xffff;
	_ =	sdelay $0x2  }
0xb0: {  	(v2sf) =	vpush v1, $0x4;
	s0 =	smul.u32 @!p2 $0xC0, s30  }
0xb1: {  	vm0 =	vmmov @!p2 $0xff;
	p1 =	por p3, !p0  }
0xb2: {  	s31 =	sshll.u32 @!p1 s30, $0x5;
	s0 =	sshra.s32 @!p2 s0, $0x2;
	v2 =	vnsel @!p2 vm0, $0x0, v2  }
0xb3: {  	[tilespmem:s0+$0x9630] =	vst @!p2 v2;
	s0 =	sand.u32 @!p1 $0x3FFFFFE0, s31  }
0xb4: {  	v2 =	vld @!p1 [tilespmem:s0+$0x4200];
	_ =	sdelay $0x1  }
0xb5: {  	s31 =	smul.u32 @!p1 $0xC0, s30;
	_ =	sdelay $0x1  }
0xb6: {  	s31 =	sshra.s32 @!p1 s31, $0x2  }
0xb7: {  	[tilespmem:s31+$0x9610] =	vst @!p1 v2  }
0xb8: {  	v2 =	vld @!p1 [tilespmem:s0+$0x4210];
	_ =	sdelay $0x4  }
0xb9: {  	s0 =	sshll.u32 @!p0 s30, $0x7;
	s30 =	spop (v2sf);
	[tilespmem:s31+$0x9620] =	vst @!p1 v2  }
0xba: {  	p1 =	sgt.s32 s30, $0x4E1F;
	v2 =	vld @!p0 [tilespmem:s0+$0x200]  }
0xbb: {  	v3 =	vld @!p0 [tilespmem:s0+$0x210];
	p3 =	sgt.u32 @p1 s30, $0x30D3F  }
0xbc: {  	v4 =	vld @!p0 [tilespmem:s0+$0x220];
	p2 =	por !p3, !p1  }
0xbd: {  	v5 =	vld @!p0 [tilespmem:s0+$0x230];
	v6 =	vlaneseq.u32 @!p2  }
0xbe: {  	v7 =	vld @!p0 [tilespmem:s0+$0x240];
	s30 =	sor.u32 $0x4, s29;
	v8 =	vshrl.u32 @!p2 v6, $0x3  }
0xbf: {  	v9 =	vmov @!p2 s30;
	v8 =	vmul.u32 @!p2 $0x8, v8;
	[tilespmem:s0+$0x5610] =	vst @!p0 v2;
	v2 =	vld @!p0 [tilespmem:s0+$0x250]  }
0xc0: {  	v9 =	vshll.u32 @!p2 v9, $0x3;
	[tilespmem:s0+$0x5620] =	vst @!p0 v3;
	v3 =	vld @!p0 [tilespmem:s0+$0x260]  }
0xc1: {  	v6 =	vand.u32 @!p2 $0x7, v6;
	[tilespmem:s0+$0x5630] =	vst @!p0 v4;
	v4 =	vld @!p0 [tilespmem:s0+$0x270];
	v8 =	vor.u32 @!p2 v8, v9  }
0xc2: {  	[tilespmem:s0+$0x5640] =	vst @!p0 v5;
	v5 =	vor.u32 @!p2 v6, v8  }
0xc3: {  	[tilespmem:s0+$0x5650] =	vst @!p0 v7  }
0xc4: {  	[tilespmem:s0+$0x5660] =	vst @!p0 v2  }
0xc5: {  	[tilespmem:s0+$0x5670] =	vst @!p0 v3  }
0xc6: {  	[tilespmem:s0+$0x5680] =	vst @!p0 v4;
	s0 =	simm.s32 @!p2 $0x5200  }
0xc7: {  	v2 =	vld.idx.msk @!p2 [tilespmem:v5+s0+$0x0], $0xffff;
	_ =	sdelay $0x2  }
0xc8: {  	(v2sf) =	vpush v1, $0x5;
	s0 =	smul.u32 @!p2 $0xC0, s30  }
0xc9: {  	vm0 =	vmmov @!p2 $0xff;
	p0 =	por p3, !p1  }
0xca: {  	s31 =	sshll.u32 @!p0 s30, $0x5;
	s0 =	sshra.s32 @!p2 s0, $0x2;
	v2 =	vnsel @!p2 vm0, $0x0, v2  }
0xcb: {  	[tilespmem:s0+$0x9630] =	vst @!p2 v2;
	s0 =	sand.u32 @!p0 $0x3FFFFFE0, s31  }
0xcc: {  	v2 =	vld @!p0 [tilespmem:s0+$0x4200];
	_ =	sdelay $0x1  }
0xcd: {  	s31 =	smul.u32 @!p0 $0xC0, s30;
	_ =	sdelay $0x1  }
0xce: {  	s31 =	sshra.s32 @!p0 s31, $0x2  }
0xcf: {  	[tilespmem:s31+$0x9610] =	vst @!p0 v2  }
0xd0: {  	v2 =	vld @!p0 [tilespmem:s0+$0x4210];
	_ =	sdelay $0x4  }
0xd1: {  	s0 =	sshll.u32 @!p1 s30, $0x7;
	s30 =	spop (v2sf);
	[tilespmem:s31+$0x9620] =	vst @!p0 v2  }
0xd2: {  	p0 =	sgt.s32 s30, $0x4E1F;
	v2 =	vld @!p1 [tilespmem:s0+$0x200]  }
0xd3: {  	v3 =	vld @!p1 [tilespmem:s0+$0x210];
	p3 =	sgt.u32 @p0 s30, $0x30D3F  }
0xd4: {  	v4 =	vld @!p1 [tilespmem:s0+$0x220];
	p2 =	por !p3, !p0  }
0xd5: {  	v5 =	vld @!p1 [tilespmem:s0+$0x230];
	v6 =	vlaneseq.u32 @!p2  }
0xd6: {  	v7 =	vld @!p1 [tilespmem:s0+$0x240];
	s30 =	sor.u32 $0x5, s29;
	v8 =	vshrl.u32 @!p2 v6, $0x3  }
0xd7: {  	v9 =	vmov @!p2 s30;
	v8 =	vmul.u32 @!p2 $0x8, v8;
	[tilespmem:s0+$0x5610] =	vst @!p1 v2;
	v2 =	vld @!p1 [tilespmem:s0+$0x250]  }
0xd8: {  	v9 =	vshll.u32 @!p2 v9, $0x3;
	[tilespmem:s0+$0x5620] =	vst @!p1 v3;
	v3 =	vld @!p1 [tilespmem:s0+$0x260]  }
0xd9: {  	v6 =	vand.u32 @!p2 $0x7, v6;
	[tilespmem:s0+$0x5630] =	vst @!p1 v4;
	v4 =	vld @!p1 [tilespmem:s0+$0x270];
	v8 =	vadd.s32 @!p2 v8, v9  }
0xda: {  	[tilespmem:s0+$0x5640] =	vst @!p1 v5;
	v5 =	vor.u32 @!p2 v6, v8  }
0xdb: {  	[tilespmem:s0+$0x5650] =	vst @!p1 v7  }
0xdc: {  	[tilespmem:s0+$0x5660] =	vst @!p1 v2  }
0xdd: {  	[tilespmem:s0+$0x5670] =	vst @!p1 v3  }
0xde: {  	[tilespmem:s0+$0x5680] =	vst @!p1 v4;
	s0 =	simm.s32 @!p2 $0x5200  }
0xdf: {  	v2 =	vld.idx.msk @!p2 [tilespmem:v5+s0+$0x0], $0xffff;
	_ =	sdelay $0x2  }
0xe0: {  	(v2sf) =	vpush v1, $0x6;
	s0 =	smul.u32 @!p2 $0xC0, s30  }
0xe1: {  	vm0 =	vmmov @!p2 $0xff;
	p1 =	por p3, !p0  }
0xe2: {  	s31 =	sshll.u32 @!p1 s30, $0x5;
	s0 =	sshra.s32 @!p2 s0, $0x2;
	v2 =	vnsel @!p2 vm0, $0x0, v2  }
0xe3: {  	[tilespmem:s0+$0x9630] =	vst @!p2 v2;
	s0 =	sand.u32 @!p1 $0x3FFFFFE0, s31  }
0xe4: {  	v2 =	vld @!p1 [tilespmem:s0+$0x4200];
	_ =	sdelay $0x1  }
0xe5: {  	s31 =	smul.u32 @!p1 $0xC0, s30;
	_ =	sdelay $0x1  }
0xe6: {  	s31 =	sshra.s32 @!p1 s31, $0x2  }
0xe7: {  	[tilespmem:s31+$0x9610] =	vst @!p1 v2  }
0xe8: {  	v2 =	vld @!p1 [tilespmem:s0+$0x4210];
	_ =	sdelay $0x4  }
0xe9: {  	s0 =	sshll.u32 @!p0 s30, $0x7;
	s30 =	spop (v2sf);
	[tilespmem:s31+$0x9620] =	vst @!p1 v2  }
0xea: {  	p1 =	sgt.s32 s30, $0x4E1F;
	v2 =	vld @!p0 [tilespmem:s0+$0x200]  }
0xeb: {  	v3 =	vld @!p0 [tilespmem:s0+$0x210];
	p3 =	sgt.u32 @p1 s30, $0x30D3F  }
0xec: {  	v4 =	vld @!p0 [tilespmem:s0+$0x220];
	p2 =	por !p3, !p1  }
0xed: {  	v5 =	vld @!p0 [tilespmem:s0+$0x230];
	v6 =	vlaneseq.u32 @!p2  }
0xee: {  	v7 =	vld @!p0 [tilespmem:s0+$0x240];
	s30 =	sor.u32 $0x6, s29;
	v8 =	vshrl.u32 @!p2 v6, $0x3  }
0xef: {  	v9 =	vmov @!p2 s30;
	v8 =	vmul.u32 @!p2 $0x8, v8;
	[tilespmem:s0+$0x5610] =	vst @!p0 v2;
	v2 =	vld @!p0 [tilespmem:s0+$0x250]  }
0xf0: {  	v9 =	vshll.u32 @!p2 v9, $0x3;
	[tilespmem:s0+$0x5620] =	vst @!p0 v3;
	v3 =	vld @!p0 [tilespmem:s0+$0x260]  }
0xf1: {  	v6 =	vand.u32 @!p2 $0x7, v6;
	[tilespmem:s0+$0x5630] =	vst @!p0 v4;
	v4 =	vld @!p0 [tilespmem:s0+$0x270];
	v8 =	vor.u32 @!p2 v8, v9  }
0xf2: {  	[tilespmem:s0+$0x5640] =	vst @!p0 v5;
	v5 =	vor.u32 @!p2 v6, v8  }
0xf3: {  	[tilespmem:s0+$0x5650] =	vst @!p0 v7  }
0xf4: {  	[tilespmem:s0+$0x5660] =	vst @!p0 v2  }
0xf5: {  	[tilespmem:s0+$0x5670] =	vst @!p0 v3  }
0xf6: {  	[tilespmem:s0+$0x5680] =	vst @!p0 v4;
	s0 =	simm.s32 @!p2 $0x5200  }
0xf7: {  	v2 =	vld.idx.msk @!p2 [tilespmem:v5+s0+$0x0], $0xffff;
	_ =	sdelay $0x2  }
0xf8: {  	(v2sf) =	vpush v1, $0x7;
	s0 =	smul.u32 @!p2 $0xC0, s30  }
0xf9: {  	vm0 =	vmmov @!p2 $0xff;
	p0 =	por p3, !p1  }
0xfa: {  	s31 =	sshll.u32 @!p0 s30, $0x5;
	s0 =	sshra.s32 @!p2 s0, $0x2;
	v2 =	vnsel @!p2 vm0, $0x0, v2  }
0xfb: {  	[tilespmem:s0+$0x9630] =	vst @!p2 v2;
	s0 =	sand.u32 @!p0 $0x3FFFFFE0, s31  }
0xfc: {  	v2 =	vld @!p0 [tilespmem:s0+$0x4200];
	_ =	sdelay $0x1  }
0xfd: {  	s31 =	smul.u32 @!p0 $0xC0, s30;
	_ =	sdelay $0x1  }
0xfe: {  	s31 =	sshra.s32 @!p0 s31, $0x2  }
0xff: {  	[tilespmem:s31+$0x9610] =	vst @!p0 v2  }
0x100: {  	v2 =	vld @!p0 [tilespmem:s0+$0x4210];
	_ =	sdelay $0x4  }
0x101: {  	s0 =	sshll.u32 @!p1 s30, $0x7;
	s30 =	spop (v2sf);
	[tilespmem:s31+$0x9620] =	vst @!p0 v2  }
0x102: {  	p0 =	sgt.s32 s30, $0x4E1F;
	v2 =	vld @!p1 [tilespmem:s0+$0x200]  }
0x103: {  	v3 =	vld @!p1 [tilespmem:s0+$0x210];
	p3 =	sgt.u32 @p0 s30, $0x30D3F  }
0x104: {  	v4 =	vld @!p1 [tilespmem:s0+$0x220];
	p2 =	por !p3, !p0  }
0x105: {  	v5 =	vld @!p1 [tilespmem:s0+$0x230];
	v6 =	vlaneseq.u32 @!p2  }
0x106: {  	v7 =	vld @!p1 [tilespmem:s0+$0x240];
	s30 =	sor.u32 $0x7, s29;
	v8 =	vshrl.u32 @!p2 v6, $0x3  }
0x107: {  	v9 =	vmov @!p2 s30;
	v8 =	vmul.u32 @!p2 $0x8, v8;
	[tilespmem:s0+$0x5610] =	vst @!p1 v2;
	v2 =	vld @!p1 [tilespmem:s0+$0x250]  }
0x108: {  	v9 =	vshll.u32 @!p2 v9, $0x3;
	[tilespmem:s0+$0x5620] =	vst @!p1 v3;
	v3 =	vld @!p1 [tilespmem:s0+$0x260]  }
0x109: {  	v6 =	vand.u32 @!p2 $0x7, v6;
	[tilespmem:s0+$0x5630] =	vst @!p1 v4;
	v4 =	vld @!p1 [tilespmem:s0+$0x270];
	v8 =	vadd.s32 @!p2 v8, v9  }
0x10a: {  	[tilespmem:s0+$0x5640] =	vst @!p1 v5;
	v5 =	vor.u32 @!p2 v6, v8  }
0x10b: {  	[tilespmem:s0+$0x5650] =	vst @!p1 v7  }
0x10c: {  	[tilespmem:s0+$0x5660] =	vst @!p1 v2  }
0x10d: {  	[tilespmem:s0+$0x5670] =	vst @!p1 v3  }
0x10e: {  	[tilespmem:s0+$0x5680] =	vst @!p1 v4;
	s0 =	simm.s32 @!p2 $0x5200  }
0x10f: {  	v2 =	vld.idx.msk @!p2 [tilespmem:v5+s0+$0x0], $0xffff;
	_ =	sdelay $0x2  }
0x110: {  	(v2sf) =	vpush v1, $0x8;
	s0 =	smul.u32 @!p2 $0xC0, s30  }
0x111: {  	vm0 =	vmmov @!p2 $0xff;
	p1 =	por p3, !p0  }
0x112: {  	s31 =	sshll.u32 @!p1 s30, $0x5;
	s0 =	sshra.s32 @!p2 s0, $0x2;
	v2 =	vnsel @!p2 vm0, $0x0, v2  }
0x113: {  	[tilespmem:s0+$0x9630] =	vst @!p2 v2;
	s0 =	sand.u32 @!p1 $0x3FFFFFE0, s31  }
0x114: {  	v2 =	vld @!p1 [tilespmem:s0+$0x4200];
	_ =	sdelay $0x1  }
0x115: {  	s31 =	smul.u32 @!p1 $0xC0, s30;
	_ =	sdelay $0x1  }
0x116: {  	s31 =	sshra.s32 @!p1 s31, $0x2  }
0x117: {  	[tilespmem:s31+$0x9610] =	vst @!p1 v2  }
0x118: {  	v2 =	vld @!p1 [tilespmem:s0+$0x4210];
	_ =	sdelay $0x4  }
0x119: {  	s0 =	sshll.u32 @!p0 s30, $0x7;
	s30 =	spop (v2sf);
	[tilespmem:s31+$0x9620] =	vst @!p1 v2  }
0x11a: {  	p1 =	sgt.s32 s30, $0x4E1F;
	v2 =	vld @!p0 [tilespmem:s0+$0x200]  }
0x11b: {  	v3 =	vld @!p0 [tilespmem:s0+$0x210];
	p3 =	sgt.u32 @p1 s30, $0x30D3F  }
0x11c: {  	v4 =	vld @!p0 [tilespmem:s0+$0x220];
	p2 =	por !p3, !p1  }
0x11d: {  	v5 =	vld @!p0 [tilespmem:s0+$0x230];
	v6 =	vlaneseq.u32 @!p2  }
0x11e: {  	v7 =	vld @!p0 [tilespmem:s0+$0x240];
	s30 =	sor.u32 $0x8, s29;
	v8 =	vshrl.u32 @!p2 v6, $0x3  }
0x11f: {  	v9 =	vmov @!p2 s30;
	v8 =	vmul.u32 @!p2 $0x8, v8;
	[tilespmem:s0+$0x5610] =	vst @!p0 v2;
	v2 =	vld @!p0 [tilespmem:s0+$0x250]  }
0x120: {  	v9 =	vshll.u32 @!p2 v9, $0x3;
	[tilespmem:s0+$0x5620] =	vst @!p0 v3;
	v3 =	vld @!p0 [tilespmem:s0+$0x260]  }
0x121: {  	v6 =	vand.u32 @!p2 $0x7, v6;
	[tilespmem:s0+$0x5630] =	vst @!p0 v4;
	v4 =	vld @!p0 [tilespmem:s0+$0x270];
	v8 =	vor.u32 @!p2 v8, v9  }
0x122: {  	[tilespmem:s0+$0x5640] =	vst @!p0 v5;
	v5 =	vor.u32 @!p2 v6, v8  }
0x123: {  	[tilespmem:s0+$0x5650] =	vst @!p0 v7  }
0x124: {  	[tilespmem:s0+$0x5660] =	vst @!p0 v2  }
0x125: {  	[tilespmem:s0+$0x5670] =	vst @!p0 v3  }
0x126: {  	[tilespmem:s0+$0x5680] =	vst @!p0 v4;
	s0 =	simm.s32 @!p2 $0x5200  }
0x127: {  	v2 =	vld.idx.msk @!p2 [tilespmem:v5+s0+$0x0], $0xffff;
	_ =	sdelay $0x2  }
0x128: {  	(v2sf) =	vpush v1, $0x9;
	s0 =	smul.u32 @!p2 $0xC0, s30  }
0x129: {  	vm0 =	vmmov @!p2 $0xff;
	p0 =	por p3, !p1  }
0x12a: {  	s31 =	sshll.u32 @!p0 s30, $0x5;
	s0 =	sshra.s32 @!p2 s0, $0x2;
	v2 =	vnsel @!p2 vm0, $0x0, v2  }
0x12b: {  	[tilespmem:s0+$0x9630] =	vst @!p2 v2;
	s0 =	sand.u32 @!p0 $0x3FFFFFE0, s31  }
0x12c: {  	v2 =	vld @!p0 [tilespmem:s0+$0x4200];
	_ =	sdelay $0x1  }
0x12d: {  	s31 =	smul.u32 @!p0 $0xC0, s30;
	_ =	sdelay $0x1  }
0x12e: {  	s31 =	sshra.s32 @!p0 s31, $0x2  }
0x12f: {  	[tilespmem:s31+$0x9610] =	vst @!p0 v2  }
0x130: {  	v2 =	vld @!p0 [tilespmem:s0+$0x4210];
	_ =	sdelay $0x4  }
0x131: {  	s0 =	sshll.u32 @!p1 s30, $0x7;
	s30 =	spop (v2sf);
	[tilespmem:s31+$0x9620] =	vst @!p0 v2  }
0x132: {  	p0 =	sgt.s32 s30, $0x4E1F;
	v2 =	vld @!p1 [tilespmem:s0+$0x200]  }
0x133: {  	v3 =	vld @!p1 [tilespmem:s0+$0x210];
	p3 =	sgt.u32 @p0 s30, $0x30D3F  }
0x134: {  	v4 =	vld @!p1 [tilespmem:s0+$0x220];
	p2 =	por !p3, !p0  }
0x135: {  	v5 =	vld @!p1 [tilespmem:s0+$0x230];
	v6 =	vlaneseq.u32 @!p2  }
0x136: {  	v7 =	vld @!p1 [tilespmem:s0+$0x240];
	s30 =	sor.u32 $0x9, s29;
	v8 =	vshrl.u32 @!p2 v6, $0x3  }
0x137: {  	v9 =	vmov @!p2 s30;
	v8 =	vmul.u32 @!p2 $0x8, v8;
	[tilespmem:s0+$0x5610] =	vst @!p1 v2;
	v2 =	vld @!p1 [tilespmem:s0+$0x250]  }
0x138: {  	v9 =	vshll.u32 @!p2 v9, $0x3;
	[tilespmem:s0+$0x5620] =	vst @!p1 v3;
	v3 =	vld @!p1 [tilespmem:s0+$0x260]  }
0x139: {  	v6 =	vand.u32 @!p2 $0x7, v6;
	[tilespmem:s0+$0x5630] =	vst @!p1 v4;
	v4 =	vld @!p1 [tilespmem:s0+$0x270];
	v8 =	vadd.s32 @!p2 v8, v9  }
0x13a: {  	[tilespmem:s0+$0x5640] =	vst @!p1 v5;
	v5 =	vor.u32 @!p2 v6, v8  }
0x13b: {  	[tilespmem:s0+$0x5650] =	vst @!p1 v7  }
0x13c: {  	[tilespmem:s0+$0x5660] =	vst @!p1 v2  }
0x13d: {  	[tilespmem:s0+$0x5670] =	vst @!p1 v3  }
0x13e: {  	[tilespmem:s0+$0x5680] =	vst @!p1 v4;
	s0 =	simm.s32 @!p2 $0x5200  }
0x13f: {  	v2 =	vld.idx.msk @!p2 [tilespmem:v5+s0+$0x0], $0xffff;
	_ =	sdelay $0x2  }
0x140: {  	(v2sf) =	vpush v1, $0xA;
	s0 =	smul.u32 @!p2 $0xC0, s30  }
0x141: {  	vm0 =	vmmov @!p2 $0xff;
	p1 =	por p3, !p0  }
0x142: {  	s31 =	sshll.u32 @!p1 s30, $0x5;
	s0 =	sshra.s32 @!p2 s0, $0x2;
	v2 =	vnsel @!p2 vm0, $0x0, v2  }
0x143: {  	[tilespmem:s0+$0x9630] =	vst @!p2 v2;
	s0 =	sand.u32 @!p1 $0x3FFFFFE0, s31  }
0x144: {  	v2 =	vld @!p1 [tilespmem:s0+$0x4200];
	_ =	sdelay $0x1  }
0x145: {  	s31 =	smul.u32 @!p1 $0xC0, s30;
	_ =	sdelay $0x1  }
0x146: {  	s31 =	sshra.s32 @!p1 s31, $0x2  }
0x147: {  	[tilespmem:s31+$0x9610] =	vst @!p1 v2  }
0x148: {  	v2 =	vld @!p1 [tilespmem:s0+$0x4210];
	_ =	sdelay $0x4  }
0x149: {  	s0 =	sshll.u32 @!p0 s30, $0x7;
	s30 =	spop (v2sf);
	[tilespmem:s31+$0x9620] =	vst @!p1 v2  }
0x14a: {  	p1 =	sgt.s32 s30, $0x4E1F;
	v2 =	vld @!p0 [tilespmem:s0+$0x200]  }
0x14b: {  	v3 =	vld @!p0 [tilespmem:s0+$0x210];
	p3 =	sgt.u32 @p1 s30, $0x30D3F  }
0x14c: {  	v4 =	vld @!p0 [tilespmem:s0+$0x220];
	p2 =	por !p3, !p1  }
0x14d: {  	v5 =	vld @!p0 [tilespmem:s0+$0x230];
	v6 =	vlaneseq.u32 @!p2  }
0x14e: {  	v7 =	vld @!p0 [tilespmem:s0+$0x240];
	s30 =	sor.u32 $0xA, s29;
	v8 =	vshrl.u32 @!p2 v6, $0x3  }
0x14f: {  	v9 =	vmov @!p2 s30;
	v8 =	vmul.u32 @!p2 $0x8, v8;
	[tilespmem:s0+$0x5610] =	vst @!p0 v2;
	v2 =	vld @!p0 [tilespmem:s0+$0x250]  }
0x150: {  	v9 =	vshll.u32 @!p2 v9, $0x3;
	[tilespmem:s0+$0x5620] =	vst @!p0 v3;
	v3 =	vld @!p0 [tilespmem:s0+$0x260]  }
0x151: {  	v6 =	vand.u32 @!p2 $0x7, v6;
	[tilespmem:s0+$0x5630] =	vst @!p0 v4;
	v4 =	vld @!p0 [tilespmem:s0+$0x270];
	v8 =	vor.u32 @!p2 v8, v9  }
0x152: {  	[tilespmem:s0+$0x5640] =	vst @!p0 v5;
	v5 =	vor.u32 @!p2 v6, v8  }
0x153: {  	[tilespmem:s0+$0x5650] =	vst @!p0 v7  }
0x154: {  	[tilespmem:s0+$0x5660] =	vst @!p0 v2  }
0x155: {  	[tilespmem:s0+$0x5670] =	vst @!p0 v3  }
0x156: {  	[tilespmem:s0+$0x5680] =	vst @!p0 v4;
	s0 =	simm.s32 @!p2 $0x5200  }
0x157: {  	v2 =	vld.idx.msk @!p2 [tilespmem:v5+s0+$0x0], $0xffff;
	_ =	sdelay $0x2  }
0x158: {  	(v2sf) =	vpush v1, $0xB;
	s0 =	smul.u32 @!p2 $0xC0, s30  }
0x159: {  	vm0 =	vmmov @!p2 $0xff;
	p0 =	por p3, !p1  }
0x15a: {  	s31 =	sshll.u32 @!p0 s30, $0x5;
	s0 =	sshra.s32 @!p2 s0, $0x2;
	v2 =	vnsel @!p2 vm0, $0x0, v2  }
0x15b: {  	[tilespmem:s0+$0x9630] =	vst @!p2 v2;
	s0 =	sand.u32 @!p0 $0x3FFFFFE0, s31  }
0x15c: {  	v2 =	vld @!p0 [tilespmem:s0+$0x4200];
	_ =	sdelay $0x1  }
0x15d: {  	s31 =	smul.u32 @!p0 $0xC0, s30;
	_ =	sdelay $0x1  }
0x15e: {  	s31 =	sshra.s32 @!p0 s31, $0x2  }
0x15f: {  	[tilespmem:s31+$0x9610] =	vst @!p0 v2  }
0x160: {  	v2 =	vld @!p0 [tilespmem:s0+$0x4210];
	_ =	sdelay $0x4  }
0x161: {  	s0 =	sshll.u32 @!p1 s30, $0x7;
	s30 =	spop (v2sf);
	[tilespmem:s31+$0x9620] =	vst @!p0 v2  }
0x162: {  	p0 =	sgt.s32 s30, $0x4E1F;
	v2 =	vld @!p1 [tilespmem:s0+$0x200]  }
0x163: {  	v3 =	vld @!p1 [tilespmem:s0+$0x210];
	p3 =	sgt.u32 @p0 s30, $0x30D3F  }
0x164: {  	v4 =	vld @!p1 [tilespmem:s0+$0x220];
	p2 =	por !p3, !p0  }
0x165: {  	v5 =	vld @!p1 [tilespmem:s0+$0x230];
	v6 =	vlaneseq.u32 @!p2  }
0x166: {  	v7 =	vld @!p1 [tilespmem:s0+$0x240];
	s30 =	sor.u32 $0xB, s29;
	v8 =	vshrl.u32 @!p2 v6, $0x3  }
0x167: {  	v9 =	vmov @!p2 s30;
	v8 =	vmul.u32 @!p2 $0x8, v8;
	[tilespmem:s0+$0x5610] =	vst @!p1 v2;
	v2 =	vld @!p1 [tilespmem:s0+$0x250]  }
0x168: {  	v9 =	vshll.u32 @!p2 v9, $0x3;
	[tilespmem:s0+$0x5620] =	vst @!p1 v3;
	v3 =	vld @!p1 [tilespmem:s0+$0x260]  }
0x169: {  	v6 =	vand.u32 @!p2 $0x7, v6;
	[tilespmem:s0+$0x5630] =	vst @!p1 v4;
	v4 =	vld @!p1 [tilespmem:s0+$0x270];
	v8 =	vadd.s32 @!p2 v8, v9  }
0x16a: {  	[tilespmem:s0+$0x5640] =	vst @!p1 v5;
	v5 =	vor.u32 @!p2 v6, v8  }
0x16b: {  	[tilespmem:s0+$0x5650] =	vst @!p1 v7  }
0x16c: {  	[tilespmem:s0+$0x5660] =	vst @!p1 v2  }
0x16d: {  	[tilespmem:s0+$0x5670] =	vst @!p1 v3  }
0x16e: {  	[tilespmem:s0+$0x5680] =	vst @!p1 v4;
	s0 =	simm.s32 @!p2 $0x5200  }
0x16f: {  	v2 =	vld.idx.msk @!p2 [tilespmem:v5+s0+$0x0], $0xffff;
	_ =	sdelay $0x2  }
0x170: {  	(v2sf) =	vpush v1, $0xC;
	s0 =	smul.u32 @!p2 $0xC0, s30  }
0x171: {  	vm0 =	vmmov @!p2 $0xff;
	p1 =	por p3, !p0  }
0x172: {  	s31 =	sshll.u32 @!p1 s30, $0x5;
	s0 =	sshra.s32 @!p2 s0, $0x2;
	v2 =	vnsel @!p2 vm0, $0x0, v2  }
0x173: {  	[tilespmem:s0+$0x9630] =	vst @!p2 v2;
	s0 =	sand.u32 @!p1 $0x3FFFFFE0, s31  }
0x174: {  	v2 =	vld @!p1 [tilespmem:s0+$0x4200];
	_ =	sdelay $0x1  }
0x175: {  	s31 =	smul.u32 @!p1 $0xC0, s30;
	_ =	sdelay $0x1  }
0x176: {  	s31 =	sshra.s32 @!p1 s31, $0x2  }
0x177: {  	[tilespmem:s31+$0x9610] =	vst @!p1 v2  }
0x178: {  	v2 =	vld @!p1 [tilespmem:s0+$0x4210];
	_ =	sdelay $0x4  }
0x179: {  	s0 =	sshll.u32 @!p0 s30, $0x7;
	s30 =	spop (v2sf);
	[tilespmem:s31+$0x9620] =	vst @!p1 v2  }
0x17a: {  	p1 =	sgt.s32 s30, $0x4E1F;
	v2 =	vld @!p0 [tilespmem:s0+$0x200]  }
0x17b: {  	v3 =	vld @!p0 [tilespmem:s0+$0x210];
	p3 =	sgt.u32 @p1 s30, $0x30D3F  }
0x17c: {  	v4 =	vld @!p0 [tilespmem:s0+$0x220];
	p2 =	por !p3, !p1  }
0x17d: {  	v5 =	vld @!p0 [tilespmem:s0+$0x230];
	v6 =	vlaneseq.u32 @!p2  }
0x17e: {  	v7 =	vld @!p0 [tilespmem:s0+$0x240];
	s30 =	sor.u32 $0xC, s29;
	v8 =	vshrl.u32 @!p2 v6, $0x3  }
0x17f: {  	v9 =	vmov @!p2 s30;
	v8 =	vmul.u32 @!p2 $0x8, v8;
	[tilespmem:s0+$0x5610] =	vst @!p0 v2;
	v2 =	vld @!p0 [tilespmem:s0+$0x250]  }
0x180: {  	v9 =	vshll.u32 @!p2 v9, $0x3;
	[tilespmem:s0+$0x5620] =	vst @!p0 v3;
	v3 =	vld @!p0 [tilespmem:s0+$0x260]  }
0x181: {  	v6 =	vand.u32 @!p2 $0x7, v6;
	[tilespmem:s0+$0x5630] =	vst @!p0 v4;
	v4 =	vld @!p0 [tilespmem:s0+$0x270];
	v8 =	vor.u32 @!p2 v8, v9  }
0x182: {  	[tilespmem:s0+$0x5640] =	vst @!p0 v5;
	v5 =	vor.u32 @!p2 v6, v8  }
0x183: {  	[tilespmem:s0+$0x5650] =	vst @!p0 v7  }
0x184: {  	[tilespmem:s0+$0x5660] =	vst @!p0 v2  }
0x185: {  	[tilespmem:s0+$0x5670] =	vst @!p0 v3  }
0x186: {  	[tilespmem:s0+$0x5680] =	vst @!p0 v4;
	s0 =	simm.s32 @!p2 $0x5200  }
0x187: {  	v2 =	vld.idx.msk @!p2 [tilespmem:v5+s0+$0x0], $0xffff;
	_ =	sdelay $0x2  }
0x188: {  	(v2sf) =	vpush v1, $0xD;
	s0 =	smul.u32 @!p2 $0xC0, s30  }
0x189: {  	vm0 =	vmmov @!p2 $0xff;
	p0 =	por p3, !p1  }
0x18a: {  	s31 =	sshll.u32 @!p0 s30, $0x5;
	s0 =	sshra.s32 @!p2 s0, $0x2;
	v2 =	vnsel @!p2 vm0, $0x0, v2  }
0x18b: {  	[tilespmem:s0+$0x9630] =	vst @!p2 v2;
	s0 =	sand.u32 @!p0 $0x3FFFFFE0, s31  }
0x18c: {  	v2 =	vld @!p0 [tilespmem:s0+$0x4200];
	_ =	sdelay $0x1  }
0x18d: {  	s31 =	smul.u32 @!p0 $0xC0, s30;
	_ =	sdelay $0x1  }
0x18e: {  	s31 =	sshra.s32 @!p0 s31, $0x2  }
0x18f: {  	[tilespmem:s31+$0x9610] =	vst @!p0 v2  }
0x190: {  	v2 =	vld @!p0 [tilespmem:s0+$0x4210];
	_ =	sdelay $0x4  }
0x191: {  	s0 =	sshll.u32 @!p1 s30, $0x7;
	s30 =	spop (v2sf);
	[tilespmem:s31+$0x9620] =	vst @!p0 v2  }
0x192: {  	p0 =	sgt.s32 s30, $0x4E1F;
	v2 =	vld @!p1 [tilespmem:s0+$0x200]  }
0x193: {  	v3 =	vld @!p1 [tilespmem:s0+$0x210];
	p3 =	sgt.u32 @p0 s30, $0x30D3F  }
0x194: {  	v4 =	vld @!p1 [tilespmem:s0+$0x220];
	p2 =	por !p3, !p0  }
0x195: {  	v5 =	vld @!p1 [tilespmem:s0+$0x230];
	v6 =	vlaneseq.u32 @!p2  }
0x196: {  	v7 =	vld @!p1 [tilespmem:s0+$0x240];
	s30 =	sor.u32 $0xD, s29;
	v8 =	vshrl.u32 @!p2 v6, $0x3  }
0x197: {  	v9 =	vmov @!p2 s30;
	v8 =	vmul.u32 @!p2 $0x8, v8;
	[tilespmem:s0+$0x5610] =	vst @!p1 v2;
	v2 =	vld @!p1 [tilespmem:s0+$0x250]  }
0x198: {  	v9 =	vshll.u32 @!p2 v9, $0x3;
	[tilespmem:s0+$0x5620] =	vst @!p1 v3;
	v3 =	vld @!p1 [tilespmem:s0+$0x260]  }
0x199: {  	v6 =	vand.u32 @!p2 $0x7, v6;
	[tilespmem:s0+$0x5630] =	vst @!p1 v4;
	v4 =	vld @!p1 [tilespmem:s0+$0x270];
	v8 =	vadd.s32 @!p2 v8, v9  }
0x19a: {  	[tilespmem:s0+$0x5640] =	vst @!p1 v5;
	v5 =	vor.u32 @!p2 v6, v8  }
0x19b: {  	[tilespmem:s0+$0x5650] =	vst @!p1 v7  }
0x19c: {  	[tilespmem:s0+$0x5660] =	vst @!p1 v2  }
0x19d: {  	[tilespmem:s0+$0x5670] =	vst @!p1 v3  }
0x19e: {  	[tilespmem:s0+$0x5680] =	vst @!p1 v4;
	s0 =	simm.s32 @!p2 $0x5200  }
0x19f: {  	v2 =	vld.idx.msk @!p2 [tilespmem:v5+s0+$0x0], $0xffff;
	_ =	sdelay $0x2  }
0x1a0: {  	(v2sf) =	vpush v1, $0xE;
	s0 =	smul.u32 @!p2 $0xC0, s30  }
0x1a1: {  	vm0 =	vmmov @!p2 $0xff;
	p1 =	por p3, !p0  }
0x1a2: {  	s31 =	sshll.u32 @!p1 s30, $0x5;
	s0 =	sshra.s32 @!p2 s0, $0x2;
	v2 =	vnsel @!p2 vm0, $0x0, v2  }
0x1a3: {  	[tilespmem:s0+$0x9630] =	vst @!p2 v2;
	s0 =	sand.u32 @!p1 $0x3FFFFFE0, s31  }
0x1a4: {  	v2 =	vld @!p1 [tilespmem:s0+$0x4200];
	_ =	sdelay $0x1  }
0x1a5: {  	s31 =	smul.u32 @!p1 $0xC0, s30;
	_ =	sdelay $0x1  }
0x1a6: {  	s31 =	sshra.s32 @!p1 s31, $0x2  }
0x1a7: {  	[tilespmem:s31+$0x9610] =	vst @!p1 v2  }
0x1a8: {  	v2 =	vld @!p1 [tilespmem:s0+$0x4210];
	_ =	sdelay $0x4  }
0x1a9: {  	s0 =	sshll.u32 @!p0 s30, $0x7;
	s30 =	spop (v2sf);
	[tilespmem:s31+$0x9620] =	vst @!p1 v2  }
0x1aa: {  	p1 =	sgt.s32 s30, $0x4E1F;
	v2 =	vld @!p0 [tilespmem:s0+$0x200]  }
0x1ab: {  	v3 =	vld @!p0 [tilespmem:s0+$0x210];
	p3 =	sgt.u32 @p1 s30, $0x30D3F  }
0x1ac: {  	v4 =	vld @!p0 [tilespmem:s0+$0x220];
	p2 =	por !p3, !p1  }
0x1ad: {  	v5 =	vld @!p0 [tilespmem:s0+$0x230];
	v6 =	vlaneseq.u32 @!p2  }
0x1ae: {  	v7 =	vld @!p0 [tilespmem:s0+$0x240];
	s30 =	sor.u32 $0xE, s29;
	v8 =	vshrl.u32 @!p2 v6, $0x3  }
0x1af: {  	v9 =	vmov @!p2 s30;
	v8 =	vmul.u32 @!p2 $0x8, v8;
	[tilespmem:s0+$0x5610] =	vst @!p0 v2;
	v2 =	vld @!p0 [tilespmem:s0+$0x250]  }
0x1b0: {  	v9 =	vshll.u32 @!p2 v9, $0x3;
	[tilespmem:s0+$0x5620] =	vst @!p0 v3;
	v3 =	vld @!p0 [tilespmem:s0+$0x260]  }
0x1b1: {  	v6 =	vand.u32 @!p2 $0x7, v6;
	[tilespmem:s0+$0x5630] =	vst @!p0 v4;
	v4 =	vor.u32 @!p2 v8, v9;
	v8 =	vld @!p0 [tilespmem:s0+$0x270]  }
0x1b2: {  	[tilespmem:s0+$0x5640] =	vst @!p0 v5;
	v4 =	vor.u32 @!p2 v6, v4  }
0x1b3: {  	[tilespmem:s0+$0x5650] =	vst @!p0 v7  }
0x1b4: {  	[tilespmem:s0+$0x5660] =	vst @!p0 v2  }
0x1b5: {  	[tilespmem:s0+$0x5670] =	vst @!p0 v3  }
0x1b6: {  	[tilespmem:s0+$0x5680] =	vst @!p0 v8;
	s0 =	simm.s32 @!p2 $0x5200  }
0x1b7: {  	v2 =	vld.idx.msk @!p2 [tilespmem:v4+s0+$0x0], $0xffff;
	_ =	sdelay $0x2  }
0x1b8: {  	(v2sf) =	vpush v1, $0xF;
	s0 =	smul.u32 @!p2 $0xC0, s30  }
0x1b9: {  	vm0 =	vmmov @!p2 $0xff;
	p0 =	por p3, !p1  }
0x1ba: {  	s31 =	sshll.u32 @!p0 s30, $0x5;
	s0 =	sshra.s32 @!p2 s0, $0x2;
	v1 =	vnsel @!p2 vm0, $0x0, v2  }
0x1bb: {  	[tilespmem:s0+$0x9630] =	vst @!p2 v1;
	s0 =	sand.u32 @!p0 $0x3FFFFFE0, s31  }
0x1bc: {  	v1 =	vld @!p0 [tilespmem:s0+$0x4200];
	_ =	sdelay $0x1  }
0x1bd: {  	s31 =	smul.u32 @!p0 $0xC0, s30;
	_ =	sdelay $0x1  }
0x1be: {  	s31 =	sshra.s32 @!p0 s31, $0x2  }
0x1bf: {  	[tilespmem:s31+$0x9610] =	vst @!p0 v1  }
0x1c0: {  	v1 =	vld @!p0 [tilespmem:s0+$0x4210];
	_ =	sdelay $0x4  }
0x1c1: {  	s0 =	sshll.u32 @!p1 s30, $0x7;
	s30 =	spop (v2sf);
	[tilespmem:s31+$0x9620] =	vst @!p0 v1  }
0x1c2: {  	p0 =	sgt.s32 s30, $0x4E1F;
	v1 =	vld @!p1 [tilespmem:s0+$0x200]  }
0x1c3: {  	v2 =	vld @!p1 [tilespmem:s0+$0x210];
	p3 =	sgt.u32 @p0 s30, $0x30D3F  }
0x1c4: {  	v3 =	vld @!p1 [tilespmem:s0+$0x220];
	p2 =	por !p3, !p0  }
0x1c5: {  	v4 =	vld @!p1 [tilespmem:s0+$0x230];
	v5 =	vlaneseq.u32 @!p2  }
0x1c6: {  	s29 =	sor.u32 $0xF, s29;
	v6 =	vld @!p1 [tilespmem:s0+$0x240];
	v7 =	vshrl.u32 @!p2 v5, $0x3  }
0x1c7: {  	v8 =	vmov @!p2 s29;
	v7 =	vmul.u32 @!p2 $0x8, v7;
	[tilespmem:s0+$0x5610] =	vst @!p1 v1;
	v1 =	vld @!p1 [tilespmem:s0+$0x250]  }
0x1c8: {  	v8 =	vshll.u32 @!p2 v8, $0x3;
	[tilespmem:s0+$0x5620] =	vst @!p1 v2;
	v2 =	vld @!p1 [tilespmem:s0+$0x260]  }
0x1c9: {  	v5 =	vand.u32 @!p2 $0x7, v5;
	[tilespmem:s0+$0x5630] =	vst @!p1 v3;
	v3 =	vadd.s32 @!p2 v7, v8;
	v7 =	vld @!p1 [tilespmem:s0+$0x270]  }
0x1ca: {  	[tilespmem:s0+$0x5640] =	vst @!p1 v4;
	v3 =	vor.u32 @!p2 v5, v3  }
0x1cb: {  	[tilespmem:s0+$0x5650] =	vst @!p1 v6  }
0x1cc: {  	[tilespmem:s0+$0x5660] =	vst @!p1 v1  }
0x1cd: {  	[tilespmem:s0+$0x5670] =	vst @!p1 v2  }
0x1ce: {  	[tilespmem:s0+$0x5680] =	vst @!p1 v7;
	s0 =	simm.s32 @!p2 $0x5200  }
0x1cf: {  	v1 =	vld.idx.msk @!p2 [tilespmem:v3+s0+$0x0], $0xffff;
	_ =	sdelay $0x2  }
0x1d0: {  	s0 =	smul.u32 @!p2 $0xC0, s29  }
0x1d1: {  	vm0 =	vmmov @!p2 $0xff;
	p1 =	por p3, !p0  }
0x1d2: {  	s30 =	sshll.u32 @!p1 s29, $0x5;
	s0 =	sshra.s32 @!p2 s0, $0x2;
	v1 =	vnsel @!p2 vm0, $0x0, v1  }
0x1d3: {  	[tilespmem:s0+$0x9630] =	vst @!p2 v1;
	s0 =	sand.u32 @!p1 $0x3FFFFFE0, s30  }
0x1d4: {  	v1 =	vld @!p1 [tilespmem:s0+$0x4200];
	_ =	sdelay $0x1  }
0x1d5: {  	s30 =	smul.u32 @!p1 $0xC0, s29;
	_ =	sdelay $0x1  }
0x1d6: {  	s30 =	sshra.s32 @!p1 s30, $0x2  }
0x1d7: {  	[tilespmem:s30+$0x9610] =	vst @!p1 v1  }
0x1d8: {  	v1 =	vld @!p1 [tilespmem:s0+$0x4210];
	_ =	sdelay $0x4  }
0x1d9: {  	s0 =	sshll.u32 @!p0 s29, $0x7;
	[tilespmem:s30+$0x9620] =	vst @!p1 v1  }
0x1da: {  	v1 =	vld @!p0 [tilespmem:s0+$0x200]  }
0x1db: {  	v2 =	vld @!p0 [tilespmem:s0+$0x210]  }
0x1dc: {  	v3 =	vld @!p0 [tilespmem:s0+$0x220]  }
0x1dd: {  	v4 =	vld @!p0 [tilespmem:s0+$0x230]  }
0x1de: {  	v5 =	vld @!p0 [tilespmem:s0+$0x240]  }
0x1df: {  	[tilespmem:s0+$0x5610] =	vst @!p0 v1;
	v1 =	vld @!p0 [tilespmem:s0+$0x250]  }
0x1e0: {  	s28 =	sadd.s32 $0x1, s28;
	[tilespmem:s0+$0x5620] =	vst @!p0 v2;
	v2 =	vld @!p0 [tilespmem:s0+$0x260]  }
0x1e1: {  	p1 =	sne.s32 s28, $0x8;
	[tilespmem:s0+$0x5630] =	vst @!p0 v3;
	v3 =	vld @!p0 [tilespmem:s0+$0x270]  }
.Ltmp1:
0x1e2: {  	[tilespmem:s0+$0x5640] =	vst @!p0 v4;
	(pc) =	sbr.rel @p1 .LBB2_5-.Ltmp1, $4  }
0x1e3: {  	[tilespmem:s0+$0x5650] =	vst @!p0 v5  }
0x1e4: {  	[tilespmem:s0+$0x5660] =	vst @!p0 v1  }
0x1e5: {  	[tilespmem:s0+$0x5670] =	vst @!p0 v2  }
0x1e6: {  	[tilespmem:s0+$0x5680] =	vst @!p0 v3  }
0x1e7: {  	s0 =	sshll.u32 s26, $0x4  }
0x1e8: {  	s26 =	sadd.s32 s1, s0  }
0x1e9: {  	[hbm4b:s26+s2] =	stream.linear.scatter [tilespmem:s21], [sflag:$0x4], $0x4000, $0x38;
	[tilespmem:$0xAE10] =	vst v63  }
0x1ea: {  	s25 =	sadd.s32 $0x1, s25;
	_ =	swait.ge [sflag:s11], $0x4000  }
0x1eb: {  	p0 =	sne.s32 s25, $0x32;
	[sflag:s11] =	ssyncset.done $0x0  }
.Ltmp2:
0x1ec: {  	s0 =	sadd.s32 s8, s0;
	[sflag:s11] =	ssyncadd.s32 $0xFFFFC000;
	(pc) =	sbr.rel @p0 .LBB2_2-.Ltmp2, $4  }
0x1ed: {  	[hbm4b:s0+s22] =	stream.strided.scatter [tilespmem:s23], [sflag:$0x4], $0x1800, s12, s22, $0x38;
	[tilespmem:$0xAE10] =	vst v63  }
0x1ee: {  	_ =	swait.ge [sflag:s11], $0x1800  }
0x1ef: {  	[sflag:s11] =	ssyncset.done $0x0  }
0x1f0: {  	[sflag:s11] =	ssyncadd.s32 $0xFFFFE800  }
0x1f1: {  	s24 =	sadd.s32 $0x1, s24  }
0x1f2: {  	p0 =	sne.s32 s24, s10  }
.Ltmp3:
0x1f3: {  	_ = 	snop;
	(pc) =	sbr.rel @p0 .LBB2_1-.Ltmp3, $1  }
0x1f4: {  	_ =	sdelay $0x3  }
0x1f5: {  	_ =	sfence.sel $0x180000  }
0x1f6: {  	[bflag:$0x0] =	sbarrier.arrive $0xFFFF  }
0x1f7: {  	_ =	strace $0x90000047  }
0x1f8: {  	[bflag:$0x2] =	sbarrier.arrive $0xFFFF  }
0x1f9: {  	p0 =	sne.s32 s3, $0x0;
	s0 =	rddreg [dreg:$0x2]  }
0x1fa: {  	s0 =	sadd.s32 @!p0 $0x100000, s0  }
0x1fb: {  	[sflag:s0] =	ssyncadd.tile.s32 @!p0 $0x1;
	_ =	shalt  }
.Lfunc_end2:
_tile_overlayer_lowered:
.L_overlay_start_2:
0x1fc: {  	(tag) =	ssettag $0x2  }
0x1fd: {  	s0 =	rddreg [dreg:$0x0];
	s2 =	stileid.u32  }
0x1fe: {  	s1 =	rddreg [dreg:$0x1];
	p0 =	sne.s32 s2, $0x0  }
0x1ff: {  	s3 =	rddreg [dreg:$0x2];
	[bflag:$0x3] =	sbarrier.arrive $0xFFFF;
	s2 =	simm.s32 @!p0 $0x1C04  }
0x200: {  	[timem:s3], [sflag:s2] =	dma.local @!p0 [hbm:s0], s1  }
0x201: {  	s0 =	simm.s32 @!p0 $0x4  }
0x202: {  	_ =	swait.ge @!p0 [sflag:s0], s1  }
0x203: {  	s1 =	ssub.s32 @!p0 $0x0, s1;
	[sflag:s0] =	ssyncset.done @!p0 $0x0  }
0x204: {  	[sflag:s0] =	ssyncadd.s32 @!p0 s1  }
0x205: {  	[bflag:$0x3] =	sbarrier.arrive $0xFFFF  }
0x206: {  	_ =	shalt  }

</sc_bundles>
